<compile_context>
chip_gen: v7x
topology: tpu7x:2x2x1
jax: 0.10.2.dev20260603
libtpu: 0.0.44.dev20260713+nightly
codegen_flags: <defaults>
</compile_context>

<pallas_src>
import functools

import jax
import jax.numpy as jnp
from jax import lax
from jax.experimental import pallas as pl
from jax.experimental.pallas import tpu as pltpu
from jax.experimental.pallas import tpu_sc as plsc

_N = 10000
_E = 320000
_D = 128

_NSC = 2
_NSUB = 16
_G = 125
_EPT = _E // (_NSC * _NSUB)
_NG = _EPT // _G
_NPAD = 10240
_RPT = _NPAD // _NSUB
_RCH = 128
_NRC = _RPT // _RCH
_CG = 8
_NC = _NG // _CG


def _sc_agg_body(with_deg, *refs):
    if with_deg:
        (x_hbm, src_hbm, dst_hbm, zeros_hbm, agg_out, deg_out,
         agg_sh, deg_sh, src_v, dst_v, rows_v, ones_v, zbuf16,
         sem, sem2, ssem, ssem2) = refs
    else:
        (x_hbm, src_hbm, dst_hbm, zeros_hbm, agg_out,
         agg_sh, src_v, dst_v, rows_v, sem, sem2, ssem, ssem2) = refs

    cid = lax.axis_index("c")
    sid = lax.axis_index("s")

    for k in range(_NRC):
        r0 = sid * _RPT + k * _RCH
        pltpu.sync_copy(zeros_hbm, agg_sh.at[pl.ds(r0, _RCH)])

    if with_deg:
        def fill_row(i, _):
            ones_v[i, pl.ds(0, 16)] = jnp.ones((16,), jnp.float32)
            zbuf16[i, pl.ds(0, 16)] = jnp.zeros((16,), jnp.float32)
            return 0
        lax.fori_loop(0, _G, fill_row, 0)

        def zero_row(i, _):
            zbuf16[i, pl.ds(0, 16)] = jnp.zeros((16,), jnp.float32)
            return 0
        lax.fori_loop(_G, _RCH, zero_row, 0)

        for k in range(_NRC):
            r0 = sid * _RPT + k * _RCH
            pltpu.sync_copy(zbuf16, deg_sh.at[pl.ds(r0, _RCH)])

    plsc.subcore_barrier()

    row_base = cid * (_NSUB * _NG) + sid * _NG
    bufs = (rows_v.at[pl.ds(0, _G)], rows_v.at[pl.ds(_RCH, _G)])
    sems = (sem, sem2)
    ssems = (ssem, ssem2)

    def idx_chunk(c, _):
        pltpu.sync_copy(src_hbm.at[pl.ds(row_base + c * _CG, _CG)], src_v)
        pltpu.sync_copy(dst_hbm.at[pl.ds(row_base + c * _CG, _CG)], dst_v)

        pltpu.async_copy(x_hbm.at[src_v.at[0]], bufs[0], sems[0])
        scat = [None, None]
        for g in range(_CG):
            if g + 1 < _CG:
                if scat[(g + 1) % 2] is not None:
                    scat[(g + 1) % 2].wait()
                    scat[(g + 1) % 2] = None
                pltpu.async_copy(x_hbm.at[src_v.at[g + 1]],
                                 bufs[(g + 1) % 2], sems[(g + 1) % 2])
            pltpu.make_async_copy(x_hbm.at[src_v.at[g]], bufs[g % 2],
                                  sems[g % 2]).wait()
            scat[g % 2] = pltpu.async_copy(bufs[g % 2],
                                           agg_sh.at[dst_v.at[g]],
                                           ssems[g % 2], add=True)
            if with_deg:
                pltpu.sync_copy(ones_v, deg_sh.at[dst_v.at[g]], add=True)
        for d in scat:
            if d is not None:
                d.wait()
        return 0
    lax.fori_loop(0, _NC, idx_chunk, 0)

    plsc.subcore_barrier()

    for k in range(_NRC):
        r0 = sid * _RPT + k * _RCH
        pltpu.sync_copy(agg_sh.at[pl.ds(r0, _RCH)],
                        agg_out.at[cid, pl.ds(r0, _RCH)])
        if with_deg:
            pltpu.sync_copy(deg_sh.at[pl.ds(r0, _RCH)],
                            deg_out.at[cid, pl.ds(r0, _RCH)])


def _make_sc_agg(with_deg):
    out_type = [jax.ShapeDtypeStruct((_NSC, _NPAD, _D), jnp.float32)]
    scratch = [pltpu.VMEM_SHARED((_NPAD, _D), jnp.float32)]
    if with_deg:
        out_type.append(jax.ShapeDtypeStruct((_NSC, _NPAD, 16), jnp.float32))
        scratch.append(pltpu.VMEM_SHARED((_NPAD, 16), jnp.float32))
    scratch += [
        pltpu.VMEM((_CG, _G), jnp.int32),
        pltpu.VMEM((_CG, _G), jnp.int32),
        pltpu.VMEM((2 * _RCH, _D), jnp.float32),
    ]
    if with_deg:
        scratch.append(pltpu.VMEM((_G, 16), jnp.float32))
        scratch.append(pltpu.VMEM((_RCH, 16), jnp.float32))
    scratch.append(pltpu.SemaphoreType.DMA)
    scratch.append(pltpu.SemaphoreType.DMA)
    scratch.append(pltpu.SemaphoreType.DMA)
    scratch.append(pltpu.SemaphoreType.DMA)
    return pl.kernel(
        functools.partial(_sc_agg_body, with_deg),
        out_type=out_type,
        mesh=plsc.VectorSubcoreMesh(core_axis_name="c", subcore_axis_name="s"),
        scratch_types=scratch,
        compiler_params=pltpu.CompilerParams(use_tc_tiling_on_sc=False),
    )


_sc_agg_deg = _make_sc_agg(True)
_sc_agg = _make_sc_agg(False)


def _dot3(a, b):
    ah = a.astype(jnp.bfloat16)
    al = (a - ah.astype(jnp.float32)).astype(jnp.bfloat16)
    bh = b.astype(jnp.bfloat16)
    bl = (b - bh.astype(jnp.float32)).astype(jnp.bfloat16)

    def d(u, v):
        return jax.lax.dot_general(
            u, v, (((1,), (0,)), ((), ())),
            preferred_element_type=jnp.float32)
    return d(ah, bh) + d(ah, bl) + d(al, bh)


def _tc_layer_body(x_ref, agg_ref, deg_ref, ws_ref, wn_ref, b_ref, out_ref):
    agg = agg_ref[0] + agg_ref[1]
    deg = deg_ref[0, :, 0:1] + deg_ref[1, :, 0:1]
    mean = agg / jnp.maximum(deg, 1.0)
    h = _dot3(x_ref[...], ws_ref[...]) + _dot3(mean, wn_ref[...]) + b_ref[...]
    out_ref[...] = jnp.maximum(h, 0.0)


_BLK = 1000
_NBLK = _N // _BLK


def _tc_layer(x, agg, deg, W_self, W_neigh, b):
    return pl.pallas_call(
        _tc_layer_body,
        grid=(_NBLK,),
        in_specs=[
            pl.BlockSpec((_BLK, _D), lambda i: (i, 0)),
            pl.BlockSpec((_NSC, _BLK, _D), lambda i: (0, i, 0)),
            pl.BlockSpec((_NSC, _BLK, 16), lambda i: (0, i, 0)),
            pl.BlockSpec((_D, _D), lambda i: (0, 0)),
            pl.BlockSpec((_D, _D), lambda i: (0, 0)),
            pl.BlockSpec((1, _D), lambda i: (0, 0)),
        ],
        out_specs=pl.BlockSpec((_BLK, _D), lambda i: (i, 0)),
        out_shape=jax.ShapeDtypeStruct((_N, _D), jnp.float32),
    )(x, agg, deg, W_self, W_neigh, b)


def _tc_final_body(h1_ref, agg_ref, deg_ref, ws_ref, wn_ref, b_ref,
                   waw_ref, baw_ref, wp1_ref, bp1_ref, wp2_ref, bp2_ref,
                   out_ref, sum_acc, max_acc):
    i = pl.program_id(0)
    agg = agg_ref[0] + agg_ref[1]
    deg = deg_ref[0, :, 0:1] + deg_ref[1, :, 0:1]
    mean = agg / jnp.maximum(deg, 1.0)
    h = (_dot3(h1_ref[...], ws_ref[...]) + _dot3(mean, wn_ref[...])
         + b_ref[...])
    h = jnp.maximum(h, 0.0)
    aw = jax.nn.sigmoid(
        jnp.dot(h, waw_ref[...], precision=lax.Precision.HIGHEST,
                preferred_element_type=jnp.float32)
        + baw_ref[...])
    ws = jnp.sum(aw * h, axis=0, keepdims=True)
    mx = jnp.max(h, axis=0, keepdims=True)

    @pl.when(i == 0)
    def _():
        sum_acc[...] = ws
        max_acc[...] = mx

    @pl.when(i > 0)
    def _():
        sum_acc[...] = sum_acc[...] + ws
        max_acc[...] = jnp.maximum(max_acc[...], mx)

    @pl.when(i == _NBLK - 1)
    def _():
        g = jnp.concatenate([sum_acc[...], max_acc[...]], axis=1)
        p = (jnp.dot(g, wp1_ref[...], precision=lax.Precision.HIGHEST,
                 preferred_element_type=jnp.float32)
             + bp1_ref[...])
        out_ref[...] = (jnp.dot(p, wp2_ref[...], precision=lax.Precision.HIGHEST,
                                preferred_element_type=jnp.float32)
                        + bp2_ref[...])


def _tc_final(h1, agg, deg, W_self, W_neigh, b, w_aw, b_aw, W_p1, b_p1,
              W_p2, b_p2):
    return pl.pallas_call(
        _tc_final_body,
        grid=(_NBLK,),
        in_specs=[
            pl.BlockSpec((_BLK, _D), lambda i: (i, 0)),
            pl.BlockSpec((_NSC, _BLK, _D), lambda i: (0, i, 0)),
            pl.BlockSpec((_NSC, _BLK, 16), lambda i: (0, i, 0)),
            pl.BlockSpec((_D, _D), lambda i: (0, 0)),
            pl.BlockSpec((_D, _D), lambda i: (0, 0)),
            pl.BlockSpec((1, _D), lambda i: (0, 0)),
            pl.BlockSpec((_D, 1), lambda i: (0, 0)),
            pl.BlockSpec((1, 1), lambda i: (0, 0)),
            pl.BlockSpec((2 * _D, 64), lambda i: (0, 0)),
            pl.BlockSpec((1, 64), lambda i: (0, 0)),
            pl.BlockSpec((64, 1), lambda i: (0, 0)),
            pl.BlockSpec((1, 1), lambda i: (0, 0)),
        ],
        out_specs=pl.BlockSpec((1, 1), lambda i: (0, 0)),
        out_shape=jax.ShapeDtypeStruct((1, 1), jnp.float32),
        scratch_shapes=[
            pltpu.VMEM((1, _D), jnp.float32),
            pltpu.VMEM((1, _D), jnp.float32),
        ],
    )(h1, agg, deg, W_self, W_neigh, b, w_aw, b_aw, W_p1, b_p1, W_p2, b_p2)


def kernel(node_feats, edge_index, W_self1, W_neigh1, b1, W_self2, W_neigh2,
           b2, w_aw, b_aw, W_p1, b_p1, W_p2, b_p2):
    src = edge_index[0].reshape(_E // _G, _G)
    dst = edge_index[1].reshape(_E // _G, _G)

    zeros128 = jnp.zeros((_RCH, _D), jnp.float32)

    agg1, deg = _sc_agg_deg(node_feats, src, dst, zeros128)
    h1 = _tc_layer(node_feats, agg1, deg, W_self1, W_neigh1,
                   b1.reshape(1, _D))
    (agg2,) = _sc_agg(h1, src, dst, zeros128)
    out = _tc_final(h1, agg2, deg, W_self2, W_neigh2, b2.reshape(1, _D),
                    w_aw, b_aw.reshape(1, 1), W_p1, b_p1.reshape(1, 64),
                    W_p2, b_p2.reshape(1, 1))
    return out

# --- scband reference (transcript-rebuilt; emitter-appended) ---
"""Pipeline reference for scband-graph-sagepredictor-21500606284208 (READ-ONLY COPY).

The authoritative reference and input builder live on the scoring server;
editing this copy changes nothing except your own understanding.
"""

import jax, jax.numpy as jnp
import numpy as np

N = 10000
E = 320000
D = 128
H1 = 128
H2 = 128
NT = 1


def setup_inputs(seed: int = 0) -> dict:
    key = jax.random.key(seed)
    ks = jax.random.split(key, 16)
    node_feats = jax.random.normal(ks[0], (N, D), dtype=jnp.float32)
    edge_index = jax.random.randint(ks[1], (2, E), 0, N, dtype=jnp.int32)
    s = 1.0 / np.sqrt(D)
    W_self1 = jax.random.uniform(ks[2], (D, H1), jnp.float32, -s, s)
    W_neigh1 = jax.random.uniform(ks[3], (D, H1), jnp.float32, -s, s)
    b1 = jnp.zeros((H1,), jnp.float32)
    s1 = 1.0 / np.sqrt(H1)
    W_self2 = jax.random.uniform(ks[4], (H1, H2), jnp.float32, -s1, s1)
    W_neigh2 = jax.random.uniform(ks[5], (H1, H2), jnp.float32, -s1, s1)
    b2 = jnp.zeros((H2,), jnp.float32)
    s2 = 1.0 / np.sqrt(H2)
    w_aw = jax.random.uniform(ks[6], (H2, 1), jnp.float32, -s2, s2)
    b_aw = jnp.zeros((1,), jnp.float32)
    sp = 1.0 / np.sqrt(2 * H2)
    W_p1 = jax.random.uniform(ks[7], (2 * H2, 64), jnp.float32, -sp, sp)
    b_p1 = jnp.zeros((64,), jnp.float32)
    sq = 1.0 / np.sqrt(64)
    W_p2 = jax.random.uniform(ks[8], (64, NT), jnp.float32, -sq, sq)
    b_p2 = jnp.zeros((NT,), jnp.float32)
    return {
        "node_feats": node_feats,
        "edge_index": edge_index,
        "W_self1": W_self1, "W_neigh1": W_neigh1, "b1": b1,
        "W_self2": W_self2, "W_neigh2": W_neigh2, "b2": b2,
        "w_aw": w_aw, "b_aw": b_aw,
        "W_p1": W_p1, "b_p1": b_p1,
        "W_p2": W_p2, "b_p2": b_p2,
    }


def _sage_mean_layer(x, src, dst, W_self, W_neigh, b):
    # mean aggregation of neighbor messages onto dst nodes (DGL SAGEConv 'mean')
    msg = jnp.take(x, src, axis=0)
    agg = jax.ops.segment_sum(msg, dst, num_segments=N)
    deg = jax.ops.segment_sum(jnp.ones((E,), jnp.float32), dst, num_segments=N)
    mean_nb = agg / jnp.clip(deg, 1.0, None)[:, None]
    return x @ W_self + mean_nb @ W_neigh + b


def reference(node_feats, edge_index, W_self1, W_neigh1, b1, W_self2, W_neigh2, b2,
              w_aw, b_aw, W_p1, b_p1, W_p2, b_p2):
    src = edge_index[0]
    dst = edge_index[1]
    # GraphSAGE gnn: two SAGEConv layers with ReLU (default activation)
    h = jax.nn.relu(_sage_mean_layer(node_feats, src, dst, W_self1, W_neigh1, b1))
    h = jax.nn.relu(_sage_mean_layer(h, src, dst, W_self2, W_neigh2, b2))
    # WeightedSumAndMax readout (single graph in batch)
    atom_w = jax.nn.sigmoid(h @ w_aw + b_aw)  # [N, 1]
    h_sum = jnp.sum(atom_w * h, axis=0)       # [H2]
    h_max = jnp.max(h, axis=0)                # [H2]
    g_feats = jnp.concatenate([h_sum, h_max])[None, :]  # [1, 2*H2]
    # predict MLP: Linear(2*H2, 64) -> Linear(64, n_tasks)
    out = (g_feats @ W_p1 + b_p1) @ W_p2 + b_p2
    return out

if __name__ == "__main__":
    import jax
    _d = setup_inputs()
    print(jax.jit(kernel)(*tuple(_d.values())))

</pallas_src>

<mosaic_0001>
#map = affine_map<(d0, d1) -> (0, 0)>
#map1 = affine_map<(d0, d1) -> (0, 0, 0)>
module attributes {stable_mosaic.version = 14 : i64} {
  func.func @_sc_agg_body(%arg0: i32, %arg1: i32, %arg2: memref<10000x128xf32, #tpu.memory_space<hbm>>, %arg3: memref<2560x125xi32, #tpu.memory_space<hbm>>, %arg4: memref<2560x125xi32, #tpu.memory_space<hbm>>, %arg5: memref<128x128xf32, #tpu.memory_space<hbm>>, %arg6: memref<2x10240x128xf32, #tpu.memory_space<hbm>>, %arg7: memref<2x10240x16xf32, #tpu.memory_space<hbm>>, %arg8: memref<10240x128xf32, #tpu.memory_space<vmem_shared>>, %arg9: memref<10240x16xf32, #tpu.memory_space<vmem_shared>>, %arg10: memref<8x125xi32, #tpu.memory_space<vmem>>, %arg11: memref<8x125xi32, #tpu.memory_space<vmem>>, %arg12: memref<256x128xf32, #tpu.memory_space<vmem>>, %arg13: memref<125x16xf32, #tpu.memory_space<vmem>>, %arg14: memref<128x16xf32, #tpu.memory_space<vmem>>, %arg15: memref<!tpu.dma_semaphore, #tpu.memory_space<semaphore_mem>>, %arg16: memref<!tpu.dma_semaphore, #tpu.memory_space<semaphore_mem>>, %arg17: memref<!tpu.dma_semaphore, #tpu.memory_space<semaphore_mem>>, %arg18: memref<!tpu.dma_semaphore, #tpu.memory_space<semaphore_mem>>) attributes {dimension_semantics = [#tpu.dimension_semantics<core_parallel>, #tpu.dimension_semantics<subcore_parallel>], iteration_bounds = array<i64: 2, 16>, scalar_prefetch = 0 : i64, scratch_operands = 11 : i64, tpu.core_type = #tpu.core_type<sc_vector_subcore>, window_params = [{transform_indices = #map}, {transform_indices = #map}, {transform_indices = #map}, {transform_indices = #map}, {transform_indices = #map1}, {transform_indices = #map1}]} {
    %mul3A = arith.constant 640 : i32
    %mul3A_0 = arith.muli %arg1, %mul3A : i32
    %add3A = arith.constant 0 : i32
    %add3A_1 = arith.addi %mul3A_0, %add3A : i32
    "tpu.region"() ({
      %run_scoped3A = tpu.sem_alloc : memref<!tpu.dma_semaphore, #tpu.memory_space<semaphore_mem>>
      %dma_start3A = arith.constant 0 : i32
      %dma_start3A_84 = tpu.memref_slice %arg8[%add3A_1, %dma_start3A] : memref<10240x128xf32, #tpu.memory_space<vmem_shared>> -> memref<128x128xf32, #tpu.memory_space<vmem_shared>>
      tpu.enqueue_dma source(%arg5 : memref<128x128xf32, #tpu.memory_space<hbm>>) target(%dma_start3A_84 : memref<128x128xf32, #tpu.memory_space<vmem_shared>>) target_semaphore(%run_scoped3A : memref<!tpu.dma_semaphore, #tpu.memory_space<semaphore_mem>>)
      %dma_wait3A = arith.constant 0 : i32
      %dma_wait3A_85 = tpu.memref_slice %arg8[%add3A_1, %dma_wait3A] : memref<10240x128xf32, #tpu.memory_space<vmem_shared>> -> memref<128x128xf32, #tpu.memory_space<vmem_shared>>
      tpu.wait_dma2 semaphore(%run_scoped3A : memref<!tpu.dma_semaphore, #tpu.memory_space<semaphore_mem>>) src(%arg5 : memref<128x128xf32, #tpu.memory_space<hbm>>) dst(%dma_wait3A_85 : memref<128x128xf32, #tpu.memory_space<vmem_shared>>)
      tpu.yield
    }) : () -> ()
    %mul3A_2 = arith.constant 640 : i32
    %mul3A_3 = arith.muli %arg1, %mul3A_2 : i32
    %add3A_4 = arith.constant 128 : i32
    %add3A_5 = arith.addi %mul3A_3, %add3A_4 : i32
    "tpu.region"() ({
      %run_scoped3A = tpu.sem_alloc : memref<!tpu.dma_semaphore, #tpu.memory_space<semaphore_mem>>
      %dma_start3A = arith.constant 0 : i32
      %dma_start3A_84 = tpu.memref_slice %arg8[%add3A_5, %dma_start3A] : memref<10240x128xf32, #tpu.memory_space<vmem_shared>> -> memref<128x128xf32, #tpu.memory_space<vmem_shared>>
      tpu.enqueue_dma source(%arg5 : memref<128x128xf32, #tpu.memory_space<hbm>>) target(%dma_start3A_84 : memref<128x128xf32, #tpu.memory_space<vmem_shared>>) target_semaphore(%run_scoped3A : memref<!tpu.dma_semaphore, #tpu.memory_space<semaphore_mem>>)
      %dma_wait3A = arith.constant 0 : i32
      %dma_wait3A_85 = tpu.memref_slice %arg8[%add3A_5, %dma_wait3A] : memref<10240x128xf32, #tpu.memory_space<vmem_shared>> -> memref<128x128xf32, #tpu.memory_space<vmem_shared>>
      tpu.wait_dma2 semaphore(%run_scoped3A : memref<!tpu.dma_semaphore, #tpu.memory_space<semaphore_mem>>) src(%arg5 : memref<128x128xf32, #tpu.memory_space<hbm>>) dst(%dma_wait3A_85 : memref<128x128xf32, #tpu.memory_space<vmem_shared>>)
      tpu.yield
    }) : () -> ()
    %mul3A_6 = arith.constant 640 : i32
    %mul3A_7 = arith.muli %arg1, %mul3A_6 : i32
    %add3A_8 = arith.constant 256 : i32
    %add3A_9 = arith.addi %mul3A_7, %add3A_8 : i32
    "tpu.region"() ({
      %run_scoped3A = tpu.sem_alloc : memref<!tpu.dma_semaphore, #tpu.memory_space<semaphore_mem>>
      %dma_start3A = arith.constant 0 : i32
      %dma_start3A_84 = tpu.memref_slice %arg8[%add3A_9, %dma_start3A] : memref<10240x128xf32, #tpu.memory_space<vmem_shared>> -> memref<128x128xf32, #tpu.memory_space<vmem_shared>>
      tpu.enqueue_dma source(%arg5 : memref<128x128xf32, #tpu.memory_space<hbm>>) target(%dma_start3A_84 : memref<128x128xf32, #tpu.memory_space<vmem_shared>>) target_semaphore(%run_scoped3A : memref<!tpu.dma_semaphore, #tpu.memory_space<semaphore_mem>>)
      %dma_wait3A = arith.constant 0 : i32
      %dma_wait3A_85 = tpu.memref_slice %arg8[%add3A_9, %dma_wait3A] : memref<10240x128xf32, #tpu.memory_space<vmem_shared>> -> memref<128x128xf32, #tpu.memory_space<vmem_shared>>
      tpu.wait_dma2 semaphore(%run_scoped3A : memref<!tpu.dma_semaphore, #tpu.memory_space<semaphore_mem>>) src(%arg5 : memref<128x128xf32, #tpu.memory_space<hbm>>) dst(%dma_wait3A_85 : memref<128x128xf32, #tpu.memory_space<vmem_shared>>)
      tpu.yield
    }) : () -> ()
    %mul3A_10 = arith.constant 640 : i32
    %mul3A_11 = arith.muli %arg1, %mul3A_10 : i32
    %add3A_12 = arith.constant 384 : i32
    %add3A_13 = arith.addi %mul3A_11, %add3A_12 : i32
    "tpu.region"() ({
      %run_scoped3A = tpu.sem_alloc : memref<!tpu.dma_semaphore, #tpu.memory_space<semaphore_mem>>
      %dma_start3A = arith.constant 0 : i32
      %dma_start3A_84 = tpu.memref_slice %arg8[%add3A_13, %dma_start3A] : memref<10240x128xf32, #tpu.memory_space<vmem_shared>> -> memref<128x128xf32, #tpu.memory_space<vmem_shared>>
      tpu.enqueue_dma source(%arg5 : memref<128x128xf32, #tpu.memory_space<hbm>>) target(%dma_start3A_84 : memref<128x128xf32, #tpu.memory_space<vmem_shared>>) target_semaphore(%run_scoped3A : memref<!tpu.dma_semaphore, #tpu.memory_space<semaphore_mem>>)
      %dma_wait3A = arith.constant 0 : i32
      %dma_wait3A_85 = tpu.memref_slice %arg8[%add3A_13, %dma_wait3A] : memref<10240x128xf32, #tpu.memory_space<vmem_shared>> -> memref<128x128xf32, #tpu.memory_space<vmem_shared>>
      tpu.wait_dma2 semaphore(%run_scoped3A : memref<!tpu.dma_semaphore, #tpu.memory_space<semaphore_mem>>) src(%arg5 : memref<128x128xf32, #tpu.memory_space<hbm>>) dst(%dma_wait3A_85 : memref<128x128xf32, #tpu.memory_space<vmem_shared>>)
      tpu.yield
    }) : () -> ()
    %mul3A_14 = arith.constant 640 : i32
    %mul3A_15 = arith.muli %arg1, %mul3A_14 : i32
    %add3A_16 = arith.constant 512 : i32
    %add3A_17 = arith.addi %mul3A_15, %add3A_16 : i32
    "tpu.region"() ({
      %run_scoped3A = tpu.sem_alloc : memref<!tpu.dma_semaphore, #tpu.memory_space<semaphore_mem>>
      %dma_start3A = arith.constant 0 : i32
      %dma_start3A_84 = tpu.memref_slice %arg8[%add3A_17, %dma_start3A] : memref<10240x128xf32, #tpu.memory_space<vmem_shared>> -> memref<128x128xf32, #tpu.memory_space<vmem_shared>>
      tpu.enqueue_dma source(%arg5 : memref<128x128xf32, #tpu.memory_space<hbm>>) target(%dma_start3A_84 : memref<128x128xf32, #tpu.memory_space<vmem_shared>>) target_semaphore(%run_scoped3A : memref<!tpu.dma_semaphore, #tpu.memory_space<semaphore_mem>>)
      %dma_wait3A = arith.constant 0 : i32
      %dma_wait3A_85 = tpu.memref_slice %arg8[%add3A_17, %dma_wait3A] : memref<10240x128xf32, #tpu.memory_space<vmem_shared>> -> memref<128x128xf32, #tpu.memory_space<vmem_shared>>
      tpu.wait_dma2 semaphore(%run_scoped3A : memref<!tpu.dma_semaphore, #tpu.memory_space<semaphore_mem>>) src(%arg5 : memref<128x128xf32, #tpu.memory_space<hbm>>) dst(%dma_wait3A_85 : memref<128x128xf32, #tpu.memory_space<vmem_shared>>)
      tpu.yield
    }) : () -> ()
    %scan3A = arith.constant 0 : i32
    %scan3A_18 = arith.constant 0 : i32
    %scan3A_19 = arith.constant 125 : i32
    %scan3A_20 = arith.addi %scan3A_18, %scan3A_19 : i32
    %scan3A_21 = arith.constant 1 : i32
    %scan3A_22 = scf.for %scan3A_84 = %scan3A_18 to %scan3A_20 step %scan3A_21 iter_args(%scan3A_85 = %scan3A) -> (i32)  : i32 {
      %broadcast_in_dim3A = arith.constant 1.000000e+00 : f32
      %broadcast_in_dim3A_86 = vector.broadcast %broadcast_in_dim3A : f32 to vector<16xf32>
      %swap3A = arith.index_cast %scan3A_84 : i32 to index
      %swap3A_87 = arith.constant 0 : index
      %swap3A_88 = tpu.vector_load %arg13[%swap3A, %swap3A_87] {strides = array<i32>} : memref<125x16xf32, #tpu.memory_space<vmem>>, vector<1x16xf32>,
      %swap3A_89 = vector.shape_cast %swap3A_88 : vector<1x16xf32> to vector<16xf32>
      %swap3A_90 = vector.shape_cast %broadcast_in_dim3A_86 : vector<16xf32> to vector<1x16xf32>
      tpu.vector_store %arg13[%swap3A, %swap3A_87], %swap3A_90 {strides = array<i32>} : memref<125x16xf32, #tpu.memory_space<vmem>>, vector<1x16xf32>,
      %broadcast_in_dim3A_91 = arith.constant 0.000000e+00 : f32
      %broadcast_in_dim3A_92 = vector.broadcast %broadcast_in_dim3A_91 : f32 to vector<16xf32>
      %swap3A_93 = arith.index_cast %scan3A_84 : i32 to index
      %swap3A_94 = arith.constant 0 : index
      %swap3A_95 = tpu.vector_load %arg14[%swap3A_93, %swap3A_94] {strides = array<i32>} : memref<128x16xf32, #tpu.memory_space<vmem>>, vector<1x16xf32>,
      %swap3A_96 = vector.shape_cast %swap3A_95 : vector<1x16xf32> to vector<16xf32>
      %swap3A_97 = vector.shape_cast %broadcast_in_dim3A_92 : vector<16xf32> to vector<1x16xf32>
      tpu.vector_store %arg14[%swap3A_93, %swap3A_94], %swap3A_97 {strides = array<i32>} : memref<128x16xf32, #tpu.memory_space<vmem>>, vector<1x16xf32>,
      %scan3A_98 = arith.constant 0 : i32
      scf.yield %scan3A_98 : i32
    }
    %scan3A_23 = arith.constant 125 : i32
    %scan3A_24 = arith.constant 0 : i32
    %scan3A_25 = arith.constant 125 : i32
    %scan3A_26 = arith.constant 3 : i32
    %scan3A_27 = arith.addi %scan3A_25, %scan3A_26 : i32
    %scan3A_28 = arith.constant 1 : i32
    %scan3A_29 = scf.for %scan3A_84 = %scan3A_25 to %scan3A_27 step %scan3A_28 iter_args(%scan3A_85 = %scan3A_24) -> (i32)  : i32 {
      %broadcast_in_dim3A = arith.constant 0.000000e+00 : f32
      %broadcast_in_dim3A_86 = vector.broadcast %broadcast_in_dim3A : f32 to vector<16xf32>
      %swap3A = arith.index_cast %scan3A_84 : i32 to index
      %swap3A_87 = arith.constant 0 : index
      %swap3A_88 = tpu.vector_load %arg14[%swap3A, %swap3A_87] {strides = array<i32>} : memref<128x16xf32, #tpu.memory_space<vmem>>, vector<1x16xf32>,
      %swap3A_89 = vector.shape_cast %swap3A_88 : vector<1x16xf32> to vector<16xf32>
      %swap3A_90 = vector.shape_cast %broadcast_in_dim3A_86 : vector<16xf32> to vector<1x16xf32>
      tpu.vector_store %arg14[%swap3A, %swap3A_87], %swap3A_90 {strides = array<i32>} : memref<128x16xf32, #tpu.memory_space<vmem>>, vector<1x16xf32>,
      %scan3A_91 = arith.constant 0 : i32
      scf.yield %scan3A_91 : i32
    }
    %scan3A_30 = arith.constant 3 : i32
    %mul3A_31 = arith.constant 640 : i32
    %mul3A_32 = arith.muli %arg1, %mul3A_31 : i32
    %add3A_33 = arith.constant 0 : i32
    %add3A_34 = arith.addi %mul3A_32, %add3A_33 : i32
    "tpu.region"() ({
      %run_scoped3A = tpu.sem_alloc : memref<!tpu.dma_semaphore, #tpu.memory_space<semaphore_mem>>
      %dma_start3A = arith.constant 0 : i32
      %dma_start3A_84 = tpu.memref_slice %arg9[%add3A_34, %dma_start3A] : memref<10240x16xf32, #tpu.memory_space<vmem_shared>> -> memref<128x16xf32, #tpu.memory_space<vmem_shared>>
      %dma_start3A_85 = arith.constant 0 : i32
      %dma_start3A_86 = tpu.memref_slice %arg9[%add3A_34, %dma_start3A_85] : memref<10240x16xf32, #tpu.memory_space<vmem_shared>> -> memref<128x16xf32, #tpu.memory_space<vmem_shared>>
      tpu.enqueue_dma source(%arg14 : memref<128x16xf32, #tpu.memory_space<vmem>>) target(%dma_start3A_86 : memref<128x16xf32, #tpu.memory_space<vmem_shared>>) target_semaphore(%run_scoped3A : memref<!tpu.dma_semaphore, #tpu.memory_space<semaphore_mem>>)
      %dma_wait3A = arith.constant 0 : i32
      %dma_wait3A_87 = tpu.memref_slice %arg9[%add3A_34, %dma_wait3A] : memref<10240x16xf32, #tpu.memory_space<vmem_shared>> -> memref<128x16xf32, #tpu.memory_space<vmem_shared>>
      %dma_wait3A_88 = arith.constant 0 : i32
      %dma_wait3A_89 = tpu.memref_slice %arg9[%add3A_34, %dma_wait3A_88] : memref<10240x16xf32, #tpu.memory_space<vmem_shared>> -> memref<128x16xf32, #tpu.memory_space<vmem_shared>>
      tpu.wait_dma2 semaphore(%run_scoped3A : memref<!tpu.dma_semaphore, #tpu.memory_space<semaphore_mem>>) src(%arg14 : memref<128x16xf32, #tpu.memory_space<vmem>>) dst(%dma_wait3A_89 : memref<128x16xf32, #tpu.memory_space<vmem_shared>>)
      tpu.yield
    }) : () -> ()
    %mul3A_35 = arith.constant 640 : i32
    %mul3A_36 = arith.muli %arg1, %mul3A_35 : i32
    %add3A_37 = arith.constant 128 : i32
    %add3A_38 = arith.addi %mul3A_36, %add3A_37 : i32
    "tpu.region"() ({
      %run_scoped3A = tpu.sem_alloc : memref<!tpu.dma_semaphore, #tpu.memory_space<semaphore_mem>>
      %dma_start3A = arith.constant 0 : i32
      %dma_start3A_84 = tpu.memref_slice %arg9[%add3A_38, %dma_start3A] : memref<10240x16xf32, #tpu.memory_space<vmem_shared>> -> memref<128x16xf32, #tpu.memory_space<vmem_shared>>
      %dma_start3A_85 = arith.constant 0 : i32
      %dma_start3A_86 = tpu.memref_slice %arg9[%add3A_38, %dma_start3A_85] : memref<10240x16xf32, #tpu.memory_space<vmem_shared>> -> memref<128x16xf32, #tpu.memory_space<vmem_shared>>
      tpu.enqueue_dma source(%arg14 : memref<128x16xf32, #tpu.memory_space<vmem>>) target(%dma_start3A_86 : memref<128x16xf32, #tpu.memory_space<vmem_shared>>) target_semaphore(%run_scoped3A : memref<!tpu.dma_semaphore, #tpu.memory_space<semaphore_mem>>)
      %dma_wait3A = arith.constant 0 : i32
      %dma_wait3A_87 = tpu.memref_slice %arg9[%add3A_38, %dma_wait3A] : memref<10240x16xf32, #tpu.memory_space<vmem_shared>> -> memref<128x16xf32, #tpu.memory_space<vmem_shared>>
      %dma_wait3A_88 = arith.constant 0 : i32
      %dma_wait3A_89 = tpu.memref_slice %arg9[%add3A_38, %dma_wait3A_88] : memref<10240x16xf32, #tpu.memory_space<vmem_shared>> -> memref<128x16xf32, #tpu.memory_space<vmem_shared>>
      tpu.wait_dma2 semaphore(%run_scoped3A : memref<!tpu.dma_semaphore, #tpu.memory_space<semaphore_mem>>) src(%arg14 : memref<128x16xf32, #tpu.memory_space<vmem>>) dst(%dma_wait3A_89 : memref<128x16xf32, #tpu.memory_space<vmem_shared>>)
      tpu.yield
    }) : () -> ()
    %mul3A_39 = arith.constant 640 : i32
    %mul3A_40 = arith.muli %arg1, %mul3A_39 : i32
    %add3A_41 = arith.constant 256 : i32
    %add3A_42 = arith.addi %mul3A_40, %add3A_41 : i32
    "tpu.region"() ({
      %run_scoped3A = tpu.sem_alloc : memref<!tpu.dma_semaphore, #tpu.memory_space<semaphore_mem>>
      %dma_start3A = arith.constant 0 : i32
      %dma_start3A_84 = tpu.memref_slice %arg9[%add3A_42, %dma_start3A] : memref<10240x16xf32, #tpu.memory_space<vmem_shared>> -> memref<128x16xf32, #tpu.memory_space<vmem_shared>>
      %dma_start3A_85 = arith.constant 0 : i32
      %dma_start3A_86 = tpu.memref_slice %arg9[%add3A_42, %dma_start3A_85] : memref<10240x16xf32, #tpu.memory_space<vmem_shared>> -> memref<128x16xf32, #tpu.memory_space<vmem_shared>>
      tpu.enqueue_dma source(%arg14 : memref<128x16xf32, #tpu.memory_space<vmem>>) target(%dma_start3A_86 : memref<128x16xf32, #tpu.memory_space<vmem_shared>>) target_semaphore(%run_scoped3A : memref<!tpu.dma_semaphore, #tpu.memory_space<semaphore_mem>>)
      %dma_wait3A = arith.constant 0 : i32
      %dma_wait3A_87 = tpu.memref_slice %arg9[%add3A_42, %dma_wait3A] : memref<10240x16xf32, #tpu.memory_space<vmem_shared>> -> memref<128x16xf32, #tpu.memory_space<vmem_shared>>
      %dma_wait3A_88 = arith.constant 0 : i32
      %dma_wait3A_89 = tpu.memref_slice %arg9[%add3A_42, %dma_wait3A_88] : memref<10240x16xf32, #tpu.memory_space<vmem_shared>> -> memref<128x16xf32, #tpu.memory_space<vmem_shared>>
      tpu.wait_dma2 semaphore(%run_scoped3A : memref<!tpu.dma_semaphore, #tpu.memory_space<semaphore_mem>>) src(%arg14 : memref<128x16xf32, #tpu.memory_space<vmem>>) dst(%dma_wait3A_89 : memref<128x16xf32, #tpu.memory_space<vmem_shared>>)
      tpu.yield
    }) : () -> ()
    %mul3A_43 = arith.constant 640 : i32
    %mul3A_44 = arith.muli %arg1, %mul3A_43 : i32
    %add3A_45 = arith.constant 384 : i32
    %add3A_46 = arith.addi %mul3A_44, %add3A_45 : i32
    "tpu.region"() ({
      %run_scoped3A = tpu.sem_alloc : memref<!tpu.dma_semaphore, #tpu.memory_space<semaphore_mem>>
      %dma_start3A = arith.constant 0 : i32
      %dma_start3A_84 = tpu.memref_slice %arg9[%add3A_46, %dma_start3A] : memref<10240x16xf32, #tpu.memory_space<vmem_shared>> -> memref<128x16xf32, #tpu.memory_space<vmem_shared>>
      %dma_start3A_85 = arith.constant 0 : i32
      %dma_start3A_86 = tpu.memref_slice %arg9[%add3A_46, %dma_start3A_85] : memref<10240x16xf32, #tpu.memory_space<vmem_shared>> -> memref<128x16xf32, #tpu.memory_space<vmem_shared>>
      tpu.enqueue_dma source(%arg14 : memref<128x16xf32, #tpu.memory_space<vmem>>) target(%dma_start3A_86 : memref<128x16xf32, #tpu.memory_space<vmem_shared>>) target_semaphore(%run_scoped3A : memref<!tpu.dma_semaphore, #tpu.memory_space<semaphore_mem>>)
      %dma_wait3A = arith.constant 0 : i32
      %dma_wait3A_87 = tpu.memref_slice %arg9[%add3A_46, %dma_wait3A] : memref<10240x16xf32, #tpu.memory_space<vmem_shared>> -> memref<128x16xf32, #tpu.memory_space<vmem_shared>>
      %dma_wait3A_88 = arith.constant 0 : i32
      %dma_wait3A_89 = tpu.memref_slice %arg9[%add3A_46, %dma_wait3A_88] : memref<10240x16xf32, #tpu.memory_space<vmem_shared>> -> memref<128x16xf32, #tpu.memory_space<vmem_shared>>
      tpu.wait_dma2 semaphore(%run_scoped3A : memref<!tpu.dma_semaphore, #tpu.memory_space<semaphore_mem>>) src(%arg14 : memref<128x16xf32, #tpu.memory_space<vmem>>) dst(%dma_wait3A_89 : memref<128x16xf32, #tpu.memory_space<vmem_shared>>)
      tpu.yield
    }) : () -> ()
    %mul3A_47 = arith.constant 640 : i32
    %mul3A_48 = arith.muli %arg1, %mul3A_47 : i32
    %add3A_49 = arith.constant 512 : i32
    %add3A_50 = arith.addi %mul3A_48, %add3A_49 : i32
    "tpu.region"() ({
      %run_scoped3A = tpu.sem_alloc : memref<!tpu.dma_semaphore, #tpu.memory_space<semaphore_mem>>
      %dma_start3A = arith.constant 0 : i32
      %dma_start3A_84 = tpu.memref_slice %arg9[%add3A_50, %dma_start3A] : memref<10240x16xf32, #tpu.memory_space<vmem_shared>> -> memref<128x16xf32, #tpu.memory_space<vmem_shared>>
      %dma_start3A_85 = arith.constant 0 : i32
      %dma_start3A_86 = tpu.memref_slice %arg9[%add3A_50, %dma_start3A_85] : memref<10240x16xf32, #tpu.memory_space<vmem_shared>> -> memref<128x16xf32, #tpu.memory_space<vmem_shared>>
      tpu.enqueue_dma source(%arg14 : memref<128x16xf32, #tpu.memory_space<vmem>>) target(%dma_start3A_86 : memref<128x16xf32, #tpu.memory_space<vmem_shared>>) target_semaphore(%run_scoped3A : memref<!tpu.dma_semaphore, #tpu.memory_space<semaphore_mem>>)
      %dma_wait3A = arith.constant 0 : i32
      %dma_wait3A_87 = tpu.memref_slice %arg9[%add3A_50, %dma_wait3A] : memref<10240x16xf32, #tpu.memory_space<vmem_shared>> -> memref<128x16xf32, #tpu.memory_space<vmem_shared>>
      %dma_wait3A_88 = arith.constant 0 : i32
      %dma_wait3A_89 = tpu.memref_slice %arg9[%add3A_50, %dma_wait3A_88] : memref<10240x16xf32, #tpu.memory_space<vmem_shared>> -> memref<128x16xf32, #tpu.memory_space<vmem_shared>>
      tpu.wait_dma2 semaphore(%run_scoped3A : memref<!tpu.dma_semaphore, #tpu.memory_space<semaphore_mem>>) src(%arg14 : memref<128x16xf32, #tpu.memory_space<vmem>>) dst(%dma_wait3A_89 : memref<128x16xf32, #tpu.memory_space<vmem_shared>>)
      tpu.yield
    }) : () -> ()
    %barrier3A = arith.constant 0 : index
    tpu.barrier barrier_id(%barrier3A)
    %mul3A_51 = arith.constant 1280 : i32
    %mul3A_52 = arith.muli %arg0, %mul3A_51 : i32
    %mul3A_53 = arith.constant 80 : i32
    %mul3A_54 = arith.muli %arg1, %mul3A_53 : i32
    %add3A_55 = arith.addi %mul3A_52, %mul3A_54 : i32
    %scan3A_56 = arith.constant 0 : i32
    %scan3A_57 = arith.constant 0 : i32
    %scan3A_58 = arith.constant 10 : i32
    %scan3A_59 = arith.addi %scan3A_57, %scan3A_58 : i32
    %scan3A_60 = arith.constant 1 : i32
    %scan3A_61 = scf.for %scan3A_84 = %scan3A_57 to %scan3A_59 step %scan3A_60 iter_args(%scan3A_85 = %scan3A_56) -> (i32)  : i32 {
      %mul3A_86 = arith.constant 8 : i32
      %mul3A_87 = arith.muli %scan3A_84, %mul3A_86 : i32
      %add3A_88 = arith.addi %add3A_55, %mul3A_87 : i32
      "tpu.region"() ({
        %run_scoped3A_418 = tpu.sem_alloc : memref<!tpu.dma_semaphore, #tpu.memory_space<semaphore_mem>>
        %dma_start3A_419 = arith.constant 0 : i32
        %dma_start3A_420 = tpu.memref_slice %arg3[%add3A_88, %dma_start3A_419] : memref<2560x125xi32, #tpu.memory_space<hbm>> -> memref<8x125xi32, #tpu.memory_space<hbm>>
        %dma_start3A_421 = arith.constant 0 : i32
        %dma_start3A_422 = tpu.memref_slice %arg3[%add3A_88, %dma_start3A_421] : memref<2560x125xi32, #tpu.memory_space<hbm>> -> memref<8x125xi32, #tpu.memory_space<hbm>>
        tpu.enqueue_dma source(%dma_start3A_422 : memref<8x125xi32, #tpu.memory_space<hbm>>) target(%arg10 : memref<8x125xi32, #tpu.memory_space<vmem>>) target_semaphore(%run_scoped3A_418 : memref<!tpu.dma_semaphore, #tpu.memory_space<semaphore_mem>>)
        %dma_wait3A_423 = arith.constant 0 : i32
        %dma_wait3A_424 = tpu.memref_slice %arg3[%add3A_88, %dma_wait3A_423] : memref<2560x125xi32, #tpu.memory_space<hbm>> -> memref<8x125xi32, #tpu.memory_space<hbm>>
        %dma_wait3A_425 = arith.constant 0 : i32
        %dma_wait3A_426 = tpu.memref_slice %arg3[%add3A_88, %dma_wait3A_425] : memref<2560x125xi32, #tpu.memory_space<hbm>> -> memref<8x125xi32, #tpu.memory_space<hbm>>
        tpu.wait_dma2 semaphore(%run_scoped3A_418 : memref<!tpu.dma_semaphore, #tpu.memory_space<semaphore_mem>>) src(%dma_wait3A_426 : memref<8x125xi32, #tpu.memory_space<hbm>>) dst(%arg10 : memref<8x125xi32, #tpu.memory_space<vmem>>)
        tpu.yield
      }) : () -> ()
      %mul3A_89 = arith.constant 8 : i32
      %mul3A_90 = arith.muli %scan3A_84, %mul3A_89 : i32
      %add3A_91 = arith.addi %add3A_55, %mul3A_90 : i32
      "tpu.region"() ({
        %run_scoped3A_418 = tpu.sem_alloc : memref<!tpu.dma_semaphore, #tpu.memory_space<semaphore_mem>>
        %dma_start3A_419 = arith.constant 0 : i32
        %dma_start3A_420 = tpu.memref_slice %arg4[%add3A_91, %dma_start3A_419] : memref<2560x125xi32, #tpu.memory_space<hbm>> -> memref<8x125xi32, #tpu.memory_space<hbm>>
        %dma_start3A_421 = arith.constant 0 : i32
        %dma_start3A_422 = tpu.memref_slice %arg4[%add3A_91, %dma_start3A_421] : memref<2560x125xi32, #tpu.memory_space<hbm>> -> memref<8x125xi32, #tpu.memory_space<hbm>>
        tpu.enqueue_dma source(%dma_start3A_422 : memref<8x125xi32, #tpu.memory_space<hbm>>) target(%arg11 : memref<8x125xi32, #tpu.memory_space<vmem>>) target_semaphore(%run_scoped3A_418 : memref<!tpu.dma_semaphore, #tpu.memory_space<semaphore_mem>>)
        %dma_wait3A_423 = arith.constant 0 : i32
        %dma_wait3A_424 = tpu.memref_slice %arg4[%add3A_91, %dma_wait3A_423] : memref<2560x125xi32, #tpu.memory_space<hbm>> -> memref<8x125xi32, #tpu.memory_space<hbm>>
        %dma_wait3A_425 = arith.constant 0 : i32
        %dma_wait3A_426 = tpu.memref_slice %arg4[%add3A_91, %dma_wait3A_425] : memref<2560x125xi32, #tpu.memory_space<hbm>> -> memref<8x125xi32, #tpu.memory_space<hbm>>
        tpu.wait_dma2 semaphore(%run_scoped3A_418 : memref<!tpu.dma_semaphore, #tpu.memory_space<semaphore_mem>>) src(%dma_wait3A_426 : memref<8x125xi32, #tpu.memory_space<hbm>>) dst(%arg11 : memref<8x125xi32, #tpu.memory_space<vmem>>)
        tpu.yield
      }) : () -> ()
      %dma_start3A = arith.constant 0 : i32
      %dma_start3A_92 = arith.constant 0 : i32
      %dma_start3A_93 = arith.constant 0 : i32
      %dma_start3A_94 = tpu.memref_slice %arg12[%dma_start3A_92, %dma_start3A_93] : memref<256x128xf32, #tpu.memory_space<vmem>> -> memref<125x128xf32, #tpu.memory_space<vmem>>
      %dma_start3A_95 = arith.constant 0 : i32
      %dma_start3A_96 = tpu.memref_slice %arg10[%dma_start3A, %dma_start3A_95] : memref<8x125xi32, #tpu.memory_space<vmem>> -> memref<1x125xi32, #tpu.memory_space<vmem>>
      %dma_start3A_97 = tpu.memref_squeeze %dma_start3A_96 : memref<1x125xi32, #tpu.memory_space<vmem>> -> memref<125xi32, #tpu.memory_space<vmem>>
      %dma_start3A_98 = arith.constant 0 : i32
      %dma_start3A_99 = arith.constant 0 : i32
      %dma_start3A_100 = tpu.memref_slice %arg2[%dma_start3A_98, %dma_start3A_99] : memref<10000x128xf32, #tpu.memory_space<hbm>> -> memref<10000x128xf32, #tpu.memory_space<hbm>>
      tpu.enqueue_indirect_dma source(%dma_start3A_100 : memref<10000x128xf32, #tpu.memory_space<hbm>>) target(%dma_start3A_94 : memref<125x128xf32, #tpu.memory_space<vmem>>) offsets(%dma_start3A_97 : memref<125xi32, #tpu.memory_space<vmem>>) semaphore(%arg15 : memref<!tpu.dma_semaphore, #tpu.memory_space<semaphore_mem>>)
      %dma_start3A_101 = arith.constant 1 : i32
      %dma_start3A_102 = arith.constant 128 : i32
      %dma_start3A_103 = arith.constant 0 : i32
      %dma_start3A_104 = tpu.memref_slice %arg12[%dma_start3A_102, %dma_start3A_103] : memref<256x128xf32, #tpu.memory_space<vmem>> -> memref<125x128xf32, #tpu.memory_space<vmem>>
      %dma_start3A_105 = arith.constant 0 : i32
      %dma_start3A_106 = tpu.memref_slice %arg10[%dma_start3A_101, %dma_start3A_105] : memref<8x125xi32, #tpu.memory_space<vmem>> -> memref<1x125xi32, #tpu.memory_space<vmem>>
      %dma_start3A_107 = tpu.memref_squeeze %dma_start3A_106 : memref<1x125xi32, #tpu.memory_space<vmem>> -> memref<125xi32, #tpu.memory_space<vmem>>
      %dma_start3A_108 = arith.constant 0 : i32
      %dma_start3A_109 = arith.constant 0 : i32
      %dma_start3A_110 = tpu.memref_slice %arg2[%dma_start3A_108, %dma_start3A_109] : memref<10000x128xf32, #tpu.memory_space<hbm>> -> memref<10000x128xf32, #tpu.memory_space<hbm>>
      tpu.enqueue_indirect_dma source(%dma_start3A_110 : memref<10000x128xf32, #tpu.memory_space<hbm>>) target(%dma_start3A_104 : memref<125x128xf32, #tpu.memory_space<vmem>>) offsets(%dma_start3A_107 : memref<125xi32, #tpu.memory_space<vmem>>) semaphore(%arg16 : memref<!tpu.dma_semaphore, #tpu.memory_space<semaphore_mem>>)
      %dma_wait3A = arith.constant 0 : i32
      %dma_wait3A_111 = arith.constant 0 : i32
      %dma_wait3A_112 = arith.constant 0 : i32
      %dma_wait3A_113 = tpu.memref_slice %arg12[%dma_wait3A_111, %dma_wait3A_112] : memref<256x128xf32, #tpu.memory_space<vmem>> -> memref<125x128xf32, #tpu.memory_space<vmem>>
      %dma_wait3A_114 = arith.constant 0 : i32
      %dma_wait3A_115 = tpu.memref_slice %arg10[%dma_wait3A, %dma_wait3A_114] : memref<8x125xi32, #tpu.memory_space<vmem>> -> memref<1x125xi32, #tpu.memory_space<vmem>>
      %dma_wait3A_116 = tpu.memref_squeeze %dma_wait3A_115 : memref<1x125xi32, #tpu.memory_space<vmem>> -> memref<125xi32, #tpu.memory_space<vmem>>
      %dma_wait3A_117 = arith.constant 0 : i32
      %dma_wait3A_118 = arith.constant 0 : i32
      %dma_wait3A_119 = tpu.memref_slice %arg2[%dma_wait3A_117, %dma_wait3A_118] : memref<10000x128xf32, #tpu.memory_space<hbm>> -> memref<10000x128xf32, #tpu.memory_space<hbm>>
      tpu.wait_indirect_dma semaphore(%arg15 : memref<!tpu.dma_semaphore, #tpu.memory_space<semaphore_mem>>) src(%dma_wait3A_119 : memref<10000x128xf32, #tpu.memory_space<hbm>>) dst(%dma_wait3A_113 : memref<125x128xf32, #tpu.memory_space<vmem>>)
      %dma_start3A_120 = arith.constant 0 : i32
      %dma_start3A_121 = arith.constant 0 : i32
      %dma_start3A_122 = arith.constant 0 : i32
      %dma_start3A_123 = tpu.memref_slice %arg12[%dma_start3A_121, %dma_start3A_122] : memref<256x128xf32, #tpu.memory_space<vmem>> -> memref<125x128xf32, #tpu.memory_space<vmem>>
      %dma_start3A_124 = arith.constant 0 : i32
      %dma_start3A_125 = tpu.memref_slice %arg11[%dma_start3A_120, %dma_start3A_124] : memref<8x125xi32, #tpu.memory_space<vmem>> -> memref<1x125xi32, #tpu.memory_space<vmem>>
      %dma_start3A_126 = tpu.memref_squeeze %dma_start3A_125 : memref<1x125xi32, #tpu.memory_space<vmem>> -> memref<125xi32, #tpu.memory_space<vmem>>
      %dma_start3A_127 = arith.constant 0 : i32
      %dma_start3A_128 = arith.constant 0 : i32
      %dma_start3A_129 = tpu.memref_slice %arg8[%dma_start3A_127, %dma_start3A_128] : memref<10240x128xf32, #tpu.memory_space<vmem_shared>> -> memref<10240x128xf32, #tpu.memory_space<vmem_shared>>
      tpu.enqueue_indirect_dma source(%dma_start3A_123 : memref<125x128xf32, #tpu.memory_space<vmem>>) target(%dma_start3A_129 : memref<10240x128xf32, #tpu.memory_space<vmem_shared>>) offsets(%dma_start3A_126 : memref<125xi32, #tpu.memory_space<vmem>>) semaphore(%arg17 : memref<!tpu.dma_semaphore, #tpu.memory_space<semaphore_mem>>) {add = true}
      %run_scoped3A = arith.constant 0 : i32
      "tpu.region"() ({
        %run_scoped3A_418 = tpu.sem_alloc : memref<!tpu.dma_semaphore, #tpu.memory_space<semaphore_mem>>
        %dma_start3A_419 = arith.constant 0 : i32
        %dma_start3A_420 = tpu.memref_slice %arg11[%run_scoped3A, %dma_start3A_419] : memref<8x125xi32, #tpu.memory_space<vmem>> -> memref<1x125xi32, #tpu.memory_space<vmem>>
        %dma_start3A_421 = tpu.memref_squeeze %dma_start3A_420 : memref<1x125xi32, #tpu.memory_space<vmem>> -> memref<125xi32, #tpu.memory_space<vmem>>
        %dma_start3A_422 = arith.constant 0 : i32
        %dma_start3A_423 = arith.constant 0 : i32
        %dma_start3A_424 = tpu.memref_slice %arg9[%dma_start3A_422, %dma_start3A_423] : memref<10240x16xf32, #tpu.memory_space<vmem_shared>> -> memref<10240x16xf32, #tpu.memory_space<vmem_shared>>
        tpu.enqueue_indirect_dma source(%arg13 : memref<125x16xf32, #tpu.memory_space<vmem>>) target(%dma_start3A_424 : memref<10240x16xf32, #tpu.memory_space<vmem_shared>>) offsets(%dma_start3A_421 : memref<125xi32, #tpu.memory_space<vmem>>) semaphore(%run_scoped3A_418 : memref<!tpu.dma_semaphore, #tpu.memory_space<semaphore_mem>>) {add = true}
        %dma_wait3A_425 = arith.constant 0 : i32
        %dma_wait3A_426 = tpu.memref_slice %arg11[%run_scoped3A, %dma_wait3A_425] : memref<8x125xi32, #tpu.memory_space<vmem>> -> memref<1x125xi32, #tpu.memory_space<vmem>>
        %dma_wait3A_427 = tpu.memref_squeeze %dma_wait3A_426 : memref<1x125xi32, #tpu.memory_space<vmem>> -> memref<125xi32, #tpu.memory_space<vmem>>
        %dma_wait3A_428 = arith.constant 0 : i32
        %dma_wait3A_429 = arith.constant 0 : i32
        %dma_wait3A_430 = tpu.memref_slice %arg9[%dma_wait3A_428, %dma_wait3A_429] : memref<10240x16xf32, #tpu.memory_space<vmem_shared>> -> memref<10240x16xf32, #tpu.memory_space<vmem_shared>>
        tpu.wait_indirect_dma semaphore(%run_scoped3A_418 : memref<!tpu.dma_semaphore, #tpu.memory_space<semaphore_mem>>) src(%arg13 : memref<125x16xf32, #tpu.memory_space<vmem>>) dst(%dma_wait3A_430 : memref<10240x16xf32, #tpu.memory_space<vmem_shared>>)
        tpu.yield
      }) : () -> ()
      %dma_wait3A_130 = arith.constant 0 : i32
      %dma_wait3A_131 = arith.constant 0 : i32
      %dma_wait3A_132 = arith.constant 0 : i32
      %dma_wait3A_133 = tpu.memref_slice %arg12[%dma_wait3A_131, %dma_wait3A_132] : memref<256x128xf32, #tpu.memory_space<vmem>> -> memref<125x128xf32, #tpu.memory_space<vmem>>
      %dma_wait3A_134 = arith.constant 0 : i32
      %dma_wait3A_135 = tpu.memref_slice %arg11[%dma_wait3A_130, %dma_wait3A_134] : memref<8x125xi32, #tpu.memory_space<vmem>> -> memref<1x125xi32, #tpu.memory_space<vmem>>
      %dma_wait3A_136 = tpu.memref_squeeze %dma_wait3A_135 : memref<1x125xi32, #tpu.memory_space<vmem>> -> memref<125xi32, #tpu.memory_space<vmem>>
      %dma_wait3A_137 = arith.constant 0 : i32
      %dma_wait3A_138 = arith.constant 0 : i32
      %dma_wait3A_139 = tpu.memref_slice %arg8[%dma_wait3A_137, %dma_wait3A_138] : memref<10240x128xf32, #tpu.memory_space<vmem_shared>> -> memref<10240x128xf32, #tpu.memory_space<vmem_shared>>
      tpu.wait_indirect_dma semaphore(%arg17 : memref<!tpu.dma_semaphore, #tpu.memory_space<semaphore_mem>>) src(%dma_wait3A_133 : memref<125x128xf32, #tpu.memory_space<vmem>>) dst(%dma_wait3A_139 : memref<10240x128xf32, #tpu.memory_space<vmem_shared>>)
      %dma_start3A_140 = arith.constant 2 : i32
      %dma_start3A_141 = arith.constant 0 : i32
      %dma_start3A_142 = arith.constant 0 : i32
      %dma_start3A_143 = tpu.memref_slice %arg12[%dma_start3A_141, %dma_start3A_142] : memref<256x128xf32, #tpu.memory_space<vmem>> -> memref<125x128xf32, #tpu.memory_space<vmem>>
      %dma_start3A_144 = arith.constant 0 : i32
      %dma_start3A_145 = tpu.memref_slice %arg10[%dma_start3A_140, %dma_start3A_144] : memref<8x125xi32, #tpu.memory_space<vmem>> -> memref<1x125xi32, #tpu.memory_space<vmem>>
      %dma_start3A_146 = tpu.memref_squeeze %dma_start3A_145 : memref<1x125xi32, #tpu.memory_space<vmem>> -> memref<125xi32, #tpu.memory_space<vmem>>
      %dma_start3A_147 = arith.constant 0 : i32
      %dma_start3A_148 = arith.constant 0 : i32
      %dma_start3A_149 = tpu.memref_slice %arg2[%dma_start3A_147, %dma_start3A_148] : memref<10000x128xf32, #tpu.memory_space<hbm>> -> memref<10000x128xf32, #tpu.memory_space<hbm>>
      tpu.enqueue_indirect_dma source(%dma_start3A_149 : memref<10000x128xf32, #tpu.memory_space<hbm>>) target(%dma_start3A_143 : memref<125x128xf32, #tpu.memory_space<vmem>>) offsets(%dma_start3A_146 : memref<125xi32, #tpu.memory_space<vmem>>) semaphore(%arg15 : memref<!tpu.dma_semaphore, #tpu.memory_space<semaphore_mem>>)
      %dma_wait3A_150 = arith.constant 1 : i32
      %dma_wait3A_151 = arith.constant 128 : i32
      %dma_wait3A_152 = arith.constant 0 : i32
      %dma_wait3A_153 = tpu.memref_slice %arg12[%dma_wait3A_151, %dma_wait3A_152] : memref<256x128xf32, #tpu.memory_space<vmem>> -> memref<125x128xf32, #tpu.memory_space<vmem>>
      %dma_wait3A_154 = arith.constant 0 : i32
      %dma_wait3A_155 = tpu.memref_slice %arg10[%dma_wait3A_150, %dma_wait3A_154] : memref<8x125xi32, #tpu.memory_space<vmem>> -> memref<1x125xi32, #tpu.memory_space<vmem>>
      %dma_wait3A_156 = tpu.memref_squeeze %dma_wait3A_155 : memref<1x125xi32, #tpu.memory_space<vmem>> -> memref<125xi32, #tpu.memory_space<vmem>>
      %dma_wait3A_157 = arith.constant 0 : i32
      %dma_wait3A_158 = arith.constant 0 : i32
      %dma_wait3A_159 = tpu.memref_slice %arg2[%dma_wait3A_157, %dma_wait3A_158] : memref<10000x128xf32, #tpu.memory_space<hbm>> -> memref<10000x128xf32, #tpu.memory_space<hbm>>
      tpu.wait_indirect_dma semaphore(%arg16 : memref<!tpu.dma_semaphore, #tpu.memory_space<semaphore_mem>>) src(%dma_wait3A_159 : memref<10000x128xf32, #tpu.memory_space<hbm>>) dst(%dma_wait3A_153 : memref<125x128xf32, #tpu.memory_space<vmem>>)
      %dma_start3A_160 = arith.constant 1 : i32
      %dma_start3A_161 = arith.constant 128 : i32
      %dma_start3A_162 = arith.constant 0 : i32
      %dma_start3A_163 = tpu.memref_slice %arg12[%dma_start3A_161, %dma_start3A_162] : memref<256x128xf32, #tpu.memory_space<vmem>> -> memref<125x128xf32, #tpu.memory_space<vmem>>
      %dma_start3A_164 = arith.constant 0 : i32
      %dma_start3A_165 = tpu.memref_slice %arg11[%dma_start3A_160, %dma_start3A_164] : memref<8x125xi32, #tpu.memory_space<vmem>> -> memref<1x125xi32, #tpu.memory_space<vmem>>
      %dma_start3A_166 = tpu.memref_squeeze %dma_start3A_165 : memref<1x125xi32, #tpu.memory_space<vmem>> -> memref<125xi32, #tpu.memory_space<vmem>>
      %dma_start3A_167 = arith.constant 0 : i32
      %dma_start3A_168 = arith.constant 0 : i32
      %dma_start3A_169 = tpu.memref_slice %arg8[%dma_start3A_167, %dma_start3A_168] : memref<10240x128xf32, #tpu.memory_space<vmem_shared>> -> memref<10240x128xf32, #tpu.memory_space<vmem_shared>>
      tpu.enqueue_indirect_dma source(%dma_start3A_163 : memref<125x128xf32, #tpu.memory_space<vmem>>) target(%dma_start3A_169 : memref<10240x128xf32, #tpu.memory_space<vmem_shared>>) offsets(%dma_start3A_166 : memref<125xi32, #tpu.memory_space<vmem>>) semaphore(%arg18 : memref<!tpu.dma_semaphore, #tpu.memory_space<semaphore_mem>>) {add = true}
      %run_scoped3A_170 = arith.constant 1 : i32
      "tpu.region"() ({
        %run_scoped3A_418 = tpu.sem_alloc : memref<!tpu.dma_semaphore, #tpu.memory_space<semaphore_mem>>
        %dma_start3A_419 = arith.constant 0 : i32
        %dma_start3A_420 = tpu.memref_slice %arg11[%run_scoped3A_170, %dma_start3A_419] : memref<8x125xi32, #tpu.memory_space<vmem>> -> memref<1x125xi32, #tpu.memory_space<vmem>>
        %dma_start3A_421 = tpu.memref_squeeze %dma_start3A_420 : memref<1x125xi32, #tpu.memory_space<vmem>> -> memref<125xi32, #tpu.memory_space<vmem>>
        %dma_start3A_422 = arith.constant 0 : i32
        %dma_start3A_423 = arith.constant 0 : i32
        %dma_start3A_424 = tpu.memref_slice %arg9[%dma_start3A_422, %dma_start3A_423] : memref<10240x16xf32, #tpu.memory_space<vmem_shared>> -> memref<10240x16xf32, #tpu.memory_space<vmem_shared>>
        tpu.enqueue_indirect_dma source(%arg13 : memref<125x16xf32, #tpu.memory_space<vmem>>) target(%dma_start3A_424 : memref<10240x16xf32, #tpu.memory_space<vmem_shared>>) offsets(%dma_start3A_421 : memref<125xi32, #tpu.memory_space<vmem>>) semaphore(%run_scoped3A_418 : memref<!tpu.dma_semaphore, #tpu.memory_space<semaphore_mem>>) {add = true}
        %dma_wait3A_425 = arith.constant 0 : i32
        %dma_wait3A_426 = tpu.memref_slice %arg11[%run_scoped3A_170, %dma_wait3A_425] : memref<8x125xi32, #tpu.memory_space<vmem>> -> memref<1x125xi32, #tpu.memory_space<vmem>>
        %dma_wait3A_427 = tpu.memref_squeeze %dma_wait3A_426 : memref<1x125xi32, #tpu.memory_space<vmem>> -> memref<125xi32, #tpu.memory_space<vmem>>
        %dma_wait3A_428 = arith.constant 0 : i32
        %dma_wait3A_429 = arith.constant 0 : i32
        %dma_wait3A_430 = tpu.memref_slice %arg9[%dma_wait3A_428, %dma_wait3A_429] : memref<10240x16xf32, #tpu.memory_space<vmem_shared>> -> memref<10240x16xf32, #tpu.memory_space<vmem_shared>>
        tpu.wait_indirect_dma semaphore(%run_scoped3A_418 : memref<!tpu.dma_semaphore, #tpu.memory_space<semaphore_mem>>) src(%arg13 : memref<125x16xf32, #tpu.memory_space<vmem>>) dst(%dma_wait3A_430 : memref<10240x16xf32, #tpu.memory_space<vmem_shared>>)
        tpu.yield
      }) : () -> ()
      %dma_wait3A_171 = arith.constant 1 : i32
      %dma_wait3A_172 = arith.constant 128 : i32
      %dma_wait3A_173 = arith.constant 0 : i32
      %dma_wait3A_174 = tpu.memref_slice %arg12[%dma_wait3A_172, %dma_wait3A_173] : memref<256x128xf32, #tpu.memory_space<vmem>> -> memref<125x128xf32, #tpu.memory_space<vmem>>
      %dma_wait3A_175 = arith.constant 0 : i32
      %dma_wait3A_176 = tpu.memref_slice %arg11[%dma_wait3A_171, %dma_wait3A_175] : memref<8x125xi32, #tpu.memory_space<vmem>> -> memref<1x125xi32, #tpu.memory_space<vmem>>
      %dma_wait3A_177 = tpu.memref_squeeze %dma_wait3A_176 : memref<1x125xi32, #tpu.memory_space<vmem>> -> memref<125xi32, #tpu.memory_space<vmem>>
      %dma_wait3A_178 = arith.constant 0 : i32
      %dma_wait3A_179 = arith.constant 0 : i32
      %dma_wait3A_180 = tpu.memref_slice %arg8[%dma_wait3A_178, %dma_wait3A_179] : memref<10240x128xf32, #tpu.memory_space<vmem_shared>> -> memref<10240x128xf32, #tpu.memory_space<vmem_shared>>
      tpu.wait_indirect_dma semaphore(%arg18 : memref<!tpu.dma_semaphore, #tpu.memory_space<semaphore_mem>>) src(%dma_wait3A_174 : memref<125x128xf32, #tpu.memory_space<vmem>>) dst(%dma_wait3A_180 : memref<10240x128xf32, #tpu.memory_space<vmem_shared>>)
      %dma_start3A_181 = arith.constant 3 : i32
      %dma_start3A_182 = arith.constant 128 : i32
      %dma_start3A_183 = arith.constant 0 : i32
      %dma_start3A_184 = tpu.memref_slice %arg12[%dma_start3A_182, %dma_start3A_183] : memref<256x128xf32, #tpu.memory_space<vmem>> -> memref<125x128xf32, #tpu.memory_space<vmem>>
      %dma_start3A_185 = arith.constant 0 : i32
      %dma_start3A_186 = tpu.memref_slice %arg10[%dma_start3A_181, %dma_start3A_185] : memref<8x125xi32, #tpu.memory_space<vmem>> -> memref<1x125xi32, #tpu.memory_space<vmem>>
      %dma_start3A_187 = tpu.memref_squeeze %dma_start3A_186 : memref<1x125xi32, #tpu.memory_space<vmem>> -> memref<125xi32, #tpu.memory_space<vmem>>
      %dma_start3A_188 = arith.constant 0 : i32
      %dma_start3A_189 = arith.constant 0 : i32
      %dma_start3A_190 = tpu.memref_slice %arg2[%dma_start3A_188, %dma_start3A_189] : memref<10000x128xf32, #tpu.memory_space<hbm>> -> memref<10000x128xf32, #tpu.memory_space<hbm>>
      tpu.enqueue_indirect_dma source(%dma_start3A_190 : memref<10000x128xf32, #tpu.memory_space<hbm>>) target(%dma_start3A_184 : memref<125x128xf32, #tpu.memory_space<vmem>>) offsets(%dma_start3A_187 : memref<125xi32, #tpu.memory_space<vmem>>) semaphore(%arg16 : memref<!tpu.dma_semaphore, #tpu.memory_space<semaphore_mem>>)
      %dma_wait3A_191 = arith.constant 2 : i32
      %dma_wait3A_192 = arith.constant 0 : i32
      %dma_wait3A_193 = arith.constant 0 : i32
      %dma_wait3A_194 = tpu.memref_slice %arg12[%dma_wait3A_192, %dma_wait3A_193] : memref<256x128xf32, #tpu.memory_space<vmem>> -> memref<125x128xf32, #tpu.memory_space<vmem>>
      %dma_wait3A_195 = arith.constant 0 : i32
      %dma_wait3A_196 = tpu.memref_slice %arg10[%dma_wait3A_191, %dma_wait3A_195] : memref<8x125xi32, #tpu.memory_space<vmem>> -> memref<1x125xi32, #tpu.memory_space<vmem>>
      %dma_wait3A_197 = tpu.memref_squeeze %dma_wait3A_196 : memref<1x125xi32, #tpu.memory_space<vmem>> -> memref<125xi32, #tpu.memory_space<vmem>>
      %dma_wait3A_198 = arith.constant 0 : i32
      %dma_wait3A_199 = arith.constant 0 : i32
      %dma_wait3A_200 = tpu.memref_slice %arg2[%dma_wait3A_198, %dma_wait3A_199] : memref<10000x128xf32, #tpu.memory_space<hbm>> -> memref<10000x128xf32, #tpu.memory_space<hbm>>
      tpu.wait_indirect_dma semaphore(%arg15 : memref<!tpu.dma_semaphore, #tpu.memory_space<semaphore_mem>>) src(%dma_wait3A_200 : memref<10000x128xf32, #tpu.memory_space<hbm>>) dst(%dma_wait3A_194 : memref<125x128xf32, #tpu.memory_space<vmem>>)
      %dma_start3A_201 = arith.constant 2 : i32
      %dma_start3A_202 = arith.constant 0 : i32
      %dma_start3A_203 = arith.constant 0 : i32
      %dma_start3A_204 = tpu.memref_slice %arg12[%dma_start3A_202, %dma_start3A_203] : memref<256x128xf32, #tpu.memory_space<vmem>> -> memref<125x128xf32, #tpu.memory_space<vmem>>
      %dma_start3A_205 = arith.constant 0 : i32
      %dma_start3A_206 = tpu.memref_slice %arg11[%dma_start3A_201, %dma_start3A_205] : memref<8x125xi32, #tpu.memory_space<vmem>> -> memref<1x125xi32, #tpu.memory_space<vmem>>
      %dma_start3A_207 = tpu.memref_squeeze %dma_start3A_206 : memref<1x125xi32, #tpu.memory_space<vmem>> -> memref<125xi32, #tpu.memory_space<vmem>>
      %dma_start3A_208 = arith.constant 0 : i32
      %dma_start3A_209 = arith.constant 0 : i32
      %dma_start3A_210 = tpu.memref_slice %arg8[%dma_start3A_208, %dma_start3A_209] : memref<10240x128xf32, #tpu.memory_space<vmem_shared>> -> memref<10240x128xf32, #tpu.memory_space<vmem_shared>>
      tpu.enqueue_indirect_dma source(%dma_start3A_204 : memref<125x128xf32, #tpu.memory_space<vmem>>) target(%dma_start3A_210 : memref<10240x128xf32, #tpu.memory_space<vmem_shared>>) offsets(%dma_start3A_207 : memref<125xi32, #tpu.memory_space<vmem>>) semaphore(%arg17 : memref<!tpu.dma_semaphore, #tpu.memory_space<semaphore_mem>>) {add = true}
      %run_scoped3A_211 = arith.constant 2 : i32
      "tpu.region"() ({
        %run_scoped3A_418 = tpu.sem_alloc : memref<!tpu.dma_semaphore, #tpu.memory_space<semaphore_mem>>
        %dma_start3A_419 = arith.constant 0 : i32
        %dma_start3A_420 = tpu.memref_slice %arg11[%run_scoped3A_211, %dma_start3A_419] : memref<8x125xi32, #tpu.memory_space<vmem>> -> memref<1x125xi32, #tpu.memory_space<vmem>>
        %dma_start3A_421 = tpu.memref_squeeze %dma_start3A_420 : memref<1x125xi32, #tpu.memory_space<vmem>> -> memref<125xi32, #tpu.memory_space<vmem>>
        %dma_start3A_422 = arith.constant 0 : i32
        %dma_start3A_423 = arith.constant 0 : i32
        %dma_start3A_424 = tpu.memref_slice %arg9[%dma_start3A_422, %dma_start3A_423] : memref<10240x16xf32, #tpu.memory_space<vmem_shared>> -> memref<10240x16xf32, #tpu.memory_space<vmem_shared>>
        tpu.enqueue_indirect_dma source(%arg13 : memref<125x16xf32, #tpu.memory_space<vmem>>) target(%dma_start3A_424 : memref<10240x16xf32, #tpu.memory_space<vmem_shared>>) offsets(%dma_start3A_421 : memref<125xi32, #tpu.memory_space<vmem>>) semaphore(%run_scoped3A_418 : memref<!tpu.dma_semaphore, #tpu.memory_space<semaphore_mem>>) {add = true}
        %dma_wait3A_425 = arith.constant 0 : i32
        %dma_wait3A_426 = tpu.memref_slice %arg11[%run_scoped3A_211, %dma_wait3A_425] : memref<8x125xi32, #tpu.memory_space<vmem>> -> memref<1x125xi32, #tpu.memory_space<vmem>>
        %dma_wait3A_427 = tpu.memref_squeeze %dma_wait3A_426 : memref<1x125xi32, #tpu.memory_space<vmem>> -> memref<125xi32, #tpu.memory_space<vmem>>
        %dma_wait3A_428 = arith.constant 0 : i32
        %dma_wait3A_429 = arith.constant 0 : i32
        %dma_wait3A_430 = tpu.memref_slice %arg9[%dma_wait3A_428, %dma_wait3A_429] : memref<10240x16xf32, #tpu.memory_space<vmem_shared>> -> memref<10240x16xf32, #tpu.memory_space<vmem_shared>>
        tpu.wait_indirect_dma semaphore(%run_scoped3A_418 : memref<!tpu.dma_semaphore, #tpu.memory_space<semaphore_mem>>) src(%arg13 : memref<125x16xf32, #tpu.memory_space<vmem>>) dst(%dma_wait3A_430 : memref<10240x16xf32, #tpu.memory_space<vmem_shared>>)
        tpu.yield
      }) : () -> ()
      %dma_wait3A_212 = arith.constant 2 : i32
      %dma_wait3A_213 = arith.constant 0 : i32
      %dma_wait3A_214 = arith.constant 0 : i32
      %dma_wait3A_215 = tpu.memref_slice %arg12[%dma_wait3A_213, %dma_wait3A_214] : memref<256x128xf32, #tpu.memory_space<vmem>> -> memref<125x128xf32, #tpu.memory_space<vmem>>
      %dma_wait3A_216 = arith.constant 0 : i32
      %dma_wait3A_217 = tpu.memref_slice %arg11[%dma_wait3A_212, %dma_wait3A_216] : memref<8x125xi32, #tpu.memory_space<vmem>> -> memref<1x125xi32, #tpu.memory_space<vmem>>
      %dma_wait3A_218 = tpu.memref_squeeze %dma_wait3A_217 : memref<1x125xi32, #tpu.memory_space<vmem>> -> memref<125xi32, #tpu.memory_space<vmem>>
      %dma_wait3A_219 = arith.constant 0 : i32
      %dma_wait3A_220 = arith.constant 0 : i32
      %dma_wait3A_221 = tpu.memref_slice %arg8[%dma_wait3A_219, %dma_wait3A_220] : memref<10240x128xf32, #tpu.memory_space<vmem_shared>> -> memref<10240x128xf32, #tpu.memory_space<vmem_shared>>
      tpu.wait_indirect_dma semaphore(%arg17 : memref<!tpu.dma_semaphore, #tpu.memory_space<semaphore_mem>>) src(%dma_wait3A_215 : memref<125x128xf32, #tpu.memory_space<vmem>>) dst(%dma_wait3A_221 : memref<10240x128xf32, #tpu.memory_space<vmem_shared>>)
      %dma_start3A_222 = arith.constant 4 : i32
      %dma_start3A_223 = arith.constant 0 : i32
      %dma_start3A_224 = arith.constant 0 : i32
      %dma_start3A_225 = tpu.memref_slice %arg12[%dma_start3A_223, %dma_start3A_224] : memref<256x128xf32, #tpu.memory_space<vmem>> -> memref<125x128xf32, #tpu.memory_space<vmem>>
      %dma_start3A_226 = arith.constant 0 : i32
      %dma_start3A_227 = tpu.memref_slice %arg10[%dma_start3A_222, %dma_start3A_226] : memref<8x125xi32, #tpu.memory_space<vmem>> -> memref<1x125xi32, #tpu.memory_space<vmem>>
      %dma_start3A_228 = tpu.memref_squeeze %dma_start3A_227 : memref<1x125xi32, #tpu.memory_space<vmem>> -> memref<125xi32, #tpu.memory_space<vmem>>
      %dma_start3A_229 = arith.constant 0 : i32
      %dma_start3A_230 = arith.constant 0 : i32
      %dma_start3A_231 = tpu.memref_slice %arg2[%dma_start3A_229, %dma_start3A_230] : memref<10000x128xf32, #tpu.memory_space<hbm>> -> memref<10000x128xf32, #tpu.memory_space<hbm>>
      tpu.enqueue_indirect_dma source(%dma_start3A_231 : memref<10000x128xf32, #tpu.memory_space<hbm>>) target(%dma_start3A_225 : memref<125x128xf32, #tpu.memory_space<vmem>>) offsets(%dma_start3A_228 : memref<125xi32, #tpu.memory_space<vmem>>) semaphore(%arg15 : memref<!tpu.dma_semaphore, #tpu.memory_space<semaphore_mem>>)
      %dma_wait3A_232 = arith.constant 3 : i32
      %dma_wait3A_233 = arith.constant 128 : i32
      %dma_wait3A_234 = arith.constant 0 : i32
      %dma_wait3A_235 = tpu.memref_slice %arg12[%dma_wait3A_233, %dma_wait3A_234] : memref<256x128xf32, #tpu.memory_space<vmem>> -> memref<125x128xf32, #tpu.memory_space<vmem>>
      %dma_wait3A_236 = arith.constant 0 : i32
      %dma_wait3A_237 = tpu.memref_slice %arg10[%dma_wait3A_232, %dma_wait3A_236] : memref<8x125xi32, #tpu.memory_space<vmem>> -> memref<1x125xi32, #tpu.memory_space<vmem>>
      %dma_wait3A_238 = tpu.memref_squeeze %dma_wait3A_237 : memref<1x125xi32, #tpu.memory_space<vmem>> -> memref<125xi32, #tpu.memory_space<vmem>>
      %dma_wait3A_239 = arith.constant 0 : i32
      %dma_wait3A_240 = arith.constant 0 : i32
      %dma_wait3A_241 = tpu.memref_slice %arg2[%dma_wait3A_239, %dma_wait3A_240] : memref<10000x128xf32, #tpu.memory_space<hbm>> -> memref<10000x128xf32, #tpu.memory_space<hbm>>
      tpu.wait_indirect_dma semaphore(%arg16 : memref<!tpu.dma_semaphore, #tpu.memory_space<semaphore_mem>>) src(%dma_wait3A_241 : memref<10000x128xf32, #tpu.memory_space<hbm>>) dst(%dma_wait3A_235 : memref<125x128xf32, #tpu.memory_space<vmem>>)
      %dma_start3A_242 = arith.constant 3 : i32
      %dma_start3A_243 = arith.constant 128 : i32
      %dma_start3A_244 = arith.constant 0 : i32
      %dma_start3A_245 = tpu.memref_slice %arg12[%dma_start3A_243, %dma_start3A_244] : memref<256x128xf32, #tpu.memory_space<vmem>> -> memref<125x128xf32, #tpu.memory_space<vmem>>
      %dma_start3A_246 = arith.constant 0 : i32
      %dma_start3A_247 = tpu.memref_slice %arg11[%dma_start3A_242, %dma_start3A_246] : memref<8x125xi32, #tpu.memory_space<vmem>> -> memref<1x125xi32, #tpu.memory_space<vmem>>
      %dma_start3A_248 = tpu.memref_squeeze %dma_start3A_247 : memref<1x125xi32, #tpu.memory_space<vmem>> -> memref<125xi32, #tpu.memory_space<vmem>>
      %dma_start3A_249 = arith.constant 0 : i32
      %dma_start3A_250 = arith.constant 0 : i32
      %dma_start3A_251 = tpu.memref_slice %arg8[%dma_start3A_249, %dma_start3A_250] : memref<10240x128xf32, #tpu.memory_space<vmem_shared>> -> memref<10240x128xf32, #tpu.memory_space<vmem_shared>>
      tpu.enqueue_indirect_dma source(%dma_start3A_245 : memref<125x128xf32, #tpu.memory_space<vmem>>) target(%dma_start3A_251 : memref<10240x128xf32, #tpu.memory_space<vmem_shared>>) offsets(%dma_start3A_248 : memref<125xi32, #tpu.memory_space<vmem>>) semaphore(%arg18 : memref<!tpu.dma_semaphore, #tpu.memory_space<semaphore_mem>>) {add = true}
      %run_scoped3A_252 = arith.constant 3 : i32
      "tpu.region"() ({
        %run_scoped3A_418 = tpu.sem_alloc : memref<!tpu.dma_semaphore, #tpu.memory_space<semaphore_mem>>
        %dma_start3A_419 = arith.constant 0 : i32
        %dma_start3A_420 = tpu.memref_slice %arg11[%run_scoped3A_252, %dma_start3A_419] : memref<8x125xi32, #tpu.memory_space<vmem>> -> memref<1x125xi32, #tpu.memory_space<vmem>>
        %dma_start3A_421 = tpu.memref_squeeze %dma_start3A_420 : memref<1x125xi32, #tpu.memory_space<vmem>> -> memref<125xi32, #tpu.memory_space<vmem>>
        %dma_start3A_422 = arith.constant 0 : i32
        %dma_start3A_423 = arith.constant 0 : i32
        %dma_start3A_424 = tpu.memref_slice %arg9[%dma_start3A_422, %dma_start3A_423] : memref<10240x16xf32, #tpu.memory_space<vmem_shared>> -> memref<10240x16xf32, #tpu.memory_space<vmem_shared>>
        tpu.enqueue_indirect_dma source(%arg13 : memref<125x16xf32, #tpu.memory_space<vmem>>) target(%dma_start3A_424 : memref<10240x16xf32, #tpu.memory_space<vmem_shared>>) offsets(%dma_start3A_421 : memref<125xi32, #tpu.memory_space<vmem>>) semaphore(%run_scoped3A_418 : memref<!tpu.dma_semaphore, #tpu.memory_space<semaphore_mem>>) {add = true}
        %dma_wait3A_425 = arith.constant 0 : i32
        %dma_wait3A_426 = tpu.memref_slice %arg11[%run_scoped3A_252, %dma_wait3A_425] : memref<8x125xi32, #tpu.memory_space<vmem>> -> memref<1x125xi32, #tpu.memory_space<vmem>>
        %dma_wait3A_427 = tpu.memref_squeeze %dma_wait3A_426 : memref<1x125xi32, #tpu.memory_space<vmem>> -> memref<125xi32, #tpu.memory_space<vmem>>
        %dma_wait3A_428 = arith.constant 0 : i32
        %dma_wait3A_429 = arith.constant 0 : i32
        %dma_wait3A_430 = tpu.memref_slice %arg9[%dma_wait3A_428, %dma_wait3A_429] : memref<10240x16xf32, #tpu.memory_space<vmem_shared>> -> memref<10240x16xf32, #tpu.memory_space<vmem_shared>>
        tpu.wait_indirect_dma semaphore(%run_scoped3A_418 : memref<!tpu.dma_semaphore, #tpu.memory_space<semaphore_mem>>) src(%arg13 : memref<125x16xf32, #tpu.memory_space<vmem>>) dst(%dma_wait3A_430 : memref<10240x16xf32, #tpu.memory_space<vmem_shared>>)
        tpu.yield
      }) : () -> ()
      %dma_wait3A_253 = arith.constant 3 : i32
      %dma_wait3A_254 = arith.constant 128 : i32
      %dma_wait3A_255 = arith.constant 0 : i32
      %dma_wait3A_256 = tpu.memref_slice %arg12[%dma_wait3A_254, %dma_wait3A_255] : memref<256x128xf32, #tpu.memory_space<vmem>> -> memref<125x128xf32, #tpu.memory_space<vmem>>
      %dma_wait3A_257 = arith.constant 0 : i32
      %dma_wait3A_258 = tpu.memref_slice %arg11[%dma_wait3A_253, %dma_wait3A_257] : memref<8x125xi32, #tpu.memory_space<vmem>> -> memref<1x125xi32, #tpu.memory_space<vmem>>
      %dma_wait3A_259 = tpu.memref_squeeze %dma_wait3A_258 : memref<1x125xi32, #tpu.memory_space<vmem>> -> memref<125xi32, #tpu.memory_space<vmem>>
      %dma_wait3A_260 = arith.constant 0 : i32
      %dma_wait3A_261 = arith.constant 0 : i32
      %dma_wait3A_262 = tpu.memref_slice %arg8[%dma_wait3A_260, %dma_wait3A_261] : memref<10240x128xf32, #tpu.memory_space<vmem_shared>> -> memref<10240x128xf32, #tpu.memory_space<vmem_shared>>
      tpu.wait_indirect_dma semaphore(%arg18 : memref<!tpu.dma_semaphore, #tpu.memory_space<semaphore_mem>>) src(%dma_wait3A_256 : memref<125x128xf32, #tpu.memory_space<vmem>>) dst(%dma_wait3A_262 : memref<10240x128xf32, #tpu.memory_space<vmem_shared>>)
      %dma_start3A_263 = arith.constant 5 : i32
      %dma_start3A_264 = arith.constant 128 : i32
      %dma_start3A_265 = arith.constant 0 : i32
      %dma_start3A_266 = tpu.memref_slice %arg12[%dma_start3A_264, %dma_start3A_265] : memref<256x128xf32, #tpu.memory_space<vmem>> -> memref<125x128xf32, #tpu.memory_space<vmem>>
      %dma_start3A_267 = arith.constant 0 : i32
      %dma_start3A_268 = tpu.memref_slice %arg10[%dma_start3A_263, %dma_start3A_267] : memref<8x125xi32, #tpu.memory_space<vmem>> -> memref<1x125xi32, #tpu.memory_space<vmem>>
      %dma_start3A_269 = tpu.memref_squeeze %dma_start3A_268 : memref<1x125xi32, #tpu.memory_space<vmem>> -> memref<125xi32, #tpu.memory_space<vmem>>
      %dma_start3A_270 = arith.constant 0 : i32
      %dma_start3A_271 = arith.constant 0 : i32
      %dma_start3A_272 = tpu.memref_slice %arg2[%dma_start3A_270, %dma_start3A_271] : memref<10000x128xf32, #tpu.memory_space<hbm>> -> memref<10000x128xf32, #tpu.memory_space<hbm>>
      tpu.enqueue_indirect_dma source(%dma_start3A_272 : memref<10000x128xf32, #tpu.memory_space<hbm>>) target(%dma_start3A_266 : memref<125x128xf32, #tpu.memory_space<vmem>>) offsets(%dma_start3A_269 : memref<125xi32, #tpu.memory_space<vmem>>) semaphore(%arg16 : memref<!tpu.dma_semaphore, #tpu.memory_space<semaphore_mem>>)
      %dma_wait3A_273 = arith.constant 4 : i32
      %dma_wait3A_274 = arith.constant 0 : i32
      %dma_wait3A_275 = arith.constant 0 : i32
      %dma_wait3A_276 = tpu.memref_slice %arg12[%dma_wait3A_274, %dma_wait3A_275] : memref<256x128xf32, #tpu.memory_space<vmem>> -> memref<125x128xf32, #tpu.memory_space<vmem>>
      %dma_wait3A_277 = arith.constant 0 : i32
      %dma_wait3A_278 = tpu.memref_slice %arg10[%dma_wait3A_273, %dma_wait3A_277] : memref<8x125xi32, #tpu.memory_space<vmem>> -> memref<1x125xi32, #tpu.memory_space<vmem>>
      %dma_wait3A_279 = tpu.memref_squeeze %dma_wait3A_278 : memref<1x125xi32, #tpu.memory_space<vmem>> -> memref<125xi32, #tpu.memory_space<vmem>>
      %dma_wait3A_280 = arith.constant 0 : i32
      %dma_wait3A_281 = arith.constant 0 : i32
      %dma_wait3A_282 = tpu.memref_slice %arg2[%dma_wait3A_280, %dma_wait3A_281] : memref<10000x128xf32, #tpu.memory_space<hbm>> -> memref<10000x128xf32, #tpu.memory_space<hbm>>
      tpu.wait_indirect_dma semaphore(%arg15 : memref<!tpu.dma_semaphore, #tpu.memory_space<semaphore_mem>>) src(%dma_wait3A_282 : memref<10000x128xf32, #tpu.memory_space<hbm>>) dst(%dma_wait3A_276 : memref<125x128xf32, #tpu.memory_space<vmem>>)
      %dma_start3A_283 = arith.constant 4 : i32
      %dma_start3A_284 = arith.constant 0 : i32
      %dma_start3A_285 = arith.constant 0 : i32
      %dma_start3A_286 = tpu.memref_slice %arg12[%dma_start3A_284, %dma_start3A_285] : memref<256x128xf32, #tpu.memory_space<vmem>> -> memref<125x128xf32, #tpu.memory_space<vmem>>
      %dma_start3A_287 = arith.constant 0 : i32
      %dma_start3A_288 = tpu.memref_slice %arg11[%dma_start3A_283, %dma_start3A_287] : memref<8x125xi32, #tpu.memory_space<vmem>> -> memref<1x125xi32, #tpu.memory_space<vmem>>
      %dma_start3A_289 = tpu.memref_squeeze %dma_start3A_288 : memref<1x125xi32, #tpu.memory_space<vmem>> -> memref<125xi32, #tpu.memory_space<vmem>>
      %dma_start3A_290 = arith.constant 0 : i32
      %dma_start3A_291 = arith.constant 0 : i32
      %dma_start3A_292 = tpu.memref_slice %arg8[%dma_start3A_290, %dma_start3A_291] : memref<10240x128xf32, #tpu.memory_space<vmem_shared>> -> memref<10240x128xf32, #tpu.memory_space<vmem_shared>>
      tpu.enqueue_indirect_dma source(%dma_start3A_286 : memref<125x128xf32, #tpu.memory_space<vmem>>) target(%dma_start3A_292 : memref<10240x128xf32, #tpu.memory_space<vmem_shared>>) offsets(%dma_start3A_289 : memref<125xi32, #tpu.memory_space<vmem>>) semaphore(%arg17 : memref<!tpu.dma_semaphore, #tpu.memory_space<semaphore_mem>>) {add = true}
      %run_scoped3A_293 = arith.constant 4 : i32
      "tpu.region"() ({
        %run_scoped3A_418 = tpu.sem_alloc : memref<!tpu.dma_semaphore, #tpu.memory_space<semaphore_mem>>
        %dma_start3A_419 = arith.constant 0 : i32
        %dma_start3A_420 = tpu.memref_slice %arg11[%run_scoped3A_293, %dma_start3A_419] : memref<8x125xi32, #tpu.memory_space<vmem>> -> memref<1x125xi32, #tpu.memory_space<vmem>>
        %dma_start3A_421 = tpu.memref_squeeze %dma_start3A_420 : memref<1x125xi32, #tpu.memory_space<vmem>> -> memref<125xi32, #tpu.memory_space<vmem>>
        %dma_start3A_422 = arith.constant 0 : i32
        %dma_start3A_423 = arith.constant 0 : i32
        %dma_start3A_424 = tpu.memref_slice %arg9[%dma_start3A_422, %dma_start3A_423] : memref<10240x16xf32, #tpu.memory_space<vmem_shared>> -> memref<10240x16xf32, #tpu.memory_space<vmem_shared>>
        tpu.enqueue_indirect_dma source(%arg13 : memref<125x16xf32, #tpu.memory_space<vmem>>) target(%dma_start3A_424 : memref<10240x16xf32, #tpu.memory_space<vmem_shared>>) offsets(%dma_start3A_421 : memref<125xi32, #tpu.memory_space<vmem>>) semaphore(%run_scoped3A_418 : memref<!tpu.dma_semaphore, #tpu.memory_space<semaphore_mem>>) {add = true}
        %dma_wait3A_425 = arith.constant 0 : i32
        %dma_wait3A_426 = tpu.memref_slice %arg11[%run_scoped3A_293, %dma_wait3A_425] : memref<8x125xi32, #tpu.memory_space<vmem>> -> memref<1x125xi32, #tpu.memory_space<vmem>>
        %dma_wait3A_427 = tpu.memref_squeeze %dma_wait3A_426 : memref<1x125xi32, #tpu.memory_space<vmem>> -> memref<125xi32, #tpu.memory_space<vmem>>
        %dma_wait3A_428 = arith.constant 0 : i32
        %dma_wait3A_429 = arith.constant 0 : i32
        %dma_wait3A_430 = tpu.memref_slice %arg9[%dma_wait3A_428, %dma_wait3A_429] : memref<10240x16xf32, #tpu.memory_space<vmem_shared>> -> memref<10240x16xf32, #tpu.memory_space<vmem_shared>>
        tpu.wait_indirect_dma semaphore(%run_scoped3A_418 : memref<!tpu.dma_semaphore, #tpu.memory_space<semaphore_mem>>) src(%arg13 : memref<125x16xf32, #tpu.memory_space<vmem>>) dst(%dma_wait3A_430 : memref<10240x16xf32, #tpu.memory_space<vmem_shared>>)
        tpu.yield
      }) : () -> ()
      %dma_wait3A_294 = arith.constant 4 : i32
      %dma_wait3A_295 = arith.constant 0 : i32
      %dma_wait3A_296 = arith.constant 0 : i32
      %dma_wait3A_297 = tpu.memref_slice %arg12[%dma_wait3A_295, %dma_wait3A_296] : memref<256x128xf32, #tpu.memory_space<vmem>> -> memref<125x128xf32, #tpu.memory_space<vmem>>
      %dma_wait3A_298 = arith.constant 0 : i32
      %dma_wait3A_299 = tpu.memref_slice %arg11[%dma_wait3A_294, %dma_wait3A_298] : memref<8x125xi32, #tpu.memory_space<vmem>> -> memref<1x125xi32, #tpu.memory_space<vmem>>
      %dma_wait3A_300 = tpu.memref_squeeze %dma_wait3A_299 : memref<1x125xi32, #tpu.memory_space<vmem>> -> memref<125xi32, #tpu.memory_space<vmem>>
      %dma_wait3A_301 = arith.constant 0 : i32
      %dma_wait3A_302 = arith.constant 0 : i32
      %dma_wait3A_303 = tpu.memref_slice %arg8[%dma_wait3A_301, %dma_wait3A_302] : memref<10240x128xf32, #tpu.memory_space<vmem_shared>> -> memref<10240x128xf32, #tpu.memory_space<vmem_shared>>
      tpu.wait_indirect_dma semaphore(%arg17 : memref<!tpu.dma_semaphore, #tpu.memory_space<semaphore_mem>>) src(%dma_wait3A_297 : memref<125x128xf32, #tpu.memory_space<vmem>>) dst(%dma_wait3A_303 : memref<10240x128xf32, #tpu.memory_space<vmem_shared>>)
      %dma_start3A_304 = arith.constant 6 : i32
      %dma_start3A_305 = arith.constant 0 : i32
      %dma_start3A_306 = arith.constant 0 : i32
      %dma_start3A_307 = tpu.memref_slice %arg12[%dma_start3A_305, %dma_start3A_306] : memref<256x128xf32, #tpu.memory_space<vmem>> -> memref<125x128xf32, #tpu.memory_space<vmem>>
      %dma_start3A_308 = arith.constant 0 : i32
      %dma_start3A_309 = tpu.memref_slice %arg10[%dma_start3A_304, %dma_start3A_308] : memref<8x125xi32, #tpu.memory_space<vmem>> -> memref<1x125xi32, #tpu.memory_space<vmem>>
      %dma_start3A_310 = tpu.memref_squeeze %dma_start3A_309 : memref<1x125xi32, #tpu.memory_space<vmem>> -> memref<125xi32, #tpu.memory_space<vmem>>
      %dma_start3A_311 = arith.constant 0 : i32
      %dma_start3A_312 = arith.constant 0 : i32
      %dma_start3A_313 = tpu.memref_slice %arg2[%dma_start3A_311, %dma_start3A_312] : memref<10000x128xf32, #tpu.memory_space<hbm>> -> memref<10000x128xf32, #tpu.memory_space<hbm>>
      tpu.enqueue_indirect_dma source(%dma_start3A_313 : memref<10000x128xf32, #tpu.memory_space<hbm>>) target(%dma_start3A_307 : memref<125x128xf32, #tpu.memory_space<vmem>>) offsets(%dma_start3A_310 : memref<125xi32, #tpu.memory_space<vmem>>) semaphore(%arg15 : memref<!tpu.dma_semaphore, #tpu.memory_space<semaphore_mem>>)
      %dma_wait3A_314 = arith.constant 5 : i32
      %dma_wait3A_315 = arith.constant 128 : i32
      %dma_wait3A_316 = arith.constant 0 : i32
      %dma_wait3A_317 = tpu.memref_slice %arg12[%dma_wait3A_315, %dma_wait3A_316] : memref<256x128xf32, #tpu.memory_space<vmem>> -> memref<125x128xf32, #tpu.memory_space<vmem>>
      %dma_wait3A_318 = arith.constant 0 : i32
      %dma_wait3A_319 = tpu.memref_slice %arg10[%dma_wait3A_314, %dma_wait3A_318] : memref<8x125xi32, #tpu.memory_space<vmem>> -> memref<1x125xi32, #tpu.memory_space<vmem>>
      %dma_wait3A_320 = tpu.memref_squeeze %dma_wait3A_319 : memref<1x125xi32, #tpu.memory_space<vmem>> -> memref<125xi32, #tpu.memory_space<vmem>>
      %dma_wait3A_321 = arith.constant 0 : i32
      %dma_wait3A_322 = arith.constant 0 : i32
      %dma_wait3A_323 = tpu.memref_slice %arg2[%dma_wait3A_321, %dma_wait3A_322] : memref<10000x128xf32, #tpu.memory_space<hbm>> -> memref<10000x128xf32, #tpu.memory_space<hbm>>
      tpu.wait_indirect_dma semaphore(%arg16 : memref<!tpu.dma_semaphore, #tpu.memory_space<semaphore_mem>>) src(%dma_wait3A_323 : memref<10000x128xf32, #tpu.memory_space<hbm>>) dst(%dma_wait3A_317 : memref<125x128xf32, #tpu.memory_space<vmem>>)
      %dma_start3A_324 = arith.constant 5 : i32
      %dma_start3A_325 = arith.constant 128 : i32
      %dma_start3A_326 = arith.constant 0 : i32
      %dma_start3A_327 = tpu.memref_slice %arg12[%dma_start3A_325, %dma_start3A_326] : memref<256x128xf32, #tpu.memory_space<vmem>> -> memref<125x128xf32, #tpu.memory_space<vmem>>
      %dma_start3A_328 = arith.constant 0 : i32
      %dma_start3A_329 = tpu.memref_slice %arg11[%dma_start3A_324, %dma_start3A_328] : memref<8x125xi32, #tpu.memory_space<vmem>> -> memref<1x125xi32, #tpu.memory_space<vmem>>
      %dma_start3A_330 = tpu.memref_squeeze %dma_start3A_329 : memref<1x125xi32, #tpu.memory_space<vmem>> -> memref<125xi32, #tpu.memory_space<vmem>>
      %dma_start3A_331 = arith.constant 0 : i32
      %dma_start3A_332 = arith.constant 0 : i32
      %dma_start3A_333 = tpu.memref_slice %arg8[%dma_start3A_331, %dma_start3A_332] : memref<10240x128xf32, #tpu.memory_space<vmem_shared>> -> memref<10240x128xf32, #tpu.memory_space<vmem_shared>>
      tpu.enqueue_indirect_dma source(%dma_start3A_327 : memref<125x128xf32, #tpu.memory_space<vmem>>) target(%dma_start3A_333 : memref<10240x128xf32, #tpu.memory_space<vmem_shared>>) offsets(%dma_start3A_330 : memref<125xi32, #tpu.memory_space<vmem>>) semaphore(%arg18 : memref<!tpu.dma_semaphore, #tpu.memory_space<semaphore_mem>>) {add = true}
      %run_scoped3A_334 = arith.constant 5 : i32
      "tpu.region"() ({
        %run_scoped3A_418 = tpu.sem_alloc : memref<!tpu.dma_semaphore, #tpu.memory_space<semaphore_mem>>
        %dma_start3A_419 = arith.constant 0 : i32
        %dma_start3A_420 = tpu.memref_slice %arg11[%run_scoped3A_334, %dma_start3A_419] : memref<8x125xi32, #tpu.memory_space<vmem>> -> memref<1x125xi32, #tpu.memory_space<vmem>>
        %dma_start3A_421 = tpu.memref_squeeze %dma_start3A_420 : memref<1x125xi32, #tpu.memory_space<vmem>> -> memref<125xi32, #tpu.memory_space<vmem>>
        %dma_start3A_422 = arith.constant 0 : i32
        %dma_start3A_423 = arith.constant 0 : i32
        %dma_start3A_424 = tpu.memref_slice %arg9[%dma_start3A_422, %dma_start3A_423] : memref<10240x16xf32, #tpu.memory_space<vmem_shared>> -> memref<10240x16xf32, #tpu.memory_space<vmem_shared>>
        tpu.enqueue_indirect_dma source(%arg13 : memref<125x16xf32, #tpu.memory_space<vmem>>) target(%dma_start3A_424 : memref<10240x16xf32, #tpu.memory_space<vmem_shared>>) offsets(%dma_start3A_421 : memref<125xi32, #tpu.memory_space<vmem>>) semaphore(%run_scoped3A_418 : memref<!tpu.dma_semaphore, #tpu.memory_space<semaphore_mem>>) {add = true}
        %dma_wait3A_425 = arith.constant 0 : i32
        %dma_wait3A_426 = tpu.memref_slice %arg11[%run_scoped3A_334, %dma_wait3A_425] : memref<8x125xi32, #tpu.memory_space<vmem>> -> memref<1x125xi32, #tpu.memory_space<vmem>>
        %dma_wait3A_427 = tpu.memref_squeeze %dma_wait3A_426 : memref<1x125xi32, #tpu.memory_space<vmem>> -> memref<125xi32, #tpu.memory_space<vmem>>
        %dma_wait3A_428 = arith.constant 0 : i32
        %dma_wait3A_429 = arith.constant 0 : i32
        %dma_wait3A_430 = tpu.memref_slice %arg9[%dma_wait3A_428, %dma_wait3A_429] : memref<10240x16xf32, #tpu.memory_space<vmem_shared>> -> memref<10240x16xf32, #tpu.memory_space<vmem_shared>>
        tpu.wait_indirect_dma semaphore(%run_scoped3A_418 : memref<!tpu.dma_semaphore, #tpu.memory_space<semaphore_mem>>) src(%arg13 : memref<125x16xf32, #tpu.memory_space<vmem>>) dst(%dma_wait3A_430 : memref<10240x16xf32, #tpu.memory_space<vmem_shared>>)
        tpu.yield
      }) : () -> ()
      %dma_wait3A_335 = arith.constant 5 : i32
      %dma_wait3A_336 = arith.constant 128 : i32
      %dma_wait3A_337 = arith.constant 0 : i32
      %dma_wait3A_338 = tpu.memref_slice %arg12[%dma_wait3A_336, %dma_wait3A_337] : memref<256x128xf32, #tpu.memory_space<vmem>> -> memref<125x128xf32, #tpu.memory_space<vmem>>
      %dma_wait3A_339 = arith.constant 0 : i32
      %dma_wait3A_340 = tpu.memref_slice %arg11[%dma_wait3A_335, %dma_wait3A_339] : memref<8x125xi32, #tpu.memory_space<vmem>> -> memref<1x125xi32, #tpu.memory_space<vmem>>
      %dma_wait3A_341 = tpu.memref_squeeze %dma_wait3A_340 : memref<1x125xi32, #tpu.memory_space<vmem>> -> memref<125xi32, #tpu.memory_space<vmem>>
      %dma_wait3A_342 = arith.constant 0 : i32
      %dma_wait3A_343 = arith.constant 0 : i32
      %dma_wait3A_344 = tpu.memref_slice %arg8[%dma_wait3A_342, %dma_wait3A_343] : memref<10240x128xf32, #tpu.memory_space<vmem_shared>> -> memref<10240x128xf32, #tpu.memory_space<vmem_shared>>
      tpu.wait_indirect_dma semaphore(%arg18 : memref<!tpu.dma_semaphore, #tpu.memory_space<semaphore_mem>>) src(%dma_wait3A_338 : memref<125x128xf32, #tpu.memory_space<vmem>>) dst(%dma_wait3A_344 : memref<10240x128xf32, #tpu.memory_space<vmem_shared>>)
      %dma_start3A_345 = arith.constant 7 : i32
      %dma_start3A_346 = arith.constant 128 : i32
      %dma_start3A_347 = arith.constant 0 : i32
      %dma_start3A_348 = tpu.memref_slice %arg12[%dma_start3A_346, %dma_start3A_347] : memref<256x128xf32, #tpu.memory_space<vmem>> -> memref<125x128xf32, #tpu.memory_space<vmem>>
      %dma_start3A_349 = arith.constant 0 : i32
      %dma_start3A_350 = tpu.memref_slice %arg10[%dma_start3A_345, %dma_start3A_349] : memref<8x125xi32, #tpu.memory_space<vmem>> -> memref<1x125xi32, #tpu.memory_space<vmem>>
      %dma_start3A_351 = tpu.memref_squeeze %dma_start3A_350 : memref<1x125xi32, #tpu.memory_space<vmem>> -> memref<125xi32, #tpu.memory_space<vmem>>
      %dma_start3A_352 = arith.constant 0 : i32
      %dma_start3A_353 = arith.constant 0 : i32
      %dma_start3A_354 = tpu.memref_slice %arg2[%dma_start3A_352, %dma_start3A_353] : memref<10000x128xf32, #tpu.memory_space<hbm>> -> memref<10000x128xf32, #tpu.memory_space<hbm>>
      tpu.enqueue_indirect_dma source(%dma_start3A_354 : memref<10000x128xf32, #tpu.memory_space<hbm>>) target(%dma_start3A_348 : memref<125x128xf32, #tpu.memory_space<vmem>>) offsets(%dma_start3A_351 : memref<125xi32, #tpu.memory_space<vmem>>) semaphore(%arg16 : memref<!tpu.dma_semaphore, #tpu.memory_space<semaphore_mem>>)
      %dma_wait3A_355 = arith.constant 6 : i32
      %dma_wait3A_356 = arith.constant 0 : i32
      %dma_wait3A_357 = arith.constant 0 : i32
      %dma_wait3A_358 = tpu.memref_slice %arg12[%dma_wait3A_356, %dma_wait3A_357] : memref<256x128xf32, #tpu.memory_space<vmem>> -> memref<125x128xf32, #tpu.memory_space<vmem>>
      %dma_wait3A_359 = arith.constant 0 : i32
      %dma_wait3A_360 = tpu.memref_slice %arg10[%dma_wait3A_355, %dma_wait3A_359] : memref<8x125xi32, #tpu.memory_space<vmem>> -> memref<1x125xi32, #tpu.memory_space<vmem>>
      %dma_wait3A_361 = tpu.memref_squeeze %dma_wait3A_360 : memref<1x125xi32, #tpu.memory_space<vmem>> -> memref<125xi32, #tpu.memory_space<vmem>>
      %dma_wait3A_362 = arith.constant 0 : i32
      %dma_wait3A_363 = arith.constant 0 : i32
      %dma_wait3A_364 = tpu.memref_slice %arg2[%dma_wait3A_362, %dma_wait3A_363] : memref<10000x128xf32, #tpu.memory_space<hbm>> -> memref<10000x128xf32, #tpu.memory_space<hbm>>
      tpu.wait_indirect_dma semaphore(%arg15 : memref<!tpu.dma_semaphore, #tpu.memory_space<semaphore_mem>>) src(%dma_wait3A_364 : memref<10000x128xf32, #tpu.memory_space<hbm>>) dst(%dma_wait3A_358 : memref<125x128xf32, #tpu.memory_space<vmem>>)
      %dma_start3A_365 = arith.constant 6 : i32
      %dma_start3A_366 = arith.constant 0 : i32
      %dma_start3A_367 = arith.constant 0 : i32
      %dma_start3A_368 = tpu.memref_slice %arg12[%dma_start3A_366, %dma_start3A_367] : memref<256x128xf32, #tpu.memory_space<vmem>> -> memref<125x128xf32, #tpu.memory_space<vmem>>
      %dma_start3A_369 = arith.constant 0 : i32
      %dma_start3A_370 = tpu.memref_slice %arg11[%dma_start3A_365, %dma_start3A_369] : memref<8x125xi32, #tpu.memory_space<vmem>> -> memref<1x125xi32, #tpu.memory_space<vmem>>
      %dma_start3A_371 = tpu.memref_squeeze %dma_start3A_370 : memref<1x125xi32, #tpu.memory_space<vmem>> -> memref<125xi32, #tpu.memory_space<vmem>>
      %dma_start3A_372 = arith.constant 0 : i32
      %dma_start3A_373 = arith.constant 0 : i32
      %dma_start3A_374 = tpu.memref_slice %arg8[%dma_start3A_372, %dma_start3A_373] : memref<10240x128xf32, #tpu.memory_space<vmem_shared>> -> memref<10240x128xf32, #tpu.memory_space<vmem_shared>>
      tpu.enqueue_indirect_dma source(%dma_start3A_368 : memref<125x128xf32, #tpu.memory_space<vmem>>) target(%dma_start3A_374 : memref<10240x128xf32, #tpu.memory_space<vmem_shared>>) offsets(%dma_start3A_371 : memref<125xi32, #tpu.memory_space<vmem>>) semaphore(%arg17 : memref<!tpu.dma_semaphore, #tpu.memory_space<semaphore_mem>>) {add = true}
      %run_scoped3A_375 = arith.constant 6 : i32
      "tpu.region"() ({
        %run_scoped3A_418 = tpu.sem_alloc : memref<!tpu.dma_semaphore, #tpu.memory_space<semaphore_mem>>
        %dma_start3A_419 = arith.constant 0 : i32
        %dma_start3A_420 = tpu.memref_slice %arg11[%run_scoped3A_375, %dma_start3A_419] : memref<8x125xi32, #tpu.memory_space<vmem>> -> memref<1x125xi32, #tpu.memory_space<vmem>>
        %dma_start3A_421 = tpu.memref_squeeze %dma_start3A_420 : memref<1x125xi32, #tpu.memory_space<vmem>> -> memref<125xi32, #tpu.memory_space<vmem>>
        %dma_start3A_422 = arith.constant 0 : i32
        %dma_start3A_423 = arith.constant 0 : i32
        %dma_start3A_424 = tpu.memref_slice %arg9[%dma_start3A_422, %dma_start3A_423] : memref<10240x16xf32, #tpu.memory_space<vmem_shared>> -> memref<10240x16xf32, #tpu.memory_space<vmem_shared>>
        tpu.enqueue_indirect_dma source(%arg13 : memref<125x16xf32, #tpu.memory_space<vmem>>) target(%dma_start3A_424 : memref<10240x16xf32, #tpu.memory_space<vmem_shared>>) offsets(%dma_start3A_421 : memref<125xi32, #tpu.memory_space<vmem>>) semaphore(%run_scoped3A_418 : memref<!tpu.dma_semaphore, #tpu.memory_space<semaphore_mem>>) {add = true}
        %dma_wait3A_425 = arith.constant 0 : i32
        %dma_wait3A_426 = tpu.memref_slice %arg11[%run_scoped3A_375, %dma_wait3A_425] : memref<8x125xi32, #tpu.memory_space<vmem>> -> memref<1x125xi32, #tpu.memory_space<vmem>>
        %dma_wait3A_427 = tpu.memref_squeeze %dma_wait3A_426 : memref<1x125xi32, #tpu.memory_space<vmem>> -> memref<125xi32, #tpu.memory_space<vmem>>
        %dma_wait3A_428 = arith.constant 0 : i32
        %dma_wait3A_429 = arith.constant 0 : i32
        %dma_wait3A_430 = tpu.memref_slice %arg9[%dma_wait3A_428, %dma_wait3A_429] : memref<10240x16xf32, #tpu.memory_space<vmem_shared>> -> memref<10240x16xf32, #tpu.memory_space<vmem_shared>>
        tpu.wait_indirect_dma semaphore(%run_scoped3A_418 : memref<!tpu.dma_semaphore, #tpu.memory_space<semaphore_mem>>) src(%arg13 : memref<125x16xf32, #tpu.memory_space<vmem>>) dst(%dma_wait3A_430 : memref<10240x16xf32, #tpu.memory_space<vmem_shared>>)
        tpu.yield
      }) : () -> ()
      %dma_wait3A_376 = arith.constant 7 : i32
      %dma_wait3A_377 = arith.constant 128 : i32
      %dma_wait3A_378 = arith.constant 0 : i32
      %dma_wait3A_379 = tpu.memref_slice %arg12[%dma_wait3A_377, %dma_wait3A_378] : memref<256x128xf32, #tpu.memory_space<vmem>> -> memref<125x128xf32, #tpu.memory_space<vmem>>
      %dma_wait3A_380 = arith.constant 0 : i32
      %dma_wait3A_381 = tpu.memref_slice %arg10[%dma_wait3A_376, %dma_wait3A_380] : memref<8x125xi32, #tpu.memory_space<vmem>> -> memref<1x125xi32, #tpu.memory_space<vmem>>
      %dma_wait3A_382 = tpu.memref_squeeze %dma_wait3A_381 : memref<1x125xi32, #tpu.memory_space<vmem>> -> memref<125xi32, #tpu.memory_space<vmem>>
      %dma_wait3A_383 = arith.constant 0 : i32
      %dma_wait3A_384 = arith.constant 0 : i32
      %dma_wait3A_385 = tpu.memref_slice %arg2[%dma_wait3A_383, %dma_wait3A_384] : memref<10000x128xf32, #tpu.memory_space<hbm>> -> memref<10000x128xf32, #tpu.memory_space<hbm>>
      tpu.wait_indirect_dma semaphore(%arg16 : memref<!tpu.dma_semaphore, #tpu.memory_space<semaphore_mem>>) src(%dma_wait3A_385 : memref<10000x128xf32, #tpu.memory_space<hbm>>) dst(%dma_wait3A_379 : memref<125x128xf32, #tpu.memory_space<vmem>>)
      %dma_start3A_386 = arith.constant 7 : i32
      %dma_start3A_387 = arith.constant 128 : i32
      %dma_start3A_388 = arith.constant 0 : i32
      %dma_start3A_389 = tpu.memref_slice %arg12[%dma_start3A_387, %dma_start3A_388] : memref<256x128xf32, #tpu.memory_space<vmem>> -> memref<125x128xf32, #tpu.memory_space<vmem>>
      %dma_start3A_390 = arith.constant 0 : i32
      %dma_start3A_391 = tpu.memref_slice %arg11[%dma_start3A_386, %dma_start3A_390] : memref<8x125xi32, #tpu.memory_space<vmem>> -> memref<1x125xi32, #tpu.memory_space<vmem>>
      %dma_start3A_392 = tpu.memref_squeeze %dma_start3A_391 : memref<1x125xi32, #tpu.memory_space<vmem>> -> memref<125xi32, #tpu.memory_space<vmem>>
      %dma_start3A_393 = arith.constant 0 : i32
      %dma_start3A_394 = arith.constant 0 : i32
      %dma_start3A_395 = tpu.memref_slice %arg8[%dma_start3A_393, %dma_start3A_394] : memref<10240x128xf32, #tpu.memory_space<vmem_shared>> -> memref<10240x128xf32, #tpu.memory_space<vmem_shared>>
      tpu.enqueue_indirect_dma source(%dma_start3A_389 : memref<125x128xf32, #tpu.memory_space<vmem>>) target(%dma_start3A_395 : memref<10240x128xf32, #tpu.memory_space<vmem_shared>>) offsets(%dma_start3A_392 : memref<125xi32, #tpu.memory_space<vmem>>) semaphore(%arg18 : memref<!tpu.dma_semaphore, #tpu.memory_space<semaphore_mem>>) {add = true}
      %run_scoped3A_396 = arith.constant 7 : i32
      "tpu.region"() ({
        %run_scoped3A_418 = tpu.sem_alloc : memref<!tpu.dma_semaphore, #tpu.memory_space<semaphore_mem>>
        %dma_start3A_419 = arith.constant 0 : i32
        %dma_start3A_420 = tpu.memref_slice %arg11[%run_scoped3A_396, %dma_start3A_419] : memref<8x125xi32, #tpu.memory_space<vmem>> -> memref<1x125xi32, #tpu.memory_space<vmem>>
        %dma_start3A_421 = tpu.memref_squeeze %dma_start3A_420 : memref<1x125xi32, #tpu.memory_space<vmem>> -> memref<125xi32, #tpu.memory_space<vmem>>
        %dma_start3A_422 = arith.constant 0 : i32
        %dma_start3A_423 = arith.constant 0 : i32
        %dma_start3A_424 = tpu.memref_slice %arg9[%dma_start3A_422, %dma_start3A_423] : memref<10240x16xf32, #tpu.memory_space<vmem_shared>> -> memref<10240x16xf32, #tpu.memory_space<vmem_shared>>
        tpu.enqueue_indirect_dma source(%arg13 : memref<125x16xf32, #tpu.memory_space<vmem>>) target(%dma_start3A_424 : memref<10240x16xf32, #tpu.memory_space<vmem_shared>>) offsets(%dma_start3A_421 : memref<125xi32, #tpu.memory_space<vmem>>) semaphore(%run_scoped3A_418 : memref<!tpu.dma_semaphore, #tpu.memory_space<semaphore_mem>>) {add = true}
        %dma_wait3A_425 = arith.constant 0 : i32
        %dma_wait3A_426 = tpu.memref_slice %arg11[%run_scoped3A_396, %dma_wait3A_425] : memref<8x125xi32, #tpu.memory_space<vmem>> -> memref<1x125xi32, #tpu.memory_space<vmem>>
        %dma_wait3A_427 = tpu.memref_squeeze %dma_wait3A_426 : memref<1x125xi32, #tpu.memory_space<vmem>> -> memref<125xi32, #tpu.memory_space<vmem>>
        %dma_wait3A_428 = arith.constant 0 : i32
        %dma_wait3A_429 = arith.constant 0 : i32
        %dma_wait3A_430 = tpu.memref_slice %arg9[%dma_wait3A_428, %dma_wait3A_429] : memref<10240x16xf32, #tpu.memory_space<vmem_shared>> -> memref<10240x16xf32, #tpu.memory_space<vmem_shared>>
        tpu.wait_indirect_dma semaphore(%run_scoped3A_418 : memref<!tpu.dma_semaphore, #tpu.memory_space<semaphore_mem>>) src(%arg13 : memref<125x16xf32, #tpu.memory_space<vmem>>) dst(%dma_wait3A_430 : memref<10240x16xf32, #tpu.memory_space<vmem_shared>>)
        tpu.yield
      }) : () -> ()
      %dma_wait3A_397 = arith.constant 6 : i32
      %dma_wait3A_398 = arith.constant 0 : i32
      %dma_wait3A_399 = arith.constant 0 : i32
      %dma_wait3A_400 = tpu.memref_slice %arg12[%dma_wait3A_398, %dma_wait3A_399] : memref<256x128xf32, #tpu.memory_space<vmem>> -> memref<125x128xf32, #tpu.memory_space<vmem>>
      %dma_wait3A_401 = arith.constant 0 : i32
      %dma_wait3A_402 = tpu.memref_slice %arg11[%dma_wait3A_397, %dma_wait3A_401] : memref<8x125xi32, #tpu.memory_space<vmem>> -> memref<1x125xi32, #tpu.memory_space<vmem>>
      %dma_wait3A_403 = tpu.memref_squeeze %dma_wait3A_402 : memref<1x125xi32, #tpu.memory_space<vmem>> -> memref<125xi32, #tpu.memory_space<vmem>>
      %dma_wait3A_404 = arith.constant 0 : i32
      %dma_wait3A_405 = arith.constant 0 : i32
      %dma_wait3A_406 = tpu.memref_slice %arg8[%dma_wait3A_404, %dma_wait3A_405] : memref<10240x128xf32, #tpu.memory_space<vmem_shared>> -> memref<10240x128xf32, #tpu.memory_space<vmem_shared>>
      tpu.wait_indirect_dma semaphore(%arg17 : memref<!tpu.dma_semaphore, #tpu.memory_space<semaphore_mem>>) src(%dma_wait3A_400 : memref<125x128xf32, #tpu.memory_space<vmem>>) dst(%dma_wait3A_406 : memref<10240x128xf32, #tpu.memory_space<vmem_shared>>)
      %dma_wait3A_407 = arith.constant 7 : i32
      %dma_wait3A_408 = arith.constant 128 : i32
      %dma_wait3A_409 = arith.constant 0 : i32
      %dma_wait3A_410 = tpu.memref_slice %arg12[%dma_wait3A_408, %dma_wait3A_409] : memref<256x128xf32, #tpu.memory_space<vmem>> -> memref<125x128xf32, #tpu.memory_space<vmem>>
      %dma_wait3A_411 = arith.constant 0 : i32
      %dma_wait3A_412 = tpu.memref_slice %arg11[%dma_wait3A_407, %dma_wait3A_411] : memref<8x125xi32, #tpu.memory_space<vmem>> -> memref<1x125xi32, #tpu.memory_space<vmem>>
      %dma_wait3A_413 = tpu.memref_squeeze %dma_wait3A_412 : memref<1x125xi32, #tpu.memory_space<vmem>> -> memref<125xi32, #tpu.memory_space<vmem>>
      %dma_wait3A_414 = arith.constant 0 : i32
      %dma_wait3A_415 = arith.constant 0 : i32
      %dma_wait3A_416 = tpu.memref_slice %arg8[%dma_wait3A_414, %dma_wait3A_415] : memref<10240x128xf32, #tpu.memory_space<vmem_shared>> -> memref<10240x128xf32, #tpu.memory_space<vmem_shared>>
      tpu.wait_indirect_dma semaphore(%arg18 : memref<!tpu.dma_semaphore, #tpu.memory_space<semaphore_mem>>) src(%dma_wait3A_410 : memref<125x128xf32, #tpu.memory_space<vmem>>) dst(%dma_wait3A_416 : memref<10240x128xf32, #tpu.memory_space<vmem_shared>>)
      %scan3A_417 = arith.constant 0 : i32
      scf.yield %scan3A_417 : i32
    }
    %scan3A_62 = arith.constant 10 : i32
    %barrier3A_63 = arith.constant 0 : index
    tpu.barrier barrier_id(%barrier3A_63)
    %mul3A_64 = arith.constant 640 : i32
    %mul3A_65 = arith.muli %arg1, %mul3A_64 : i32
    %add3A_66 = arith.constant 0 : i32
    %add3A_67 = arith.addi %mul3A_65, %add3A_66 : i32
    "tpu.region"() ({
      %run_scoped3A = tpu.sem_alloc : memref<!tpu.dma_semaphore, #tpu.memory_space<semaphore_mem>>
      %dma_start3A = arith.constant 0 : i32
      %dma_start3A_84 = tpu.memref_slice %arg6[%arg0, %add3A_67, %dma_start3A] : memref<2x10240x128xf32, #tpu.memory_space<hbm>> -> memref<1x128x128xf32, #tpu.memory_space<hbm>>
      %dma_start3A_85 = tpu.memref_squeeze %dma_start3A_84 : memref<1x128x128xf32, #tpu.memory_space<hbm>> -> memref<128x128xf32, #tpu.memory_space<hbm>>
      %dma_start3A_86 = arith.constant 0 : i32
      %dma_start3A_87 = tpu.memref_slice %arg8[%add3A_67, %dma_start3A_86] : memref<10240x128xf32, #tpu.memory_space<vmem_shared>> -> memref<128x128xf32, #tpu.memory_space<vmem_shared>>
      tpu.enqueue_dma source(%dma_start3A_87 : memref<128x128xf32, #tpu.memory_space<vmem_shared>>) target(%dma_start3A_85 : memref<128x128xf32, #tpu.memory_space<hbm>>) target_semaphore(%run_scoped3A : memref<!tpu.dma_semaphore, #tpu.memory_space<semaphore_mem>>)
      %dma_wait3A = arith.constant 0 : i32
      %dma_wait3A_88 = tpu.memref_slice %arg6[%arg0, %add3A_67, %dma_wait3A] : memref<2x10240x128xf32, #tpu.memory_space<hbm>> -> memref<1x128x128xf32, #tpu.memory_space<hbm>>
      %dma_wait3A_89 = tpu.memref_squeeze %dma_wait3A_88 : memref<1x128x128xf32, #tpu.memory_space<hbm>> -> memref<128x128xf32, #tpu.memory_space<hbm>>
      %dma_wait3A_90 = arith.constant 0 : i32
      %dma_wait3A_91 = tpu.memref_slice %arg8[%add3A_67, %dma_wait3A_90] : memref<10240x128xf32, #tpu.memory_space<vmem_shared>> -> memref<128x128xf32, #tpu.memory_space<vmem_shared>>
      tpu.wait_dma2 semaphore(%run_scoped3A : memref<!tpu.dma_semaphore, #tpu.memory_space<semaphore_mem>>) src(%dma_wait3A_91 : memref<128x128xf32, #tpu.memory_space<vmem_shared>>) dst(%dma_wait3A_89 : memref<128x128xf32, #tpu.memory_space<hbm>>)
      tpu.yield
    }) : () -> ()
    "tpu.region"() ({
      %run_scoped3A = tpu.sem_alloc : memref<!tpu.dma_semaphore, #tpu.memory_space<semaphore_mem>>
      %dma_start3A = arith.constant 0 : i32
      %dma_start3A_84 = tpu.memref_slice %arg7[%arg0, %add3A_67, %dma_start3A] : memref<2x10240x16xf32, #tpu.memory_space<hbm>> -> memref<1x128x16xf32, #tpu.memory_space<hbm>>
      %dma_start3A_85 = tpu.memref_squeeze %dma_start3A_84 : memref<1x128x16xf32, #tpu.memory_space<hbm>> -> memref<128x16xf32, #tpu.memory_space<hbm>>
      %dma_start3A_86 = arith.constant 0 : i32
      %dma_start3A_87 = tpu.memref_slice %arg9[%add3A_67, %dma_start3A_86] : memref<10240x16xf32, #tpu.memory_space<vmem_shared>> -> memref<128x16xf32, #tpu.memory_space<vmem_shared>>
      tpu.enqueue_dma source(%dma_start3A_87 : memref<128x16xf32, #tpu.memory_space<vmem_shared>>) target(%dma_start3A_85 : memref<128x16xf32, #tpu.memory_space<hbm>>) target_semaphore(%run_scoped3A : memref<!tpu.dma_semaphore, #tpu.memory_space<semaphore_mem>>)
      %dma_wait3A = arith.constant 0 : i32
      %dma_wait3A_88 = tpu.memref_slice %arg7[%arg0, %add3A_67, %dma_wait3A] : memref<2x10240x16xf32, #tpu.memory_space<hbm>> -> memref<1x128x16xf32, #tpu.memory_space<hbm>>
      %dma_wait3A_89 = tpu.memref_squeeze %dma_wait3A_88 : memref<1x128x16xf32, #tpu.memory_space<hbm>> -> memref<128x16xf32, #tpu.memory_space<hbm>>
      %dma_wait3A_90 = arith.constant 0 : i32
      %dma_wait3A_91 = tpu.memref_slice %arg9[%add3A_67, %dma_wait3A_90] : memref<10240x16xf32, #tpu.memory_space<vmem_shared>> -> memref<128x16xf32, #tpu.memory_space<vmem_shared>>
      tpu.wait_dma2 semaphore(%run_scoped3A : memref<!tpu.dma_semaphore, #tpu.memory_space<semaphore_mem>>) src(%dma_wait3A_91 : memref<128x16xf32, #tpu.memory_space<vmem_shared>>) dst(%dma_wait3A_89 : memref<128x16xf32, #tpu.memory_space<hbm>>)
      tpu.yield
    }) : () -> ()
    %mul3A_68 = arith.constant 640 : i32
    %mul3A_69 = arith.muli %arg1, %mul3A_68 : i32
    %add3A_70 = arith.constant 128 : i32
    %add3A_71 = arith.addi %mul3A_69, %add3A_70 : i32
    "tpu.region"() ({
      %run_scoped3A = tpu.sem_alloc : memref<!tpu.dma_semaphore, #tpu.memory_space<semaphore_mem>>
      %dma_start3A = arith.constant 0 : i32
      %dma_start3A_84 = tpu.memref_slice %arg6[%arg0, %add3A_71, %dma_start3A] : memref<2x10240x128xf32, #tpu.memory_space<hbm>> -> memref<1x128x128xf32, #tpu.memory_space<hbm>>
      %dma_start3A_85 = tpu.memref_squeeze %dma_start3A_84 : memref<1x128x128xf32, #tpu.memory_space<hbm>> -> memref<128x128xf32, #tpu.memory_space<hbm>>
      %dma_start3A_86 = arith.constant 0 : i32
      %dma_start3A_87 = tpu.memref_slice %arg8[%add3A_71, %dma_start3A_86] : memref<10240x128xf32, #tpu.memory_space<vmem_shared>> -> memref<128x128xf32, #tpu.memory_space<vmem_shared>>
      tpu.enqueue_dma source(%dma_start3A_87 : memref<128x128xf32, #tpu.memory_space<vmem_shared>>) target(%dma_start3A_85 : memref<128x128xf32, #tpu.memory_space<hbm>>) target_semaphore(%run_scoped3A : memref<!tpu.dma_semaphore, #tpu.memory_space<semaphore_mem>>)
      %dma_wait3A = arith.constant 0 : i32
      %dma_wait3A_88 = tpu.memref_slice %arg6[%arg0, %add3A_71, %dma_wait3A] : memref<2x10240x128xf32, #tpu.memory_space<hbm>> -> memref<1x128x128xf32, #tpu.memory_space<hbm>>
      %dma_wait3A_89 = tpu.memref_squeeze %dma_wait3A_88 : memref<1x128x128xf32, #tpu.memory_space<hbm>> -> memref<128x128xf32, #tpu.memory_space<hbm>>
      %dma_wait3A_90 = arith.constant 0 : i32
      %dma_wait3A_91 = tpu.memref_slice %arg8[%add3A_71, %dma_wait3A_90] : memref<10240x128xf32, #tpu.memory_space<vmem_shared>> -> memref<128x128xf32, #tpu.memory_space<vmem_shared>>
      tpu.wait_dma2 semaphore(%run_scoped3A : memref<!tpu.dma_semaphore, #tpu.memory_space<semaphore_mem>>) src(%dma_wait3A_91 : memref<128x128xf32, #tpu.memory_space<vmem_shared>>) dst(%dma_wait3A_89 : memref<128x128xf32, #tpu.memory_space<hbm>>)
      tpu.yield
    }) : () -> ()
    "tpu.region"() ({
      %run_scoped3A = tpu.sem_alloc : memref<!tpu.dma_semaphore, #tpu.memory_space<semaphore_mem>>
      %dma_start3A = arith.constant 0 : i32
      %dma_start3A_84 = tpu.memref_slice %arg7[%arg0, %add3A_71, %dma_start3A] : memref<2x10240x16xf32, #tpu.memory_space<hbm>> -> memref<1x128x16xf32, #tpu.memory_space<hbm>>
      %dma_start3A_85 = tpu.memref_squeeze %dma_start3A_84 : memref<1x128x16xf32, #tpu.memory_space<hbm>> -> memref<128x16xf32, #tpu.memory_space<hbm>>
      %dma_start3A_86 = arith.constant 0 : i32
      %dma_start3A_87 = tpu.memref_slice %arg9[%add3A_71, %dma_start3A_86] : memref<10240x16xf32, #tpu.memory_space<vmem_shared>> -> memref<128x16xf32, #tpu.memory_space<vmem_shared>>
      tpu.enqueue_dma source(%dma_start3A_87 : memref<128x16xf32, #tpu.memory_space<vmem_shared>>) target(%dma_start3A_85 : memref<128x16xf32, #tpu.memory_space<hbm>>) target_semaphore(%run_scoped3A : memref<!tpu.dma_semaphore, #tpu.memory_space<semaphore_mem>>)
      %dma_wait3A = arith.constant 0 : i32
      %dma_wait3A_88 = tpu.memref_slice %arg7[%arg0, %add3A_71, %dma_wait3A] : memref<2x10240x16xf32, #tpu.memory_space<hbm>> -> memref<1x128x16xf32, #tpu.memory_space<hbm>>
      %dma_wait3A_89 = tpu.memref_squeeze %dma_wait3A_88 : memref<1x128x16xf32, #tpu.memory_space<hbm>> -> memref<128x16xf32, #tpu.memory_space<hbm>>
      %dma_wait3A_90 = arith.constant 0 : i32
      %dma_wait3A_91 = tpu.memref_slice %arg9[%add3A_71, %dma_wait3A_90] : memref<10240x16xf32, #tpu.memory_space<vmem_shared>> -> memref<128x16xf32, #tpu.memory_space<vmem_shared>>
      tpu.wait_dma2 semaphore(%run_scoped3A : memref<!tpu.dma_semaphore, #tpu.memory_space<semaphore_mem>>) src(%dma_wait3A_91 : memref<128x16xf32, #tpu.memory_space<vmem_shared>>) dst(%dma_wait3A_89 : memref<128x16xf32, #tpu.memory_space<hbm>>)
      tpu.yield
    }) : () -> ()
    %mul3A_72 = arith.constant 640 : i32
    %mul3A_73 = arith.muli %arg1, %mul3A_72 : i32
    %add3A_74 = arith.constant 256 : i32
    %add3A_75 = arith.addi %mul3A_73, %add3A_74 : i32
    "tpu.region"() ({
      %run_scoped3A = tpu.sem_alloc : memref<!tpu.dma_semaphore, #tpu.memory_space<semaphore_mem>>
      %dma_start3A = arith.constant 0 : i32
      %dma_start3A_84 = tpu.memref_slice %arg6[%arg0, %add3A_75, %dma_start3A] : memref<2x10240x128xf32, #tpu.memory_space<hbm>> -> memref<1x128x128xf32, #tpu.memory_space<hbm>>
      %dma_start3A_85 = tpu.memref_squeeze %dma_start3A_84 : memref<1x128x128xf32, #tpu.memory_space<hbm>> -> memref<128x128xf32, #tpu.memory_space<hbm>>
      %dma_start3A_86 = arith.constant 0 : i32
      %dma_start3A_87 = tpu.memref_slice %arg8[%add3A_75, %dma_start3A_86] : memref<10240x128xf32, #tpu.memory_space<vmem_shared>> -> memref<128x128xf32, #tpu.memory_space<vmem_shared>>
      tpu.enqueue_dma source(%dma_start3A_87 : memref<128x128xf32, #tpu.memory_space<vmem_shared>>) target(%dma_start3A_85 : memref<128x128xf32, #tpu.memory_space<hbm>>) target_semaphore(%run_scoped3A : memref<!tpu.dma_semaphore, #tpu.memory_space<semaphore_mem>>)
      %dma_wait3A = arith.constant 0 : i32
      %dma_wait3A_88 = tpu.memref_slice %arg6[%arg0, %add3A_75, %dma_wait3A] : memref<2x10240x128xf32, #tpu.memory_space<hbm>> -> memref<1x128x128xf32, #tpu.memory_space<hbm>>
      %dma_wait3A_89 = tpu.memref_squeeze %dma_wait3A_88 : memref<1x128x128xf32, #tpu.memory_space<hbm>> -> memref<128x128xf32, #tpu.memory_space<hbm>>
      %dma_wait3A_90 = arith.constant 0 : i32
      %dma_wait3A_91 = tpu.memref_slice %arg8[%add3A_75, %dma_wait3A_90] : memref<10240x128xf32, #tpu.memory_space<vmem_shared>> -> memref<128x128xf32, #tpu.memory_space<vmem_shared>>
      tpu.wait_dma2 semaphore(%run_scoped3A : memref<!tpu.dma_semaphore, #tpu.memory_space<semaphore_mem>>) src(%dma_wait3A_91 : memref<128x128xf32, #tpu.memory_space<vmem_shared>>) dst(%dma_wait3A_89 : memref<128x128xf32, #tpu.memory_space<hbm>>)
      tpu.yield
    }) : () -> ()
    "tpu.region"() ({
      %run_scoped3A = tpu.sem_alloc : memref<!tpu.dma_semaphore, #tpu.memory_space<semaphore_mem>>
      %dma_start3A = arith.constant 0 : i32
      %dma_start3A_84 = tpu.memref_slice %arg7[%arg0, %add3A_75, %dma_start3A] : memref<2x10240x16xf32, #tpu.memory_space<hbm>> -> memref<1x128x16xf32, #tpu.memory_space<hbm>>
      %dma_start3A_85 = tpu.memref_squeeze %dma_start3A_84 : memref<1x128x16xf32, #tpu.memory_space<hbm>> -> memref<128x16xf32, #tpu.memory_space<hbm>>
      %dma_start3A_86 = arith.constant 0 : i32
      %dma_start3A_87 = tpu.memref_slice %arg9[%add3A_75, %dma_start3A_86] : memref<10240x16xf32, #tpu.memory_space<vmem_shared>> -> memref<128x16xf32, #tpu.memory_space<vmem_shared>>
      tpu.enqueue_dma source(%dma_start3A_87 : memref<128x16xf32, #tpu.memory_space<vmem_shared>>) target(%dma_start3A_85 : memref<128x16xf32, #tpu.memory_space<hbm>>) target_semaphore(%run_scoped3A : memref<!tpu.dma_semaphore, #tpu.memory_space<semaphore_mem>>)
      %dma_wait3A = arith.constant 0 : i32
      %dma_wait3A_88 = tpu.memref_slice %arg7[%arg0, %add3A_75, %dma_wait3A] : memref<2x10240x16xf32, #tpu.memory_space<hbm>> -> memref<1x128x16xf32, #tpu.memory_space<hbm>>
      %dma_wait3A_89 = tpu.memref_squeeze %dma_wait3A_88 : memref<1x128x16xf32, #tpu.memory_space<hbm>> -> memref<128x16xf32, #tpu.memory_space<hbm>>
      %dma_wait3A_90 = arith.constant 0 : i32
      %dma_wait3A_91 = tpu.memref_slice %arg9[%add3A_75, %dma_wait3A_90] : memref<10240x16xf32, #tpu.memory_space<vmem_shared>> -> memref<128x16xf32, #tpu.memory_space<vmem_shared>>
      tpu.wait_dma2 semaphore(%run_scoped3A : memref<!tpu.dma_semaphore, #tpu.memory_space<semaphore_mem>>) src(%dma_wait3A_91 : memref<128x16xf32, #tpu.memory_space<vmem_shared>>) dst(%dma_wait3A_89 : memref<128x16xf32, #tpu.memory_space<hbm>>)
      tpu.yield
    }) : () -> ()
    %mul3A_76 = arith.constant 640 : i32
    %mul3A_77 = arith.muli %arg1, %mul3A_76 : i32
    %add3A_78 = arith.constant 384 : i32
    %add3A_79 = arith.addi %mul3A_77, %add3A_78 : i32
    "tpu.region"() ({
      %run_scoped3A = tpu.sem_alloc : memref<!tpu.dma_semaphore, #tpu.memory_space<semaphore_mem>>
      %dma_start3A = arith.constant 0 : i32
      %dma_start3A_84 = tpu.memref_slice %arg6[%arg0, %add3A_79, %dma_start3A] : memref<2x10240x128xf32, #tpu.memory_space<hbm>> -> memref<1x128x128xf32, #tpu.memory_space<hbm>>
      %dma_start3A_85 = tpu.memref_squeeze %dma_start3A_84 : memref<1x128x128xf32, #tpu.memory_space<hbm>> -> memref<128x128xf32, #tpu.memory_space<hbm>>
      %dma_start3A_86 = arith.constant 0 : i32
      %dma_start3A_87 = tpu.memref_slice %arg8[%add3A_79, %dma_start3A_86] : memref<10240x128xf32, #tpu.memory_space<vmem_shared>> -> memref<128x128xf32, #tpu.memory_space<vmem_shared>>
      tpu.enqueue_dma source(%dma_start3A_87 : memref<128x128xf32, #tpu.memory_space<vmem_shared>>) target(%dma_start3A_85 : memref<128x128xf32, #tpu.memory_space<hbm>>) target_semaphore(%run_scoped3A : memref<!tpu.dma_semaphore, #tpu.memory_space<semaphore_mem>>)
      %dma_wait3A = arith.constant 0 : i32
      %dma_wait3A_88 = tpu.memref_slice %arg6[%arg0, %add3A_79, %dma_wait3A] : memref<2x10240x128xf32, #tpu.memory_space<hbm>> -> memref<1x128x128xf32, #tpu.memory_space<hbm>>
      %dma_wait3A_89 = tpu.memref_squeeze %dma_wait3A_88 : memref<1x128x128xf32, #tpu.memory_space<hbm>> -> memref<128x128xf32, #tpu.memory_space<hbm>>
      %dma_wait3A_90 = arith.constant 0 : i32
      %dma_wait3A_91 = tpu.memref_slice %arg8[%add3A_79, %dma_wait3A_90] : memref<10240x128xf32, #tpu.memory_space<vmem_shared>> -> memref<128x128xf32, #tpu.memory_space<vmem_shared>>
      tpu.wait_dma2 semaphore(%run_scoped3A : memref<!tpu.dma_semaphore, #tpu.memory_space<semaphore_mem>>) src(%dma_wait3A_91 : memref<128x128xf32, #tpu.memory_space<vmem_shared>>) dst(%dma_wait3A_89 : memref<128x128xf32, #tpu.memory_space<hbm>>)
      tpu.yield
    }) : () -> ()
    "tpu.region"() ({
      %run_scoped3A = tpu.sem_alloc : memref<!tpu.dma_semaphore, #tpu.memory_space<semaphore_mem>>
      %dma_start3A = arith.constant 0 : i32
      %dma_start3A_84 = tpu.memref_slice %arg7[%arg0, %add3A_79, %dma_start3A] : memref<2x10240x16xf32, #tpu.memory_space<hbm>> -> memref<1x128x16xf32, #tpu.memory_space<hbm>>
      %dma_start3A_85 = tpu.memref_squeeze %dma_start3A_84 : memref<1x128x16xf32, #tpu.memory_space<hbm>> -> memref<128x16xf32, #tpu.memory_space<hbm>>
      %dma_start3A_86 = arith.constant 0 : i32
      %dma_start3A_87 = tpu.memref_slice %arg9[%add3A_79, %dma_start3A_86] : memref<10240x16xf32, #tpu.memory_space<vmem_shared>> -> memref<128x16xf32, #tpu.memory_space<vmem_shared>>
      tpu.enqueue_dma source(%dma_start3A_87 : memref<128x16xf32, #tpu.memory_space<vmem_shared>>) target(%dma_start3A_85 : memref<128x16xf32, #tpu.memory_space<hbm>>) target_semaphore(%run_scoped3A : memref<!tpu.dma_semaphore, #tpu.memory_space<semaphore_mem>>)
      %dma_wait3A = arith.constant 0 : i32
      %dma_wait3A_88 = tpu.memref_slice %arg7[%arg0, %add3A_79, %dma_wait3A] : memref<2x10240x16xf32, #tpu.memory_space<hbm>> -> memref<1x128x16xf32, #tpu.memory_space<hbm>>
      %dma_wait3A_89 = tpu.memref_squeeze %dma_wait3A_88 : memref<1x128x16xf32, #tpu.memory_space<hbm>> -> memref<128x16xf32, #tpu.memory_space<hbm>>
      %dma_wait3A_90 = arith.constant 0 : i32
      %dma_wait3A_91 = tpu.memref_slice %arg9[%add3A_79, %dma_wait3A_90] : memref<10240x16xf32, #tpu.memory_space<vmem_shared>> -> memref<128x16xf32, #tpu.memory_space<vmem_shared>>
      tpu.wait_dma2 semaphore(%run_scoped3A : memref<!tpu.dma_semaphore, #tpu.memory_space<semaphore_mem>>) src(%dma_wait3A_91 : memref<128x16xf32, #tpu.memory_space<vmem_shared>>) dst(%dma_wait3A_89 : memref<128x16xf32, #tpu.memory_space<hbm>>)
      tpu.yield
    }) : () -> ()
    %mul3A_80 = arith.constant 640 : i32
    %mul3A_81 = arith.muli %arg1, %mul3A_80 : i32
    %add3A_82 = arith.constant 512 : i32
    %add3A_83 = arith.addi %mul3A_81, %add3A_82 : i32
    "tpu.region"() ({
      %run_scoped3A = tpu.sem_alloc : memref<!tpu.dma_semaphore, #tpu.memory_space<semaphore_mem>>
      %dma_start3A = arith.constant 0 : i32
      %dma_start3A_84 = tpu.memref_slice %arg6[%arg0, %add3A_83, %dma_start3A] : memref<2x10240x128xf32, #tpu.memory_space<hbm>> -> memref<1x128x128xf32, #tpu.memory_space<hbm>>
      %dma_start3A_85 = tpu.memref_squeeze %dma_start3A_84 : memref<1x128x128xf32, #tpu.memory_space<hbm>> -> memref<128x128xf32, #tpu.memory_space<hbm>>
      %dma_start3A_86 = arith.constant 0 : i32
      %dma_start3A_87 = tpu.memref_slice %arg8[%add3A_83, %dma_start3A_86] : memref<10240x128xf32, #tpu.memory_space<vmem_shared>> -> memref<128x128xf32, #tpu.memory_space<vmem_shared>>
      tpu.enqueue_dma source(%dma_start3A_87 : memref<128x128xf32, #tpu.memory_space<vmem_shared>>) target(%dma_start3A_85 : memref<128x128xf32, #tpu.memory_space<hbm>>) target_semaphore(%run_scoped3A : memref<!tpu.dma_semaphore, #tpu.memory_space<semaphore_mem>>)
      %dma_wait3A = arith.constant 0 : i32
      %dma_wait3A_88 = tpu.memref_slice %arg6[%arg0, %add3A_83, %dma_wait3A] : memref<2x10240x128xf32, #tpu.memory_space<hbm>> -> memref<1x128x128xf32, #tpu.memory_space<hbm>>
      %dma_wait3A_89 = tpu.memref_squeeze %dma_wait3A_88 : memref<1x128x128xf32, #tpu.memory_space<hbm>> -> memref<128x128xf32, #tpu.memory_space<hbm>>
      %dma_wait3A_90 = arith.constant 0 : i32
      %dma_wait3A_91 = tpu.memref_slice %arg8[%add3A_83, %dma_wait3A_90] : memref<10240x128xf32, #tpu.memory_space<vmem_shared>> -> memref<128x128xf32, #tpu.memory_space<vmem_shared>>
      tpu.wait_dma2 semaphore(%run_scoped3A : memref<!tpu.dma_semaphore, #tpu.memory_space<semaphore_mem>>) src(%dma_wait3A_91 : memref<128x128xf32, #tpu.memory_space<vmem_shared>>) dst(%dma_wait3A_89 : memref<128x128xf32, #tpu.memory_space<hbm>>)
      tpu.yield
    }) : () -> ()
    "tpu.region"() ({
      %run_scoped3A = tpu.sem_alloc : memref<!tpu.dma_semaphore, #tpu.memory_space<semaphore_mem>>
      %dma_start3A = arith.constant 0 : i32
      %dma_start3A_84 = tpu.memref_slice %arg7[%arg0, %add3A_83, %dma_start3A] : memref<2x10240x16xf32, #tpu.memory_space<hbm>> -> memref<1x128x16xf32, #tpu.memory_space<hbm>>
      %dma_start3A_85 = tpu.memref_squeeze %dma_start3A_84 : memref<1x128x16xf32, #tpu.memory_space<hbm>> -> memref<128x16xf32, #tpu.memory_space<hbm>>
      %dma_start3A_86 = arith.constant 0 : i32
      %dma_start3A_87 = tpu.memref_slice %arg9[%add3A_83, %dma_start3A_86] : memref<10240x16xf32, #tpu.memory_space<vmem_shared>> -> memref<128x16xf32, #tpu.memory_space<vmem_shared>>
      tpu.enqueue_dma source(%dma_start3A_87 : memref<128x16xf32, #tpu.memory_space<vmem_shared>>) target(%dma_start3A_85 : memref<128x16xf32, #tpu.memory_space<hbm>>) target_semaphore(%run_scoped3A : memref<!tpu.dma_semaphore, #tpu.memory_space<semaphore_mem>>)
      %dma_wait3A = arith.constant 0 : i32
      %dma_wait3A_88 = tpu.memref_slice %arg7[%arg0, %add3A_83, %dma_wait3A] : memref<2x10240x16xf32, #tpu.memory_space<hbm>> -> memref<1x128x16xf32, #tpu.memory_space<hbm>>
      %dma_wait3A_89 = tpu.memref_squeeze %dma_wait3A_88 : memref<1x128x16xf32, #tpu.memory_space<hbm>> -> memref<128x16xf32, #tpu.memory_space<hbm>>
      %dma_wait3A_90 = arith.constant 0 : i32
      %dma_wait3A_91 = tpu.memref_slice %arg9[%add3A_83, %dma_wait3A_90] : memref<10240x16xf32, #tpu.memory_space<vmem_shared>> -> memref<128x16xf32, #tpu.memory_space<vmem_shared>>
      tpu.wait_dma2 semaphore(%run_scoped3A : memref<!tpu.dma_semaphore, #tpu.memory_space<semaphore_mem>>) src(%dma_wait3A_91 : memref<128x16xf32, #tpu.memory_space<vmem_shared>>) dst(%dma_wait3A_89 : memref<128x16xf32, #tpu.memory_space<hbm>>)
      tpu.yield
    }) : () -> ()
    return
  }
}

#map = affine_map<(d0, d1) -> (0, 0)>
#map1 = affine_map<(d0, d1) -> (0, 0, 0)>
module attributes {stable_mosaic.version = 14 : i64} {
  func.func @_sc_agg_body(%arg0: i32, %arg1: i32, %arg2: memref<10000x128xf32, #tpu.memory_space<hbm>>, %arg3: memref<2560x125xi32, #tpu.memory_space<hbm>>, %arg4: memref<2560x125xi32, #tpu.memory_space<hbm>>, %arg5: memref<128x128xf32, #tpu.memory_space<hbm>>, %arg6: memref<2x10240x128xf32, #tpu.memory_space<hbm>>, %arg7: memref<10240x128xf32, #tpu.memory_space<vmem_shared>>, %arg8: memref<8x125xi32, #tpu.memory_space<vmem>>, %arg9: memref<8x125xi32, #tpu.memory_space<vmem>>, %arg10: memref<256x128xf32, #tpu.memory_space<vmem>>, %arg11: memref<!tpu.dma_semaphore, #tpu.memory_space<semaphore_mem>>, %arg12: memref<!tpu.dma_semaphore, #tpu.memory_space<semaphore_mem>>, %arg13: memref<!tpu.dma_semaphore, #tpu.memory_space<semaphore_mem>>, %arg14: memref<!tpu.dma_semaphore, #tpu.memory_space<semaphore_mem>>) attributes {dimension_semantics = [#tpu.dimension_semantics<core_parallel>, #tpu.dimension_semantics<subcore_parallel>], iteration_bounds = array<i64: 2, 16>, scalar_prefetch = 0 : i64, scratch_operands = 8 : i64, tpu.core_type = #tpu.core_type<sc_vector_subcore>, window_params = [{transform_indices = #map}, {transform_indices = #map}, {transform_indices = #map}, {transform_indices = #map}, {transform_indices = #map1}]} {
    %mul3A = arith.constant 640 : i32
    %mul3A_0 = arith.muli %arg1, %mul3A : i32
    %add3A = arith.constant 0 : i32
    %add3A_1 = arith.addi %mul3A_0, %add3A : i32
    "tpu.region"() ({
      %run_scoped3A = tpu.sem_alloc : memref<!tpu.dma_semaphore, #tpu.memory_space<semaphore_mem>>
      %dma_start3A = arith.constant 0 : i32
      %dma_start3A_50 = tpu.memref_slice %arg7[%add3A_1, %dma_start3A] : memref<10240x128xf32, #tpu.memory_space<vmem_shared>> -> memref<128x128xf32, #tpu.memory_space<vmem_shared>>
      tpu.enqueue_dma source(%arg5 : memref<128x128xf32, #tpu.memory_space<hbm>>) target(%dma_start3A_50 : memref<128x128xf32, #tpu.memory_space<vmem_shared>>) target_semaphore(%run_scoped3A : memref<!tpu.dma_semaphore, #tpu.memory_space<semaphore_mem>>)
      %dma_wait3A = arith.constant 0 : i32
      %dma_wait3A_51 = tpu.memref_slice %arg7[%add3A_1, %dma_wait3A] : memref<10240x128xf32, #tpu.memory_space<vmem_shared>> -> memref<128x128xf32, #tpu.memory_space<vmem_shared>>
      tpu.wait_dma2 semaphore(%run_scoped3A : memref<!tpu.dma_semaphore, #tpu.memory_space<semaphore_mem>>) src(%arg5 : memref<128x128xf32, #tpu.memory_space<hbm>>) dst(%dma_wait3A_51 : memref<128x128xf32, #tpu.memory_space<vmem_shared>>)
      tpu.yield
    }) : () -> ()
    %mul3A_2 = arith.constant 640 : i32
    %mul3A_3 = arith.muli %arg1, %mul3A_2 : i32
    %add3A_4 = arith.constant 128 : i32
    %add3A_5 = arith.addi %mul3A_3, %add3A_4 : i32
    "tpu.region"() ({
      %run_scoped3A = tpu.sem_alloc : memref<!tpu.dma_semaphore, #tpu.memory_space<semaphore_mem>>
      %dma_start3A = arith.constant 0 : i32
      %dma_start3A_50 = tpu.memref_slice %arg7[%add3A_5, %dma_start3A] : memref<10240x128xf32, #tpu.memory_space<vmem_shared>> -> memref<128x128xf32, #tpu.memory_space<vmem_shared>>
      tpu.enqueue_dma source(%arg5 : memref<128x128xf32, #tpu.memory_space<hbm>>) target(%dma_start3A_50 : memref<128x128xf32, #tpu.memory_space<vmem_shared>>) target_semaphore(%run_scoped3A : memref<!tpu.dma_semaphore, #tpu.memory_space<semaphore_mem>>)
      %dma_wait3A = arith.constant 0 : i32
      %dma_wait3A_51 = tpu.memref_slice %arg7[%add3A_5, %dma_wait3A] : memref<10240x128xf32, #tpu.memory_space<vmem_shared>> -> memref<128x128xf32, #tpu.memory_space<vmem_shared>>
      tpu.wait_dma2 semaphore(%run_scoped3A : memref<!tpu.dma_semaphore, #tpu.memory_space<semaphore_mem>>) src(%arg5 : memref<128x128xf32, #tpu.memory_space<hbm>>) dst(%dma_wait3A_51 : memref<128x128xf32, #tpu.memory_space<vmem_shared>>)
      tpu.yield
    }) : () -> ()
    %mul3A_6 = arith.constant 640 : i32
    %mul3A_7 = arith.muli %arg1, %mul3A_6 : i32
    %add3A_8 = arith.constant 256 : i32
    %add3A_9 = arith.addi %mul3A_7, %add3A_8 : i32
    "tpu.region"() ({
      %run_scoped3A = tpu.sem_alloc : memref<!tpu.dma_semaphore, #tpu.memory_space<semaphore_mem>>
      %dma_start3A = arith.constant 0 : i32
      %dma_start3A_50 = tpu.memref_slice %arg7[%add3A_9, %dma_start3A] : memref<10240x128xf32, #tpu.memory_space<vmem_shared>> -> memref<128x128xf32, #tpu.memory_space<vmem_shared>>
      tpu.enqueue_dma source(%arg5 : memref<128x128xf32, #tpu.memory_space<hbm>>) target(%dma_start3A_50 : memref<128x128xf32, #tpu.memory_space<vmem_shared>>) target_semaphore(%run_scoped3A : memref<!tpu.dma_semaphore, #tpu.memory_space<semaphore_mem>>)
      %dma_wait3A = arith.constant 0 : i32
      %dma_wait3A_51 = tpu.memref_slice %arg7[%add3A_9, %dma_wait3A] : memref<10240x128xf32, #tpu.memory_space<vmem_shared>> -> memref<128x128xf32, #tpu.memory_space<vmem_shared>>
      tpu.wait_dma2 semaphore(%run_scoped3A : memref<!tpu.dma_semaphore, #tpu.memory_space<semaphore_mem>>) src(%arg5 : memref<128x128xf32, #tpu.memory_space<hbm>>) dst(%dma_wait3A_51 : memref<128x128xf32, #tpu.memory_space<vmem_shared>>)
      tpu.yield
    }) : () -> ()
    %mul3A_10 = arith.constant 640 : i32
    %mul3A_11 = arith.muli %arg1, %mul3A_10 : i32
    %add3A_12 = arith.constant 384 : i32
    %add3A_13 = arith.addi %mul3A_11, %add3A_12 : i32
    "tpu.region"() ({
      %run_scoped3A = tpu.sem_alloc : memref<!tpu.dma_semaphore, #tpu.memory_space<semaphore_mem>>
      %dma_start3A = arith.constant 0 : i32
      %dma_start3A_50 = tpu.memref_slice %arg7[%add3A_13, %dma_start3A] : memref<10240x128xf32, #tpu.memory_space<vmem_shared>> -> memref<128x128xf32, #tpu.memory_space<vmem_shared>>
      tpu.enqueue_dma source(%arg5 : memref<128x128xf32, #tpu.memory_space<hbm>>) target(%dma_start3A_50 : memref<128x128xf32, #tpu.memory_space<vmem_shared>>) target_semaphore(%run_scoped3A : memref<!tpu.dma_semaphore, #tpu.memory_space<semaphore_mem>>)
      %dma_wait3A = arith.constant 0 : i32
      %dma_wait3A_51 = tpu.memref_slice %arg7[%add3A_13, %dma_wait3A] : memref<10240x128xf32, #tpu.memory_space<vmem_shared>> -> memref<128x128xf32, #tpu.memory_space<vmem_shared>>
      tpu.wait_dma2 semaphore(%run_scoped3A : memref<!tpu.dma_semaphore, #tpu.memory_space<semaphore_mem>>) src(%arg5 : memref<128x128xf32, #tpu.memory_space<hbm>>) dst(%dma_wait3A_51 : memref<128x128xf32, #tpu.memory_space<vmem_shared>>)
      tpu.yield
    }) : () -> ()
    %mul3A_14 = arith.constant 640 : i32
    %mul3A_15 = arith.muli %arg1, %mul3A_14 : i32
    %add3A_16 = arith.constant 512 : i32
    %add3A_17 = arith.addi %mul3A_15, %add3A_16 : i32
    "tpu.region"() ({
      %run_scoped3A = tpu.sem_alloc : memref<!tpu.dma_semaphore, #tpu.memory_space<semaphore_mem>>
      %dma_start3A = arith.constant 0 : i32
      %dma_start3A_50 = tpu.memref_slice %arg7[%add3A_17, %dma_start3A] : memref<10240x128xf32, #tpu.memory_space<vmem_shared>> -> memref<128x128xf32, #tpu.memory_space<vmem_shared>>
      tpu.enqueue_dma source(%arg5 : memref<128x128xf32, #tpu.memory_space<hbm>>) target(%dma_start3A_50 : memref<128x128xf32, #tpu.memory_space<vmem_shared>>) target_semaphore(%run_scoped3A : memref<!tpu.dma_semaphore, #tpu.memory_space<semaphore_mem>>)
      %dma_wait3A = arith.constant 0 : i32
      %dma_wait3A_51 = tpu.memref_slice %arg7[%add3A_17, %dma_wait3A] : memref<10240x128xf32, #tpu.memory_space<vmem_shared>> -> memref<128x128xf32, #tpu.memory_space<vmem_shared>>
      tpu.wait_dma2 semaphore(%run_scoped3A : memref<!tpu.dma_semaphore, #tpu.memory_space<semaphore_mem>>) src(%arg5 : memref<128x128xf32, #tpu.memory_space<hbm>>) dst(%dma_wait3A_51 : memref<128x128xf32, #tpu.memory_space<vmem_shared>>)
      tpu.yield
    }) : () -> ()
    %barrier3A = arith.constant 0 : index
    tpu.barrier barrier_id(%barrier3A)
    %mul3A_18 = arith.constant 1280 : i32
    %mul3A_19 = arith.muli %arg0, %mul3A_18 : i32
    %mul3A_20 = arith.constant 80 : i32
    %mul3A_21 = arith.muli %arg1, %mul3A_20 : i32
    %add3A_22 = arith.addi %mul3A_19, %mul3A_21 : i32
    %scan3A = arith.constant 0 : i32
    %scan3A_23 = arith.constant 0 : i32
    %scan3A_24 = arith.constant 10 : i32
    %scan3A_25 = arith.addi %scan3A_23, %scan3A_24 : i32
    %scan3A_26 = arith.constant 1 : i32
    %scan3A_27 = scf.for %scan3A_50 = %scan3A_23 to %scan3A_25 step %scan3A_26 iter_args(%scan3A_51 = %scan3A) -> (i32)  : i32 {
      %mul3A_52 = arith.constant 8 : i32
      %mul3A_53 = arith.muli %scan3A_50, %mul3A_52 : i32
      %add3A_54 = arith.addi %add3A_22, %mul3A_53 : i32
      "tpu.region"() ({
        %run_scoped3A = tpu.sem_alloc : memref<!tpu.dma_semaphore, #tpu.memory_space<semaphore_mem>>
        %dma_start3A_377 = arith.constant 0 : i32
        %dma_start3A_378 = tpu.memref_slice %arg3[%add3A_54, %dma_start3A_377] : memref<2560x125xi32, #tpu.memory_space<hbm>> -> memref<8x125xi32, #tpu.memory_space<hbm>>
        %dma_start3A_379 = arith.constant 0 : i32
        %dma_start3A_380 = tpu.memref_slice %arg3[%add3A_54, %dma_start3A_379] : memref<2560x125xi32, #tpu.memory_space<hbm>> -> memref<8x125xi32, #tpu.memory_space<hbm>>
        tpu.enqueue_dma source(%dma_start3A_380 : memref<8x125xi32, #tpu.memory_space<hbm>>) target(%arg8 : memref<8x125xi32, #tpu.memory_space<vmem>>) target_semaphore(%run_scoped3A : memref<!tpu.dma_semaphore, #tpu.memory_space<semaphore_mem>>)
        %dma_wait3A_381 = arith.constant 0 : i32
        %dma_wait3A_382 = tpu.memref_slice %arg3[%add3A_54, %dma_wait3A_381] : memref<2560x125xi32, #tpu.memory_space<hbm>> -> memref<8x125xi32, #tpu.memory_space<hbm>>
        %dma_wait3A_383 = arith.constant 0 : i32
        %dma_wait3A_384 = tpu.memref_slice %arg3[%add3A_54, %dma_wait3A_383] : memref<2560x125xi32, #tpu.memory_space<hbm>> -> memref<8x125xi32, #tpu.memory_space<hbm>>
        tpu.wait_dma2 semaphore(%run_scoped3A : memref<!tpu.dma_semaphore, #tpu.memory_space<semaphore_mem>>) src(%dma_wait3A_384 : memref<8x125xi32, #tpu.memory_space<hbm>>) dst(%arg8 : memref<8x125xi32, #tpu.memory_space<vmem>>)
        tpu.yield
      }) : () -> ()
      %mul3A_55 = arith.constant 8 : i32
      %mul3A_56 = arith.muli %scan3A_50, %mul3A_55 : i32
      %add3A_57 = arith.addi %add3A_22, %mul3A_56 : i32
      "tpu.region"() ({
        %run_scoped3A = tpu.sem_alloc : memref<!tpu.dma_semaphore, #tpu.memory_space<semaphore_mem>>
        %dma_start3A_377 = arith.constant 0 : i32
        %dma_start3A_378 = tpu.memref_slice %arg4[%add3A_57, %dma_start3A_377] : memref<2560x125xi32, #tpu.memory_space<hbm>> -> memref<8x125xi32, #tpu.memory_space<hbm>>
        %dma_start3A_379 = arith.constant 0 : i32
        %dma_start3A_380 = tpu.memref_slice %arg4[%add3A_57, %dma_start3A_379] : memref<2560x125xi32, #tpu.memory_space<hbm>> -> memref<8x125xi32, #tpu.memory_space<hbm>>
        tpu.enqueue_dma source(%dma_start3A_380 : memref<8x125xi32, #tpu.memory_space<hbm>>) target(%arg9 : memref<8x125xi32, #tpu.memory_space<vmem>>) target_semaphore(%run_scoped3A : memref<!tpu.dma_semaphore, #tpu.memory_space<semaphore_mem>>)
        %dma_wait3A_381 = arith.constant 0 : i32
        %dma_wait3A_382 = tpu.memref_slice %arg4[%add3A_57, %dma_wait3A_381] : memref<2560x125xi32, #tpu.memory_space<hbm>> -> memref<8x125xi32, #tpu.memory_space<hbm>>
        %dma_wait3A_383 = arith.constant 0 : i32
        %dma_wait3A_384 = tpu.memref_slice %arg4[%add3A_57, %dma_wait3A_383] : memref<2560x125xi32, #tpu.memory_space<hbm>> -> memref<8x125xi32, #tpu.memory_space<hbm>>
        tpu.wait_dma2 semaphore(%run_scoped3A : memref<!tpu.dma_semaphore, #tpu.memory_space<semaphore_mem>>) src(%dma_wait3A_384 : memref<8x125xi32, #tpu.memory_space<hbm>>) dst(%arg9 : memref<8x125xi32, #tpu.memory_space<vmem>>)
        tpu.yield
      }) : () -> ()
      %dma_start3A = arith.constant 0 : i32
      %dma_start3A_58 = arith.constant 0 : i32
      %dma_start3A_59 = arith.constant 0 : i32
      %dma_start3A_60 = tpu.memref_slice %arg10[%dma_start3A_58, %dma_start3A_59] : memref<256x128xf32, #tpu.memory_space<vmem>> -> memref<125x128xf32, #tpu.memory_space<vmem>>
      %dma_start3A_61 = arith.constant 0 : i32
      %dma_start3A_62 = tpu.memref_slice %arg8[%dma_start3A, %dma_start3A_61] : memref<8x125xi32, #tpu.memory_space<vmem>> -> memref<1x125xi32, #tpu.memory_space<vmem>>
      %dma_start3A_63 = tpu.memref_squeeze %dma_start3A_62 : memref<1x125xi32, #tpu.memory_space<vmem>> -> memref<125xi32, #tpu.memory_space<vmem>>
      %dma_start3A_64 = arith.constant 0 : i32
      %dma_start3A_65 = arith.constant 0 : i32
      %dma_start3A_66 = tpu.memref_slice %arg2[%dma_start3A_64, %dma_start3A_65] : memref<10000x128xf32, #tpu.memory_space<hbm>> -> memref<10000x128xf32, #tpu.memory_space<hbm>>
      tpu.enqueue_indirect_dma source(%dma_start3A_66 : memref<10000x128xf32, #tpu.memory_space<hbm>>) target(%dma_start3A_60 : memref<125x128xf32, #tpu.memory_space<vmem>>) offsets(%dma_start3A_63 : memref<125xi32, #tpu.memory_space<vmem>>) semaphore(%arg11 : memref<!tpu.dma_semaphore, #tpu.memory_space<semaphore_mem>>)
      %dma_start3A_67 = arith.constant 1 : i32
      %dma_start3A_68 = arith.constant 128 : i32
      %dma_start3A_69 = arith.constant 0 : i32
      %dma_start3A_70 = tpu.memref_slice %arg10[%dma_start3A_68, %dma_start3A_69] : memref<256x128xf32, #tpu.memory_space<vmem>> -> memref<125x128xf32, #tpu.memory_space<vmem>>
      %dma_start3A_71 = arith.constant 0 : i32
      %dma_start3A_72 = tpu.memref_slice %arg8[%dma_start3A_67, %dma_start3A_71] : memref<8x125xi32, #tpu.memory_space<vmem>> -> memref<1x125xi32, #tpu.memory_space<vmem>>
      %dma_start3A_73 = tpu.memref_squeeze %dma_start3A_72 : memref<1x125xi32, #tpu.memory_space<vmem>> -> memref<125xi32, #tpu.memory_space<vmem>>
      %dma_start3A_74 = arith.constant 0 : i32
      %dma_start3A_75 = arith.constant 0 : i32
      %dma_start3A_76 = tpu.memref_slice %arg2[%dma_start3A_74, %dma_start3A_75] : memref<10000x128xf32, #tpu.memory_space<hbm>> -> memref<10000x128xf32, #tpu.memory_space<hbm>>
      tpu.enqueue_indirect_dma source(%dma_start3A_76 : memref<10000x128xf32, #tpu.memory_space<hbm>>) target(%dma_start3A_70 : memref<125x128xf32, #tpu.memory_space<vmem>>) offsets(%dma_start3A_73 : memref<125xi32, #tpu.memory_space<vmem>>) semaphore(%arg12 : memref<!tpu.dma_semaphore, #tpu.memory_space<semaphore_mem>>)
      %dma_wait3A = arith.constant 0 : i32
      %dma_wait3A_77 = arith.constant 0 : i32
      %dma_wait3A_78 = arith.constant 0 : i32
      %dma_wait3A_79 = tpu.memref_slice %arg10[%dma_wait3A_77, %dma_wait3A_78] : memref<256x128xf32, #tpu.memory_space<vmem>> -> memref<125x128xf32, #tpu.memory_space<vmem>>
      %dma_wait3A_80 = arith.constant 0 : i32
      %dma_wait3A_81 = tpu.memref_slice %arg8[%dma_wait3A, %dma_wait3A_80] : memref<8x125xi32, #tpu.memory_space<vmem>> -> memref<1x125xi32, #tpu.memory_space<vmem>>
      %dma_wait3A_82 = tpu.memref_squeeze %dma_wait3A_81 : memref<1x125xi32, #tpu.memory_space<vmem>> -> memref<125xi32, #tpu.memory_space<vmem>>
      %dma_wait3A_83 = arith.constant 0 : i32
      %dma_wait3A_84 = arith.constant 0 : i32
      %dma_wait3A_85 = tpu.memref_slice %arg2[%dma_wait3A_83, %dma_wait3A_84] : memref<10000x128xf32, #tpu.memory_space<hbm>> -> memref<10000x128xf32, #tpu.memory_space<hbm>>
      tpu.wait_indirect_dma semaphore(%arg11 : memref<!tpu.dma_semaphore, #tpu.memory_space<semaphore_mem>>) src(%dma_wait3A_85 : memref<10000x128xf32, #tpu.memory_space<hbm>>) dst(%dma_wait3A_79 : memref<125x128xf32, #tpu.memory_space<vmem>>)
      %dma_start3A_86 = arith.constant 0 : i32
      %dma_start3A_87 = arith.constant 0 : i32
      %dma_start3A_88 = arith.constant 0 : i32
      %dma_start3A_89 = tpu.memref_slice %arg10[%dma_start3A_87, %dma_start3A_88] : memref<256x128xf32, #tpu.memory_space<vmem>> -> memref<125x128xf32, #tpu.memory_space<vmem>>
      %dma_start3A_90 = arith.constant 0 : i32
      %dma_start3A_91 = tpu.memref_slice %arg9[%dma_start3A_86, %dma_start3A_90] : memref<8x125xi32, #tpu.memory_space<vmem>> -> memref<1x125xi32, #tpu.memory_space<vmem>>
      %dma_start3A_92 = tpu.memref_squeeze %dma_start3A_91 : memref<1x125xi32, #tpu.memory_space<vmem>> -> memref<125xi32, #tpu.memory_space<vmem>>
      %dma_start3A_93 = arith.constant 0 : i32
      %dma_start3A_94 = arith.constant 0 : i32
      %dma_start3A_95 = tpu.memref_slice %arg7[%dma_start3A_93, %dma_start3A_94] : memref<10240x128xf32, #tpu.memory_space<vmem_shared>> -> memref<10240x128xf32, #tpu.memory_space<vmem_shared>>
      tpu.enqueue_indirect_dma source(%dma_start3A_89 : memref<125x128xf32, #tpu.memory_space<vmem>>) target(%dma_start3A_95 : memref<10240x128xf32, #tpu.memory_space<vmem_shared>>) offsets(%dma_start3A_92 : memref<125xi32, #tpu.memory_space<vmem>>) semaphore(%arg13 : memref<!tpu.dma_semaphore, #tpu.memory_space<semaphore_mem>>) {add = true}
      %dma_wait3A_96 = arith.constant 0 : i32
      %dma_wait3A_97 = arith.constant 0 : i32
      %dma_wait3A_98 = arith.constant 0 : i32
      %dma_wait3A_99 = tpu.memref_slice %arg10[%dma_wait3A_97, %dma_wait3A_98] : memref<256x128xf32, #tpu.memory_space<vmem>> -> memref<125x128xf32, #tpu.memory_space<vmem>>
      %dma_wait3A_100 = arith.constant 0 : i32
      %dma_wait3A_101 = tpu.memref_slice %arg9[%dma_wait3A_96, %dma_wait3A_100] : memref<8x125xi32, #tpu.memory_space<vmem>> -> memref<1x125xi32, #tpu.memory_space<vmem>>
      %dma_wait3A_102 = tpu.memref_squeeze %dma_wait3A_101 : memref<1x125xi32, #tpu.memory_space<vmem>> -> memref<125xi32, #tpu.memory_space<vmem>>
      %dma_wait3A_103 = arith.constant 0 : i32
      %dma_wait3A_104 = arith.constant 0 : i32
      %dma_wait3A_105 = tpu.memref_slice %arg7[%dma_wait3A_103, %dma_wait3A_104] : memref<10240x128xf32, #tpu.memory_space<vmem_shared>> -> memref<10240x128xf32, #tpu.memory_space<vmem_shared>>
      tpu.wait_indirect_dma semaphore(%arg13 : memref<!tpu.dma_semaphore, #tpu.memory_space<semaphore_mem>>) src(%dma_wait3A_99 : memref<125x128xf32, #tpu.memory_space<vmem>>) dst(%dma_wait3A_105 : memref<10240x128xf32, #tpu.memory_space<vmem_shared>>)
      %dma_start3A_106 = arith.constant 2 : i32
      %dma_start3A_107 = arith.constant 0 : i32
      %dma_start3A_108 = arith.constant 0 : i32
      %dma_start3A_109 = tpu.memref_slice %arg10[%dma_start3A_107, %dma_start3A_108] : memref<256x128xf32, #tpu.memory_space<vmem>> -> memref<125x128xf32, #tpu.memory_space<vmem>>
      %dma_start3A_110 = arith.constant 0 : i32
      %dma_start3A_111 = tpu.memref_slice %arg8[%dma_start3A_106, %dma_start3A_110] : memref<8x125xi32, #tpu.memory_space<vmem>> -> memref<1x125xi32, #tpu.memory_space<vmem>>
      %dma_start3A_112 = tpu.memref_squeeze %dma_start3A_111 : memref<1x125xi32, #tpu.memory_space<vmem>> -> memref<125xi32, #tpu.memory_space<vmem>>
      %dma_start3A_113 = arith.constant 0 : i32
      %dma_start3A_114 = arith.constant 0 : i32
      %dma_start3A_115 = tpu.memref_slice %arg2[%dma_start3A_113, %dma_start3A_114] : memref<10000x128xf32, #tpu.memory_space<hbm>> -> memref<10000x128xf32, #tpu.memory_space<hbm>>
      tpu.enqueue_indirect_dma source(%dma_start3A_115 : memref<10000x128xf32, #tpu.memory_space<hbm>>) target(%dma_start3A_109 : memref<125x128xf32, #tpu.memory_space<vmem>>) offsets(%dma_start3A_112 : memref<125xi32, #tpu.memory_space<vmem>>) semaphore(%arg11 : memref<!tpu.dma_semaphore, #tpu.memory_space<semaphore_mem>>)
      %dma_wait3A_116 = arith.constant 1 : i32
      %dma_wait3A_117 = arith.constant 128 : i32
      %dma_wait3A_118 = arith.constant 0 : i32
      %dma_wait3A_119 = tpu.memref_slice %arg10[%dma_wait3A_117, %dma_wait3A_118] : memref<256x128xf32, #tpu.memory_space<vmem>> -> memref<125x128xf32, #tpu.memory_space<vmem>>
      %dma_wait3A_120 = arith.constant 0 : i32
      %dma_wait3A_121 = tpu.memref_slice %arg8[%dma_wait3A_116, %dma_wait3A_120] : memref<8x125xi32, #tpu.memory_space<vmem>> -> memref<1x125xi32, #tpu.memory_space<vmem>>
      %dma_wait3A_122 = tpu.memref_squeeze %dma_wait3A_121 : memref<1x125xi32, #tpu.memory_space<vmem>> -> memref<125xi32, #tpu.memory_space<vmem>>
      %dma_wait3A_123 = arith.constant 0 : i32
      %dma_wait3A_124 = arith.constant 0 : i32
      %dma_wait3A_125 = tpu.memref_slice %arg2[%dma_wait3A_123, %dma_wait3A_124] : memref<10000x128xf32, #tpu.memory_space<hbm>> -> memref<10000x128xf32, #tpu.memory_space<hbm>>
      tpu.wait_indirect_dma semaphore(%arg12 : memref<!tpu.dma_semaphore, #tpu.memory_space<semaphore_mem>>) src(%dma_wait3A_125 : memref<10000x128xf32, #tpu.memory_space<hbm>>) dst(%dma_wait3A_119 : memref<125x128xf32, #tpu.memory_space<vmem>>)
      %dma_start3A_126 = arith.constant 1 : i32
      %dma_start3A_127 = arith.constant 128 : i32
      %dma_start3A_128 = arith.constant 0 : i32
      %dma_start3A_129 = tpu.memref_slice %arg10[%dma_start3A_127, %dma_start3A_128] : memref<256x128xf32, #tpu.memory_space<vmem>> -> memref<125x128xf32, #tpu.memory_space<vmem>>
      %dma_start3A_130 = arith.constant 0 : i32
      %dma_start3A_131 = tpu.memref_slice %arg9[%dma_start3A_126, %dma_start3A_130] : memref<8x125xi32, #tpu.memory_space<vmem>> -> memref<1x125xi32, #tpu.memory_space<vmem>>
      %dma_start3A_132 = tpu.memref_squeeze %dma_start3A_131 : memref<1x125xi32, #tpu.memory_space<vmem>> -> memref<125xi32, #tpu.memory_space<vmem>>
      %dma_start3A_133 = arith.constant 0 : i32
      %dma_start3A_134 = arith.constant 0 : i32
      %dma_start3A_135 = tpu.memref_slice %arg7[%dma_start3A_133, %dma_start3A_134] : memref<10240x128xf32, #tpu.memory_space<vmem_shared>> -> memref<10240x128xf32, #tpu.memory_space<vmem_shared>>
      tpu.enqueue_indirect_dma source(%dma_start3A_129 : memref<125x128xf32, #tpu.memory_space<vmem>>) target(%dma_start3A_135 : memref<10240x128xf32, #tpu.memory_space<vmem_shared>>) offsets(%dma_start3A_132 : memref<125xi32, #tpu.memory_space<vmem>>) semaphore(%arg14 : memref<!tpu.dma_semaphore, #tpu.memory_space<semaphore_mem>>) {add = true}
      %dma_wait3A_136 = arith.constant 1 : i32
      %dma_wait3A_137 = arith.constant 128 : i32
      %dma_wait3A_138 = arith.constant 0 : i32
      %dma_wait3A_139 = tpu.memref_slice %arg10[%dma_wait3A_137, %dma_wait3A_138] : memref<256x128xf32, #tpu.memory_space<vmem>> -> memref<125x128xf32, #tpu.memory_space<vmem>>
      %dma_wait3A_140 = arith.constant 0 : i32
      %dma_wait3A_141 = tpu.memref_slice %arg9[%dma_wait3A_136, %dma_wait3A_140] : memref<8x125xi32, #tpu.memory_space<vmem>> -> memref<1x125xi32, #tpu.memory_space<vmem>>
      %dma_wait3A_142 = tpu.memref_squeeze %dma_wait3A_141 : memref<1x125xi32, #tpu.memory_space<vmem>> -> memref<125xi32, #tpu.memory_space<vmem>>
      %dma_wait3A_143 = arith.constant 0 : i32
      %dma_wait3A_144 = arith.constant 0 : i32
      %dma_wait3A_145 = tpu.memref_slice %arg7[%dma_wait3A_143, %dma_wait3A_144] : memref<10240x128xf32, #tpu.memory_space<vmem_shared>> -> memref<10240x128xf32, #tpu.memory_space<vmem_shared>>
      tpu.wait_indirect_dma semaphore(%arg14 : memref<!tpu.dma_semaphore, #tpu.memory_space<semaphore_mem>>) src(%dma_wait3A_139 : memref<125x128xf32, #tpu.memory_space<vmem>>) dst(%dma_wait3A_145 : memref<10240x128xf32, #tpu.memory_space<vmem_shared>>)
      %dma_start3A_146 = arith.constant 3 : i32
      %dma_start3A_147 = arith.constant 128 : i32
      %dma_start3A_148 = arith.constant 0 : i32
      %dma_start3A_149 = tpu.memref_slice %arg10[%dma_start3A_147, %dma_start3A_148] : memref<256x128xf32, #tpu.memory_space<vmem>> -> memref<125x128xf32, #tpu.memory_space<vmem>>
      %dma_start3A_150 = arith.constant 0 : i32
      %dma_start3A_151 = tpu.memref_slice %arg8[%dma_start3A_146, %dma_start3A_150] : memref<8x125xi32, #tpu.memory_space<vmem>> -> memref<1x125xi32, #tpu.memory_space<vmem>>
      %dma_start3A_152 = tpu.memref_squeeze %dma_start3A_151 : memref<1x125xi32, #tpu.memory_space<vmem>> -> memref<125xi32, #tpu.memory_space<vmem>>
      %dma_start3A_153 = arith.constant 0 : i32
      %dma_start3A_154 = arith.constant 0 : i32
      %dma_start3A_155 = tpu.memref_slice %arg2[%dma_start3A_153, %dma_start3A_154] : memref<10000x128xf32, #tpu.memory_space<hbm>> -> memref<10000x128xf32, #tpu.memory_space<hbm>>
      tpu.enqueue_indirect_dma source(%dma_start3A_155 : memref<10000x128xf32, #tpu.memory_space<hbm>>) target(%dma_start3A_149 : memref<125x128xf32, #tpu.memory_space<vmem>>) offsets(%dma_start3A_152 : memref<125xi32, #tpu.memory_space<vmem>>) semaphore(%arg12 : memref<!tpu.dma_semaphore, #tpu.memory_space<semaphore_mem>>)
      %dma_wait3A_156 = arith.constant 2 : i32
      %dma_wait3A_157 = arith.constant 0 : i32
      %dma_wait3A_158 = arith.constant 0 : i32
      %dma_wait3A_159 = tpu.memref_slice %arg10[%dma_wait3A_157, %dma_wait3A_158] : memref<256x128xf32, #tpu.memory_space<vmem>> -> memref<125x128xf32, #tpu.memory_space<vmem>>
      %dma_wait3A_160 = arith.constant 0 : i32
      %dma_wait3A_161 = tpu.memref_slice %arg8[%dma_wait3A_156, %dma_wait3A_160] : memref<8x125xi32, #tpu.memory_space<vmem>> -> memref<1x125xi32, #tpu.memory_space<vmem>>
      %dma_wait3A_162 = tpu.memref_squeeze %dma_wait3A_161 : memref<1x125xi32, #tpu.memory_space<vmem>> -> memref<125xi32, #tpu.memory_space<vmem>>
      %dma_wait3A_163 = arith.constant 0 : i32
      %dma_wait3A_164 = arith.constant 0 : i32
      %dma_wait3A_165 = tpu.memref_slice %arg2[%dma_wait3A_163, %dma_wait3A_164] : memref<10000x128xf32, #tpu.memory_space<hbm>> -> memref<10000x128xf32, #tpu.memory_space<hbm>>
      tpu.wait_indirect_dma semaphore(%arg11 : memref<!tpu.dma_semaphore, #tpu.memory_space<semaphore_mem>>) src(%dma_wait3A_165 : memref<10000x128xf32, #tpu.memory_space<hbm>>) dst(%dma_wait3A_159 : memref<125x128xf32, #tpu.memory_space<vmem>>)
      %dma_start3A_166 = arith.constant 2 : i32
      %dma_start3A_167 = arith.constant 0 : i32
      %dma_start3A_168 = arith.constant 0 : i32
      %dma_start3A_169 = tpu.memref_slice %arg10[%dma_start3A_167, %dma_start3A_168] : memref<256x128xf32, #tpu.memory_space<vmem>> -> memref<125x128xf32, #tpu.memory_space<vmem>>
      %dma_start3A_170 = arith.constant 0 : i32
      %dma_start3A_171 = tpu.memref_slice %arg9[%dma_start3A_166, %dma_start3A_170] : memref<8x125xi32, #tpu.memory_space<vmem>> -> memref<1x125xi32, #tpu.memory_space<vmem>>
      %dma_start3A_172 = tpu.memref_squeeze %dma_start3A_171 : memref<1x125xi32, #tpu.memory_space<vmem>> -> memref<125xi32, #tpu.memory_space<vmem>>
      %dma_start3A_173 = arith.constant 0 : i32
      %dma_start3A_174 = arith.constant 0 : i32
      %dma_start3A_175 = tpu.memref_slice %arg7[%dma_start3A_173, %dma_start3A_174] : memref<10240x128xf32, #tpu.memory_space<vmem_shared>> -> memref<10240x128xf32, #tpu.memory_space<vmem_shared>>
      tpu.enqueue_indirect_dma source(%dma_start3A_169 : memref<125x128xf32, #tpu.memory_space<vmem>>) target(%dma_start3A_175 : memref<10240x128xf32, #tpu.memory_space<vmem_shared>>) offsets(%dma_start3A_172 : memref<125xi32, #tpu.memory_space<vmem>>) semaphore(%arg13 : memref<!tpu.dma_semaphore, #tpu.memory_space<semaphore_mem>>) {add = true}
      %dma_wait3A_176 = arith.constant 2 : i32
      %dma_wait3A_177 = arith.constant 0 : i32
      %dma_wait3A_178 = arith.constant 0 : i32
      %dma_wait3A_179 = tpu.memref_slice %arg10[%dma_wait3A_177, %dma_wait3A_178] : memref<256x128xf32, #tpu.memory_space<vmem>> -> memref<125x128xf32, #tpu.memory_space<vmem>>
      %dma_wait3A_180 = arith.constant 0 : i32
      %dma_wait3A_181 = tpu.memref_slice %arg9[%dma_wait3A_176, %dma_wait3A_180] : memref<8x125xi32, #tpu.memory_space<vmem>> -> memref<1x125xi32, #tpu.memory_space<vmem>>
      %dma_wait3A_182 = tpu.memref_squeeze %dma_wait3A_181 : memref<1x125xi32, #tpu.memory_space<vmem>> -> memref<125xi32, #tpu.memory_space<vmem>>
      %dma_wait3A_183 = arith.constant 0 : i32
      %dma_wait3A_184 = arith.constant 0 : i32
      %dma_wait3A_185 = tpu.memref_slice %arg7[%dma_wait3A_183, %dma_wait3A_184] : memref<10240x128xf32, #tpu.memory_space<vmem_shared>> -> memref<10240x128xf32, #tpu.memory_space<vmem_shared>>
      tpu.wait_indirect_dma semaphore(%arg13 : memref<!tpu.dma_semaphore, #tpu.memory_space<semaphore_mem>>) src(%dma_wait3A_179 : memref<125x128xf32, #tpu.memory_space<vmem>>) dst(%dma_wait3A_185 : memref<10240x128xf32, #tpu.memory_space<vmem_shared>>)
      %dma_start3A_186 = arith.constant 4 : i32
      %dma_start3A_187 = arith.constant 0 : i32
      %dma_start3A_188 = arith.constant 0 : i32
      %dma_start3A_189 = tpu.memref_slice %arg10[%dma_start3A_187, %dma_start3A_188] : memref<256x128xf32, #tpu.memory_space<vmem>> -> memref<125x128xf32, #tpu.memory_space<vmem>>
      %dma_start3A_190 = arith.constant 0 : i32
      %dma_start3A_191 = tpu.memref_slice %arg8[%dma_start3A_186, %dma_start3A_190] : memref<8x125xi32, #tpu.memory_space<vmem>> -> memref<1x125xi32, #tpu.memory_space<vmem>>
      %dma_start3A_192 = tpu.memref_squeeze %dma_start3A_191 : memref<1x125xi32, #tpu.memory_space<vmem>> -> memref<125xi32, #tpu.memory_space<vmem>>
      %dma_start3A_193 = arith.constant 0 : i32
      %dma_start3A_194 = arith.constant 0 : i32
      %dma_start3A_195 = tpu.memref_slice %arg2[%dma_start3A_193, %dma_start3A_194] : memref<10000x128xf32, #tpu.memory_space<hbm>> -> memref<10000x128xf32, #tpu.memory_space<hbm>>
      tpu.enqueue_indirect_dma source(%dma_start3A_195 : memref<10000x128xf32, #tpu.memory_space<hbm>>) target(%dma_start3A_189 : memref<125x128xf32, #tpu.memory_space<vmem>>) offsets(%dma_start3A_192 : memref<125xi32, #tpu.memory_space<vmem>>) semaphore(%arg11 : memref<!tpu.dma_semaphore, #tpu.memory_space<semaphore_mem>>)
      %dma_wait3A_196 = arith.constant 3 : i32
      %dma_wait3A_197 = arith.constant 128 : i32
      %dma_wait3A_198 = arith.constant 0 : i32
      %dma_wait3A_199 = tpu.memref_slice %arg10[%dma_wait3A_197, %dma_wait3A_198] : memref<256x128xf32, #tpu.memory_space<vmem>> -> memref<125x128xf32, #tpu.memory_space<vmem>>
      %dma_wait3A_200 = arith.constant 0 : i32
      %dma_wait3A_201 = tpu.memref_slice %arg8[%dma_wait3A_196, %dma_wait3A_200] : memref<8x125xi32, #tpu.memory_space<vmem>> -> memref<1x125xi32, #tpu.memory_space<vmem>>
      %dma_wait3A_202 = tpu.memref_squeeze %dma_wait3A_201 : memref<1x125xi32, #tpu.memory_space<vmem>> -> memref<125xi32, #tpu.memory_space<vmem>>
      %dma_wait3A_203 = arith.constant 0 : i32
      %dma_wait3A_204 = arith.constant 0 : i32
      %dma_wait3A_205 = tpu.memref_slice %arg2[%dma_wait3A_203, %dma_wait3A_204] : memref<10000x128xf32, #tpu.memory_space<hbm>> -> memref<10000x128xf32, #tpu.memory_space<hbm>>
      tpu.wait_indirect_dma semaphore(%arg12 : memref<!tpu.dma_semaphore, #tpu.memory_space<semaphore_mem>>) src(%dma_wait3A_205 : memref<10000x128xf32, #tpu.memory_space<hbm>>) dst(%dma_wait3A_199 : memref<125x128xf32, #tpu.memory_space<vmem>>)
      %dma_start3A_206 = arith.constant 3 : i32
      %dma_start3A_207 = arith.constant 128 : i32
      %dma_start3A_208 = arith.constant 0 : i32
      %dma_start3A_209 = tpu.memref_slice %arg10[%dma_start3A_207, %dma_start3A_208] : memref<256x128xf32, #tpu.memory_space<vmem>> -> memref<125x128xf32, #tpu.memory_space<vmem>>
      %dma_start3A_210 = arith.constant 0 : i32
      %dma_start3A_211 = tpu.memref_slice %arg9[%dma_start3A_206, %dma_start3A_210] : memref<8x125xi32, #tpu.memory_space<vmem>> -> memref<1x125xi32, #tpu.memory_space<vmem>>
      %dma_start3A_212 = tpu.memref_squeeze %dma_start3A_211 : memref<1x125xi32, #tpu.memory_space<vmem>> -> memref<125xi32, #tpu.memory_space<vmem>>
      %dma_start3A_213 = arith.constant 0 : i32
      %dma_start3A_214 = arith.constant 0 : i32
      %dma_start3A_215 = tpu.memref_slice %arg7[%dma_start3A_213, %dma_start3A_214] : memref<10240x128xf32, #tpu.memory_space<vmem_shared>> -> memref<10240x128xf32, #tpu.memory_space<vmem_shared>>
      tpu.enqueue_indirect_dma source(%dma_start3A_209 : memref<125x128xf32, #tpu.memory_space<vmem>>) target(%dma_start3A_215 : memref<10240x128xf32, #tpu.memory_space<vmem_shared>>) offsets(%dma_start3A_212 : memref<125xi32, #tpu.memory_space<vmem>>) semaphore(%arg14 : memref<!tpu.dma_semaphore, #tpu.memory_space<semaphore_mem>>) {add = true}
      %dma_wait3A_216 = arith.constant 3 : i32
      %dma_wait3A_217 = arith.constant 128 : i32
      %dma_wait3A_218 = arith.constant 0 : i32
      %dma_wait3A_219 = tpu.memref_slice %arg10[%dma_wait3A_217, %dma_wait3A_218] : memref<256x128xf32, #tpu.memory_space<vmem>> -> memref<125x128xf32, #tpu.memory_space<vmem>>
      %dma_wait3A_220 = arith.constant 0 : i32
      %dma_wait3A_221 = tpu.memref_slice %arg9[%dma_wait3A_216, %dma_wait3A_220] : memref<8x125xi32, #tpu.memory_space<vmem>> -> memref<1x125xi32, #tpu.memory_space<vmem>>
      %dma_wait3A_222 = tpu.memref_squeeze %dma_wait3A_221 : memref<1x125xi32, #tpu.memory_space<vmem>> -> memref<125xi32, #tpu.memory_space<vmem>>
      %dma_wait3A_223 = arith.constant 0 : i32
      %dma_wait3A_224 = arith.constant 0 : i32
      %dma_wait3A_225 = tpu.memref_slice %arg7[%dma_wait3A_223, %dma_wait3A_224] : memref<10240x128xf32, #tpu.memory_space<vmem_shared>> -> memref<10240x128xf32, #tpu.memory_space<vmem_shared>>
      tpu.wait_indirect_dma semaphore(%arg14 : memref<!tpu.dma_semaphore, #tpu.memory_space<semaphore_mem>>) src(%dma_wait3A_219 : memref<125x128xf32, #tpu.memory_space<vmem>>) dst(%dma_wait3A_225 : memref<10240x128xf32, #tpu.memory_space<vmem_shared>>)
      %dma_start3A_226 = arith.constant 5 : i32
      %dma_start3A_227 = arith.constant 128 : i32
      %dma_start3A_228 = arith.constant 0 : i32
      %dma_start3A_229 = tpu.memref_slice %arg10[%dma_start3A_227, %dma_start3A_228] : memref<256x128xf32, #tpu.memory_space<vmem>> -> memref<125x128xf32, #tpu.memory_space<vmem>>
      %dma_start3A_230 = arith.constant 0 : i32
      %dma_start3A_231 = tpu.memref_slice %arg8[%dma_start3A_226, %dma_start3A_230] : memref<8x125xi32, #tpu.memory_space<vmem>> -> memref<1x125xi32, #tpu.memory_space<vmem>>
      %dma_start3A_232 = tpu.memref_squeeze %dma_start3A_231 : memref<1x125xi32, #tpu.memory_space<vmem>> -> memref<125xi32, #tpu.memory_space<vmem>>
      %dma_start3A_233 = arith.constant 0 : i32
      %dma_start3A_234 = arith.constant 0 : i32
      %dma_start3A_235 = tpu.memref_slice %arg2[%dma_start3A_233, %dma_start3A_234] : memref<10000x128xf32, #tpu.memory_space<hbm>> -> memref<10000x128xf32, #tpu.memory_space<hbm>>
      tpu.enqueue_indirect_dma source(%dma_start3A_235 : memref<10000x128xf32, #tpu.memory_space<hbm>>) target(%dma_start3A_229 : memref<125x128xf32, #tpu.memory_space<vmem>>) offsets(%dma_start3A_232 : memref<125xi32, #tpu.memory_space<vmem>>) semaphore(%arg12 : memref<!tpu.dma_semaphore, #tpu.memory_space<semaphore_mem>>)
      %dma_wait3A_236 = arith.constant 4 : i32
      %dma_wait3A_237 = arith.constant 0 : i32
      %dma_wait3A_238 = arith.constant 0 : i32
      %dma_wait3A_239 = tpu.memref_slice %arg10[%dma_wait3A_237, %dma_wait3A_238] : memref<256x128xf32, #tpu.memory_space<vmem>> -> memref<125x128xf32, #tpu.memory_space<vmem>>
      %dma_wait3A_240 = arith.constant 0 : i32
      %dma_wait3A_241 = tpu.memref_slice %arg8[%dma_wait3A_236, %dma_wait3A_240] : memref<8x125xi32, #tpu.memory_space<vmem>> -> memref<1x125xi32, #tpu.memory_space<vmem>>
      %dma_wait3A_242 = tpu.memref_squeeze %dma_wait3A_241 : memref<1x125xi32, #tpu.memory_space<vmem>> -> memref<125xi32, #tpu.memory_space<vmem>>
      %dma_wait3A_243 = arith.constant 0 : i32
      %dma_wait3A_244 = arith.constant 0 : i32
      %dma_wait3A_245 = tpu.memref_slice %arg2[%dma_wait3A_243, %dma_wait3A_244] : memref<10000x128xf32, #tpu.memory_space<hbm>> -> memref<10000x128xf32, #tpu.memory_space<hbm>>
      tpu.wait_indirect_dma semaphore(%arg11 : memref<!tpu.dma_semaphore, #tpu.memory_space<semaphore_mem>>) src(%dma_wait3A_245 : memref<10000x128xf32, #tpu.memory_space<hbm>>) dst(%dma_wait3A_239 : memref<125x128xf32, #tpu.memory_space<vmem>>)
      %dma_start3A_246 = arith.constant 4 : i32
      %dma_start3A_247 = arith.constant 0 : i32
      %dma_start3A_248 = arith.constant 0 : i32
      %dma_start3A_249 = tpu.memref_slice %arg10[%dma_start3A_247, %dma_start3A_248] : memref<256x128xf32, #tpu.memory_space<vmem>> -> memref<125x128xf32, #tpu.memory_space<vmem>>
      %dma_start3A_250 = arith.constant 0 : i32
      %dma_start3A_251 = tpu.memref_slice %arg9[%dma_start3A_246, %dma_start3A_250] : memref<8x125xi32, #tpu.memory_space<vmem>> -> memref<1x125xi32, #tpu.memory_space<vmem>>
      %dma_start3A_252 = tpu.memref_squeeze %dma_start3A_251 : memref<1x125xi32, #tpu.memory_space<vmem>> -> memref<125xi32, #tpu.memory_space<vmem>>
      %dma_start3A_253 = arith.constant 0 : i32
      %dma_start3A_254 = arith.constant 0 : i32
      %dma_start3A_255 = tpu.memref_slice %arg7[%dma_start3A_253, %dma_start3A_254] : memref<10240x128xf32, #tpu.memory_space<vmem_shared>> -> memref<10240x128xf32, #tpu.memory_space<vmem_shared>>
      tpu.enqueue_indirect_dma source(%dma_start3A_249 : memref<125x128xf32, #tpu.memory_space<vmem>>) target(%dma_start3A_255 : memref<10240x128xf32, #tpu.memory_space<vmem_shared>>) offsets(%dma_start3A_252 : memref<125xi32, #tpu.memory_space<vmem>>) semaphore(%arg13 : memref<!tpu.dma_semaphore, #tpu.memory_space<semaphore_mem>>) {add = true}
      %dma_wait3A_256 = arith.constant 4 : i32
      %dma_wait3A_257 = arith.constant 0 : i32
      %dma_wait3A_258 = arith.constant 0 : i32
      %dma_wait3A_259 = tpu.memref_slice %arg10[%dma_wait3A_257, %dma_wait3A_258] : memref<256x128xf32, #tpu.memory_space<vmem>> -> memref<125x128xf32, #tpu.memory_space<vmem>>
      %dma_wait3A_260 = arith.constant 0 : i32
      %dma_wait3A_261 = tpu.memref_slice %arg9[%dma_wait3A_256, %dma_wait3A_260] : memref<8x125xi32, #tpu.memory_space<vmem>> -> memref<1x125xi32, #tpu.memory_space<vmem>>
      %dma_wait3A_262 = tpu.memref_squeeze %dma_wait3A_261 : memref<1x125xi32, #tpu.memory_space<vmem>> -> memref<125xi32, #tpu.memory_space<vmem>>
      %dma_wait3A_263 = arith.constant 0 : i32
      %dma_wait3A_264 = arith.constant 0 : i32
      %dma_wait3A_265 = tpu.memref_slice %arg7[%dma_wait3A_263, %dma_wait3A_264] : memref<10240x128xf32, #tpu.memory_space<vmem_shared>> -> memref<10240x128xf32, #tpu.memory_space<vmem_shared>>
      tpu.wait_indirect_dma semaphore(%arg13 : memref<!tpu.dma_semaphore, #tpu.memory_space<semaphore_mem>>) src(%dma_wait3A_259 : memref<125x128xf32, #tpu.memory_space<vmem>>) dst(%dma_wait3A_265 : memref<10240x128xf32, #tpu.memory_space<vmem_shared>>)
      %dma_start3A_266 = arith.constant 6 : i32
      %dma_start3A_267 = arith.constant 0 : i32
      %dma_start3A_268 = arith.constant 0 : i32
      %dma_start3A_269 = tpu.memref_slice %arg10[%dma_start3A_267, %dma_start3A_268] : memref<256x128xf32, #tpu.memory_space<vmem>> -> memref<125x128xf32, #tpu.memory_space<vmem>>
      %dma_start3A_270 = arith.constant 0 : i32
      %dma_start3A_271 = tpu.memref_slice %arg8[%dma_start3A_266, %dma_start3A_270] : memref<8x125xi32, #tpu.memory_space<vmem>> -> memref<1x125xi32, #tpu.memory_space<vmem>>
      %dma_start3A_272 = tpu.memref_squeeze %dma_start3A_271 : memref<1x125xi32, #tpu.memory_space<vmem>> -> memref<125xi32, #tpu.memory_space<vmem>>
      %dma_start3A_273 = arith.constant 0 : i32
      %dma_start3A_274 = arith.constant 0 : i32
      %dma_start3A_275 = tpu.memref_slice %arg2[%dma_start3A_273, %dma_start3A_274] : memref<10000x128xf32, #tpu.memory_space<hbm>> -> memref<10000x128xf32, #tpu.memory_space<hbm>>
      tpu.enqueue_indirect_dma source(%dma_start3A_275 : memref<10000x128xf32, #tpu.memory_space<hbm>>) target(%dma_start3A_269 : memref<125x128xf32, #tpu.memory_space<vmem>>) offsets(%dma_start3A_272 : memref<125xi32, #tpu.memory_space<vmem>>) semaphore(%arg11 : memref<!tpu.dma_semaphore, #tpu.memory_space<semaphore_mem>>)
      %dma_wait3A_276 = arith.constant 5 : i32
      %dma_wait3A_277 = arith.constant 128 : i32
      %dma_wait3A_278 = arith.constant 0 : i32
      %dma_wait3A_279 = tpu.memref_slice %arg10[%dma_wait3A_277, %dma_wait3A_278] : memref<256x128xf32, #tpu.memory_space<vmem>> -> memref<125x128xf32, #tpu.memory_space<vmem>>
      %dma_wait3A_280 = arith.constant 0 : i32
      %dma_wait3A_281 = tpu.memref_slice %arg8[%dma_wait3A_276, %dma_wait3A_280] : memref<8x125xi32, #tpu.memory_space<vmem>> -> memref<1x125xi32, #tpu.memory_space<vmem>>
      %dma_wait3A_282 = tpu.memref_squeeze %dma_wait3A_281 : memref<1x125xi32, #tpu.memory_space<vmem>> -> memref<125xi32, #tpu.memory_space<vmem>>
      %dma_wait3A_283 = arith.constant 0 : i32
      %dma_wait3A_284 = arith.constant 0 : i32
      %dma_wait3A_285 = tpu.memref_slice %arg2[%dma_wait3A_283, %dma_wait3A_284] : memref<10000x128xf32, #tpu.memory_space<hbm>> -> memref<10000x128xf32, #tpu.memory_space<hbm>>
      tpu.wait_indirect_dma semaphore(%arg12 : memref<!tpu.dma_semaphore, #tpu.memory_space<semaphore_mem>>) src(%dma_wait3A_285 : memref<10000x128xf32, #tpu.memory_space<hbm>>) dst(%dma_wait3A_279 : memref<125x128xf32, #tpu.memory_space<vmem>>)
      %dma_start3A_286 = arith.constant 5 : i32
      %dma_start3A_287 = arith.constant 128 : i32
      %dma_start3A_288 = arith.constant 0 : i32
      %dma_start3A_289 = tpu.memref_slice %arg10[%dma_start3A_287, %dma_start3A_288] : memref<256x128xf32, #tpu.memory_space<vmem>> -> memref<125x128xf32, #tpu.memory_space<vmem>>
      %dma_start3A_290 = arith.constant 0 : i32
      %dma_start3A_291 = tpu.memref_slice %arg9[%dma_start3A_286, %dma_start3A_290] : memref<8x125xi32, #tpu.memory_space<vmem>> -> memref<1x125xi32, #tpu.memory_space<vmem>>
      %dma_start3A_292 = tpu.memref_squeeze %dma_start3A_291 : memref<1x125xi32, #tpu.memory_space<vmem>> -> memref<125xi32, #tpu.memory_space<vmem>>
      %dma_start3A_293 = arith.constant 0 : i32
      %dma_start3A_294 = arith.constant 0 : i32
      %dma_start3A_295 = tpu.memref_slice %arg7[%dma_start3A_293, %dma_start3A_294] : memref<10240x128xf32, #tpu.memory_space<vmem_shared>> -> memref<10240x128xf32, #tpu.memory_space<vmem_shared>>
      tpu.enqueue_indirect_dma source(%dma_start3A_289 : memref<125x128xf32, #tpu.memory_space<vmem>>) target(%dma_start3A_295 : memref<10240x128xf32, #tpu.memory_space<vmem_shared>>) offsets(%dma_start3A_292 : memref<125xi32, #tpu.memory_space<vmem>>) semaphore(%arg14 : memref<!tpu.dma_semaphore, #tpu.memory_space<semaphore_mem>>) {add = true}
      %dma_wait3A_296 = arith.constant 5 : i32
      %dma_wait3A_297 = arith.constant 128 : i32
      %dma_wait3A_298 = arith.constant 0 : i32
      %dma_wait3A_299 = tpu.memref_slice %arg10[%dma_wait3A_297, %dma_wait3A_298] : memref<256x128xf32, #tpu.memory_space<vmem>> -> memref<125x128xf32, #tpu.memory_space<vmem>>
      %dma_wait3A_300 = arith.constant 0 : i32
      %dma_wait3A_301 = tpu.memref_slice %arg9[%dma_wait3A_296, %dma_wait3A_300] : memref<8x125xi32, #tpu.memory_space<vmem>> -> memref<1x125xi32, #tpu.memory_space<vmem>>
      %dma_wait3A_302 = tpu.memref_squeeze %dma_wait3A_301 : memref<1x125xi32, #tpu.memory_space<vmem>> -> memref<125xi32, #tpu.memory_space<vmem>>
      %dma_wait3A_303 = arith.constant 0 : i32
      %dma_wait3A_304 = arith.constant 0 : i32
      %dma_wait3A_305 = tpu.memref_slice %arg7[%dma_wait3A_303, %dma_wait3A_304] : memref<10240x128xf32, #tpu.memory_space<vmem_shared>> -> memref<10240x128xf32, #tpu.memory_space<vmem_shared>>
      tpu.wait_indirect_dma semaphore(%arg14 : memref<!tpu.dma_semaphore, #tpu.memory_space<semaphore_mem>>) src(%dma_wait3A_299 : memref<125x128xf32, #tpu.memory_space<vmem>>) dst(%dma_wait3A_305 : memref<10240x128xf32, #tpu.memory_space<vmem_shared>>)
      %dma_start3A_306 = arith.constant 7 : i32
      %dma_start3A_307 = arith.constant 128 : i32
      %dma_start3A_308 = arith.constant 0 : i32
      %dma_start3A_309 = tpu.memref_slice %arg10[%dma_start3A_307, %dma_start3A_308] : memref<256x128xf32, #tpu.memory_space<vmem>> -> memref<125x128xf32, #tpu.memory_space<vmem>>
      %dma_start3A_310 = arith.constant 0 : i32
      %dma_start3A_311 = tpu.memref_slice %arg8[%dma_start3A_306, %dma_start3A_310] : memref<8x125xi32, #tpu.memory_space<vmem>> -> memref<1x125xi32, #tpu.memory_space<vmem>>
      %dma_start3A_312 = tpu.memref_squeeze %dma_start3A_311 : memref<1x125xi32, #tpu.memory_space<vmem>> -> memref<125xi32, #tpu.memory_space<vmem>>
      %dma_start3A_313 = arith.constant 0 : i32
      %dma_start3A_314 = arith.constant 0 : i32
      %dma_start3A_315 = tpu.memref_slice %arg2[%dma_start3A_313, %dma_start3A_314] : memref<10000x128xf32, #tpu.memory_space<hbm>> -> memref<10000x128xf32, #tpu.memory_space<hbm>>
      tpu.enqueue_indirect_dma source(%dma_start3A_315 : memref<10000x128xf32, #tpu.memory_space<hbm>>) target(%dma_start3A_309 : memref<125x128xf32, #tpu.memory_space<vmem>>) offsets(%dma_start3A_312 : memref<125xi32, #tpu.memory_space<vmem>>) semaphore(%arg12 : memref<!tpu.dma_semaphore, #tpu.memory_space<semaphore_mem>>)
      %dma_wait3A_316 = arith.constant 6 : i32
      %dma_wait3A_317 = arith.constant 0 : i32
      %dma_wait3A_318 = arith.constant 0 : i32
      %dma_wait3A_319 = tpu.memref_slice %arg10[%dma_wait3A_317, %dma_wait3A_318] : memref<256x128xf32, #tpu.memory_space<vmem>> -> memref<125x128xf32, #tpu.memory_space<vmem>>
      %dma_wait3A_320 = arith.constant 0 : i32
      %dma_wait3A_321 = tpu.memref_slice %arg8[%dma_wait3A_316, %dma_wait3A_320] : memref<8x125xi32, #tpu.memory_space<vmem>> -> memref<1x125xi32, #tpu.memory_space<vmem>>
      %dma_wait3A_322 = tpu.memref_squeeze %dma_wait3A_321 : memref<1x125xi32, #tpu.memory_space<vmem>> -> memref<125xi32, #tpu.memory_space<vmem>>
      %dma_wait3A_323 = arith.constant 0 : i32
      %dma_wait3A_324 = arith.constant 0 : i32
      %dma_wait3A_325 = tpu.memref_slice %arg2[%dma_wait3A_323, %dma_wait3A_324] : memref<10000x128xf32, #tpu.memory_space<hbm>> -> memref<10000x128xf32, #tpu.memory_space<hbm>>
      tpu.wait_indirect_dma semaphore(%arg11 : memref<!tpu.dma_semaphore, #tpu.memory_space<semaphore_mem>>) src(%dma_wait3A_325 : memref<10000x128xf32, #tpu.memory_space<hbm>>) dst(%dma_wait3A_319 : memref<125x128xf32, #tpu.memory_space<vmem>>)
      %dma_start3A_326 = arith.constant 6 : i32
      %dma_start3A_327 = arith.constant 0 : i32
      %dma_start3A_328 = arith.constant 0 : i32
      %dma_start3A_329 = tpu.memref_slice %arg10[%dma_start3A_327, %dma_start3A_328] : memref<256x128xf32, #tpu.memory_space<vmem>> -> memref<125x128xf32, #tpu.memory_space<vmem>>
      %dma_start3A_330 = arith.constant 0 : i32
      %dma_start3A_331 = tpu.memref_slice %arg9[%dma_start3A_326, %dma_start3A_330] : memref<8x125xi32, #tpu.memory_space<vmem>> -> memref<1x125xi32, #tpu.memory_space<vmem>>
      %dma_start3A_332 = tpu.memref_squeeze %dma_start3A_331 : memref<1x125xi32, #tpu.memory_space<vmem>> -> memref<125xi32, #tpu.memory_space<vmem>>
      %dma_start3A_333 = arith.constant 0 : i32
      %dma_start3A_334 = arith.constant 0 : i32
      %dma_start3A_335 = tpu.memref_slice %arg7[%dma_start3A_333, %dma_start3A_334] : memref<10240x128xf32, #tpu.memory_space<vmem_shared>> -> memref<10240x128xf32, #tpu.memory_space<vmem_shared>>
      tpu.enqueue_indirect_dma source(%dma_start3A_329 : memref<125x128xf32, #tpu.memory_space<vmem>>) target(%dma_start3A_335 : memref<10240x128xf32, #tpu.memory_space<vmem_shared>>) offsets(%dma_start3A_332 : memref<125xi32, #tpu.memory_space<vmem>>) semaphore(%arg13 : memref<!tpu.dma_semaphore, #tpu.memory_space<semaphore_mem>>) {add = true}
      %dma_wait3A_336 = arith.constant 7 : i32
      %dma_wait3A_337 = arith.constant 128 : i32
      %dma_wait3A_338 = arith.constant 0 : i32
      %dma_wait3A_339 = tpu.memref_slice %arg10[%dma_wait3A_337, %dma_wait3A_338] : memref<256x128xf32, #tpu.memory_space<vmem>> -> memref<125x128xf32, #tpu.memory_space<vmem>>
      %dma_wait3A_340 = arith.constant 0 : i32
      %dma_wait3A_341 = tpu.memref_slice %arg8[%dma_wait3A_336, %dma_wait3A_340] : memref<8x125xi32, #tpu.memory_space<vmem>> -> memref<1x125xi32, #tpu.memory_space<vmem>>
      %dma_wait3A_342 = tpu.memref_squeeze %dma_wait3A_341 : memref<1x125xi32, #tpu.memory_space<vmem>> -> memref<125xi32, #tpu.memory_space<vmem>>
      %dma_wait3A_343 = arith.constant 0 : i32
      %dma_wait3A_344 = arith.constant 0 : i32
      %dma_wait3A_345 = tpu.memref_slice %arg2[%dma_wait3A_343, %dma_wait3A_344] : memref<10000x128xf32, #tpu.memory_space<hbm>> -> memref<10000x128xf32, #tpu.memory_space<hbm>>
      tpu.wait_indirect_dma semaphore(%arg12 : memref<!tpu.dma_semaphore, #tpu.memory_space<semaphore_mem>>) src(%dma_wait3A_345 : memref<10000x128xf32, #tpu.memory_space<hbm>>) dst(%dma_wait3A_339 : memref<125x128xf32, #tpu.memory_space<vmem>>)
      %dma_start3A_346 = arith.constant 7 : i32
      %dma_start3A_347 = arith.constant 128 : i32
      %dma_start3A_348 = arith.constant 0 : i32
      %dma_start3A_349 = tpu.memref_slice %arg10[%dma_start3A_347, %dma_start3A_348] : memref<256x128xf32, #tpu.memory_space<vmem>> -> memref<125x128xf32, #tpu.memory_space<vmem>>
      %dma_start3A_350 = arith.constant 0 : i32
      %dma_start3A_351 = tpu.memref_slice %arg9[%dma_start3A_346, %dma_start3A_350] : memref<8x125xi32, #tpu.memory_space<vmem>> -> memref<1x125xi32, #tpu.memory_space<vmem>>
      %dma_start3A_352 = tpu.memref_squeeze %dma_start3A_351 : memref<1x125xi32, #tpu.memory_space<vmem>> -> memref<125xi32, #tpu.memory_space<vmem>>
      %dma_start3A_353 = arith.constant 0 : i32
      %dma_start3A_354 = arith.constant 0 : i32
      %dma_start3A_355 = tpu.memref_slice %arg7[%dma_start3A_353, %dma_start3A_354] : memref<10240x128xf32, #tpu.memory_space<vmem_shared>> -> memref<10240x128xf32, #tpu.memory_space<vmem_shared>>
      tpu.enqueue_indirect_dma source(%dma_start3A_349 : memref<125x128xf32, #tpu.memory_space<vmem>>) target(%dma_start3A_355 : memref<10240x128xf32, #tpu.memory_space<vmem_shared>>) offsets(%dma_start3A_352 : memref<125xi32, #tpu.memory_space<vmem>>) semaphore(%arg14 : memref<!tpu.dma_semaphore, #tpu.memory_space<semaphore_mem>>) {add = true}
      %dma_wait3A_356 = arith.constant 6 : i32
      %dma_wait3A_357 = arith.constant 0 : i32
      %dma_wait3A_358 = arith.constant 0 : i32
      %dma_wait3A_359 = tpu.memref_slice %arg10[%dma_wait3A_357, %dma_wait3A_358] : memref<256x128xf32, #tpu.memory_space<vmem>> -> memref<125x128xf32, #tpu.memory_space<vmem>>
      %dma_wait3A_360 = arith.constant 0 : i32
      %dma_wait3A_361 = tpu.memref_slice %arg9[%dma_wait3A_356, %dma_wait3A_360] : memref<8x125xi32, #tpu.memory_space<vmem>> -> memref<1x125xi32, #tpu.memory_space<vmem>>
      %dma_wait3A_362 = tpu.memref_squeeze %dma_wait3A_361 : memref<1x125xi32, #tpu.memory_space<vmem>> -> memref<125xi32, #tpu.memory_space<vmem>>
      %dma_wait3A_363 = arith.constant 0 : i32
      %dma_wait3A_364 = arith.constant 0 : i32
      %dma_wait3A_365 = tpu.memref_slice %arg7[%dma_wait3A_363, %dma_wait3A_364] : memref<10240x128xf32, #tpu.memory_space<vmem_shared>> -> memref<10240x128xf32, #tpu.memory_space<vmem_shared>>
      tpu.wait_indirect_dma semaphore(%arg13 : memref<!tpu.dma_semaphore, #tpu.memory_space<semaphore_mem>>) src(%dma_wait3A_359 : memref<125x128xf32, #tpu.memory_space<vmem>>) dst(%dma_wait3A_365 : memref<10240x128xf32, #tpu.memory_space<vmem_shared>>)
      %dma_wait3A_366 = arith.constant 7 : i32
      %dma_wait3A_367 = arith.constant 128 : i32
      %dma_wait3A_368 = arith.constant 0 : i32
      %dma_wait3A_369 = tpu.memref_slice %arg10[%dma_wait3A_367, %dma_wait3A_368] : memref<256x128xf32, #tpu.memory_space<vmem>> -> memref<125x128xf32, #tpu.memory_space<vmem>>
      %dma_wait3A_370 = arith.constant 0 : i32
      %dma_wait3A_371 = tpu.memref_slice %arg9[%dma_wait3A_366, %dma_wait3A_370] : memref<8x125xi32, #tpu.memory_space<vmem>> -> memref<1x125xi32, #tpu.memory_space<vmem>>
      %dma_wait3A_372 = tpu.memref_squeeze %dma_wait3A_371 : memref<1x125xi32, #tpu.memory_space<vmem>> -> memref<125xi32, #tpu.memory_space<vmem>>
      %dma_wait3A_373 = arith.constant 0 : i32
      %dma_wait3A_374 = arith.constant 0 : i32
      %dma_wait3A_375 = tpu.memref_slice %arg7[%dma_wait3A_373, %dma_wait3A_374] : memref<10240x128xf32, #tpu.memory_space<vmem_shared>> -> memref<10240x128xf32, #tpu.memory_space<vmem_shared>>
      tpu.wait_indirect_dma semaphore(%arg14 : memref<!tpu.dma_semaphore, #tpu.memory_space<semaphore_mem>>) src(%dma_wait3A_369 : memref<125x128xf32, #tpu.memory_space<vmem>>) dst(%dma_wait3A_375 : memref<10240x128xf32, #tpu.memory_space<vmem_shared>>)
      %scan3A_376 = arith.constant 0 : i32
      scf.yield %scan3A_376 : i32
    }
    %scan3A_28 = arith.constant 10 : i32
    %barrier3A_29 = arith.constant 0 : index
    tpu.barrier barrier_id(%barrier3A_29)
    %mul3A_30 = arith.constant 640 : i32
    %mul3A_31 = arith.muli %arg1, %mul3A_30 : i32
    %add3A_32 = arith.constant 0 : i32
    %add3A_33 = arith.addi %mul3A_31, %add3A_32 : i32
    "tpu.region"() ({
      %run_scoped3A = tpu.sem_alloc : memref<!tpu.dma_semaphore, #tpu.memory_space<semaphore_mem>>
      %dma_start3A = arith.constant 0 : i32
      %dma_start3A_50 = tpu.memref_slice %arg6[%arg0, %add3A_33, %dma_start3A] : memref<2x10240x128xf32, #tpu.memory_space<hbm>> -> memref<1x128x128xf32, #tpu.memory_space<hbm>>
      %dma_start3A_51 = tpu.memref_squeeze %dma_start3A_50 : memref<1x128x128xf32, #tpu.memory_space<hbm>> -> memref<128x128xf32, #tpu.memory_space<hbm>>
      %dma_start3A_52 = arith.constant 0 : i32
      %dma_start3A_53 = tpu.memref_slice %arg7[%add3A_33, %dma_start3A_52] : memref<10240x128xf32, #tpu.memory_space<vmem_shared>> -> memref<128x128xf32, #tpu.memory_space<vmem_shared>>
      tpu.enqueue_dma source(%dma_start3A_53 : memref<128x128xf32, #tpu.memory_space<vmem_shared>>) target(%dma_start3A_51 : memref<128x128xf32, #tpu.memory_space<hbm>>) target_semaphore(%run_scoped3A : memref<!tpu.dma_semaphore, #tpu.memory_space<semaphore_mem>>)
      %dma_wait3A = arith.constant 0 : i32
      %dma_wait3A_54 = tpu.memref_slice %arg6[%arg0, %add3A_33, %dma_wait3A] : memref<2x10240x128xf32, #tpu.memory_space<hbm>> -> memref<1x128x128xf32, #tpu.memory_space<hbm>>
      %dma_wait3A_55 = tpu.memref_squeeze %dma_wait3A_54 : memref<1x128x128xf32, #tpu.memory_space<hbm>> -> memref<128x128xf32, #tpu.memory_space<hbm>>
      %dma_wait3A_56 = arith.constant 0 : i32
      %dma_wait3A_57 = tpu.memref_slice %arg7[%add3A_33, %dma_wait3A_56] : memref<10240x128xf32, #tpu.memory_space<vmem_shared>> -> memref<128x128xf32, #tpu.memory_space<vmem_shared>>
      tpu.wait_dma2 semaphore(%run_scoped3A : memref<!tpu.dma_semaphore, #tpu.memory_space<semaphore_mem>>) src(%dma_wait3A_57 : memref<128x128xf32, #tpu.memory_space<vmem_shared>>) dst(%dma_wait3A_55 : memref<128x128xf32, #tpu.memory_space<hbm>>)
      tpu.yield
    }) : () -> ()
    %mul3A_34 = arith.constant 640 : i32
    %mul3A_35 = arith.muli %arg1, %mul3A_34 : i32
    %add3A_36 = arith.constant 128 : i32
    %add3A_37 = arith.addi %mul3A_35, %add3A_36 : i32
    "tpu.region"() ({
      %run_scoped3A = tpu.sem_alloc : memref<!tpu.dma_semaphore, #tpu.memory_space<semaphore_mem>>
      %dma_start3A = arith.constant 0 : i32
      %dma_start3A_50 = tpu.memref_slice %arg6[%arg0, %add3A_37, %dma_start3A] : memref<2x10240x128xf32, #tpu.memory_space<hbm>> -> memref<1x128x128xf32, #tpu.memory_space<hbm>>
      %dma_start3A_51 = tpu.memref_squeeze %dma_start3A_50 : memref<1x128x128xf32, #tpu.memory_space<hbm>> -> memref<128x128xf32, #tpu.memory_space<hbm>>
      %dma_start3A_52 = arith.constant 0 : i32
      %dma_start3A_53 = tpu.memref_slice %arg7[%add3A_37, %dma_start3A_52] : memref<10240x128xf32, #tpu.memory_space<vmem_shared>> -> memref<128x128xf32, #tpu.memory_space<vmem_shared>>
      tpu.enqueue_dma source(%dma_start3A_53 : memref<128x128xf32, #tpu.memory_space<vmem_shared>>) target(%dma_start3A_51 : memref<128x128xf32, #tpu.memory_space<hbm>>) target_semaphore(%run_scoped3A : memref<!tpu.dma_semaphore, #tpu.memory_space<semaphore_mem>>)
      %dma_wait3A = arith.constant 0 : i32
      %dma_wait3A_54 = tpu.memref_slice %arg6[%arg0, %add3A_37, %dma_wait3A] : memref<2x10240x128xf32, #tpu.memory_space<hbm>> -> memref<1x128x128xf32, #tpu.memory_space<hbm>>
      %dma_wait3A_55 = tpu.memref_squeeze %dma_wait3A_54 : memref<1x128x128xf32, #tpu.memory_space<hbm>> -> memref<128x128xf32, #tpu.memory_space<hbm>>
      %dma_wait3A_56 = arith.constant 0 : i32
      %dma_wait3A_57 = tpu.memref_slice %arg7[%add3A_37, %dma_wait3A_56] : memref<10240x128xf32, #tpu.memory_space<vmem_shared>> -> memref<128x128xf32, #tpu.memory_space<vmem_shared>>
      tpu.wait_dma2 semaphore(%run_scoped3A : memref<!tpu.dma_semaphore, #tpu.memory_space<semaphore_mem>>) src(%dma_wait3A_57 : memref<128x128xf32, #tpu.memory_space<vmem_shared>>) dst(%dma_wait3A_55 : memref<128x128xf32, #tpu.memory_space<hbm>>)
      tpu.yield
    }) : () -> ()
    %mul3A_38 = arith.constant 640 : i32
    %mul3A_39 = arith.muli %arg1, %mul3A_38 : i32
    %add3A_40 = arith.constant 256 : i32
    %add3A_41 = arith.addi %mul3A_39, %add3A_40 : i32
    "tpu.region"() ({
      %run_scoped3A = tpu.sem_alloc : memref<!tpu.dma_semaphore, #tpu.memory_space<semaphore_mem>>
      %dma_start3A = arith.constant 0 : i32
      %dma_start3A_50 = tpu.memref_slice %arg6[%arg0, %add3A_41, %dma_start3A] : memref<2x10240x128xf32, #tpu.memory_space<hbm>> -> memref<1x128x128xf32, #tpu.memory_space<hbm>>
      %dma_start3A_51 = tpu.memref_squeeze %dma_start3A_50 : memref<1x128x128xf32, #tpu.memory_space<hbm>> -> memref<128x128xf32, #tpu.memory_space<hbm>>
      %dma_start3A_52 = arith.constant 0 : i32
      %dma_start3A_53 = tpu.memref_slice %arg7[%add3A_41, %dma_start3A_52] : memref<10240x128xf32, #tpu.memory_space<vmem_shared>> -> memref<128x128xf32, #tpu.memory_space<vmem_shared>>
      tpu.enqueue_dma source(%dma_start3A_53 : memref<128x128xf32, #tpu.memory_space<vmem_shared>>) target(%dma_start3A_51 : memref<128x128xf32, #tpu.memory_space<hbm>>) target_semaphore(%run_scoped3A : memref<!tpu.dma_semaphore, #tpu.memory_space<semaphore_mem>>)
      %dma_wait3A = arith.constant 0 : i32
      %dma_wait3A_54 = tpu.memref_slice %arg6[%arg0, %add3A_41, %dma_wait3A] : memref<2x10240x128xf32, #tpu.memory_space<hbm>> -> memref<1x128x128xf32, #tpu.memory_space<hbm>>
      %dma_wait3A_55 = tpu.memref_squeeze %dma_wait3A_54 : memref<1x128x128xf32, #tpu.memory_space<hbm>> -> memref<128x128xf32, #tpu.memory_space<hbm>>
      %dma_wait3A_56 = arith.constant 0 : i32
      %dma_wait3A_57 = tpu.memref_slice %arg7[%add3A_41, %dma_wait3A_56] : memref<10240x128xf32, #tpu.memory_space<vmem_shared>> -> memref<128x128xf32, #tpu.memory_space<vmem_shared>>
      tpu.wait_dma2 semaphore(%run_scoped3A : memref<!tpu.dma_semaphore, #tpu.memory_space<semaphore_mem>>) src(%dma_wait3A_57 : memref<128x128xf32, #tpu.memory_space<vmem_shared>>) dst(%dma_wait3A_55 : memref<128x128xf32, #tpu.memory_space<hbm>>)
      tpu.yield
    }) : () -> ()
    %mul3A_42 = arith.constant 640 : i32
    %mul3A_43 = arith.muli %arg1, %mul3A_42 : i32
    %add3A_44 = arith.constant 384 : i32
    %add3A_45 = arith.addi %mul3A_43, %add3A_44 : i32
    "tpu.region"() ({
      %run_scoped3A = tpu.sem_alloc : memref<!tpu.dma_semaphore, #tpu.memory_space<semaphore_mem>>
      %dma_start3A = arith.constant 0 : i32
      %dma_start3A_50 = tpu.memref_slice %arg6[%arg0, %add3A_45, %dma_start3A] : memref<2x10240x128xf32, #tpu.memory_space<hbm>> -> memref<1x128x128xf32, #tpu.memory_space<hbm>>
      %dma_start3A_51 = tpu.memref_squeeze %dma_start3A_50 : memref<1x128x128xf32, #tpu.memory_space<hbm>> -> memref<128x128xf32, #tpu.memory_space<hbm>>
      %dma_start3A_52 = arith.constant 0 : i32
      %dma_start3A_53 = tpu.memref_slice %arg7[%add3A_45, %dma_start3A_52] : memref<10240x128xf32, #tpu.memory_space<vmem_shared>> -> memref<128x128xf32, #tpu.memory_space<vmem_shared>>
      tpu.enqueue_dma source(%dma_start3A_53 : memref<128x128xf32, #tpu.memory_space<vmem_shared>>) target(%dma_start3A_51 : memref<128x128xf32, #tpu.memory_space<hbm>>) target_semaphore(%run_scoped3A : memref<!tpu.dma_semaphore, #tpu.memory_space<semaphore_mem>>)
      %dma_wait3A = arith.constant 0 : i32
      %dma_wait3A_54 = tpu.memref_slice %arg6[%arg0, %add3A_45, %dma_wait3A] : memref<2x10240x128xf32, #tpu.memory_space<hbm>> -> memref<1x128x128xf32, #tpu.memory_space<hbm>>
      %dma_wait3A_55 = tpu.memref_squeeze %dma_wait3A_54 : memref<1x128x128xf32, #tpu.memory_space<hbm>> -> memref<128x128xf32, #tpu.memory_space<hbm>>
      %dma_wait3A_56 = arith.constant 0 : i32
      %dma_wait3A_57 = tpu.memref_slice %arg7[%add3A_45, %dma_wait3A_56] : memref<10240x128xf32, #tpu.memory_space<vmem_shared>> -> memref<128x128xf32, #tpu.memory_space<vmem_shared>>
      tpu.wait_dma2 semaphore(%run_scoped3A : memref<!tpu.dma_semaphore, #tpu.memory_space<semaphore_mem>>) src(%dma_wait3A_57 : memref<128x128xf32, #tpu.memory_space<vmem_shared>>) dst(%dma_wait3A_55 : memref<128x128xf32, #tpu.memory_space<hbm>>)
      tpu.yield
    }) : () -> ()
    %mul3A_46 = arith.constant 640 : i32
    %mul3A_47 = arith.muli %arg1, %mul3A_46 : i32
    %add3A_48 = arith.constant 512 : i32
    %add3A_49 = arith.addi %mul3A_47, %add3A_48 : i32
    "tpu.region"() ({
      %run_scoped3A = tpu.sem_alloc : memref<!tpu.dma_semaphore, #tpu.memory_space<semaphore_mem>>
      %dma_start3A = arith.constant 0 : i32
      %dma_start3A_50 = tpu.memref_slice %arg6[%arg0, %add3A_49, %dma_start3A] : memref<2x10240x128xf32, #tpu.memory_space<hbm>> -> memref<1x128x128xf32, #tpu.memory_space<hbm>>
      %dma_start3A_51 = tpu.memref_squeeze %dma_start3A_50 : memref<1x128x128xf32, #tpu.memory_space<hbm>> -> memref<128x128xf32, #tpu.memory_space<hbm>>
      %dma_start3A_52 = arith.constant 0 : i32
      %dma_start3A_53 = tpu.memref_slice %arg7[%add3A_49, %dma_start3A_52] : memref<10240x128xf32, #tpu.memory_space<vmem_shared>> -> memref<128x128xf32, #tpu.memory_space<vmem_shared>>
      tpu.enqueue_dma source(%dma_start3A_53 : memref<128x128xf32, #tpu.memory_space<vmem_shared>>) target(%dma_start3A_51 : memref<128x128xf32, #tpu.memory_space<hbm>>) target_semaphore(%run_scoped3A : memref<!tpu.dma_semaphore, #tpu.memory_space<semaphore_mem>>)
      %dma_wait3A = arith.constant 0 : i32
      %dma_wait3A_54 = tpu.memref_slice %arg6[%arg0, %add3A_49, %dma_wait3A] : memref<2x10240x128xf32, #tpu.memory_space<hbm>> -> memref<1x128x128xf32, #tpu.memory_space<hbm>>
      %dma_wait3A_55 = tpu.memref_squeeze %dma_wait3A_54 : memref<1x128x128xf32, #tpu.memory_space<hbm>> -> memref<128x128xf32, #tpu.memory_space<hbm>>
      %dma_wait3A_56 = arith.constant 0 : i32
      %dma_wait3A_57 = tpu.memref_slice %arg7[%add3A_49, %dma_wait3A_56] : memref<10240x128xf32, #tpu.memory_space<vmem_shared>> -> memref<128x128xf32, #tpu.memory_space<vmem_shared>>
      tpu.wait_dma2 semaphore(%run_scoped3A : memref<!tpu.dma_semaphore, #tpu.memory_space<semaphore_mem>>) src(%dma_wait3A_57 : memref<128x128xf32, #tpu.memory_space<vmem_shared>>) dst(%dma_wait3A_55 : memref<128x128xf32, #tpu.memory_space<hbm>>)
      tpu.yield
    }) : () -> ()
    return
  }
}

module attributes {stable_mosaic.version = 14 : i64} {
  func.func @_tc_layer_body(%arg0: i32, %arg1: memref<1000x128xf32, #tpu.memory_space<vmem>>, %arg2: memref<2x1000x128xf32, #tpu.memory_space<vmem>>, %arg3: memref<2x1000x16xf32, #tpu.memory_space<vmem>>, %arg4: memref<128x128xf32, #tpu.memory_space<vmem>>, %arg5: memref<128x128xf32, #tpu.memory_space<vmem>>, %arg6: memref<1x128xf32, #tpu.memory_space<vmem>>, %arg7: memref<1000x128xf32, #tpu.memory_space<vmem>>) attributes {dimension_semantics = [#tpu.dimension_semantics<arbitrary>], iteration_bounds = array<i64: 10>, scalar_prefetch = 0 : i64, scratch_operands = 0 : i64, tpu.core_type = #tpu.core_type<tc>, window_params = [{transform_indices = @transform_0, window_bounds = array<i64: 1000, 128>}, {transform_indices = @transform_1, window_bounds = array<i64: 2, 1000, 128>}, {transform_indices = @transform_2, window_bounds = array<i64: 2, 1000, 16>}, {pipeline_mode = #tpu.pipeline_mode<synchronous>, transform_indices = @transform_3, window_bounds = array<i64: 128, 128>}, {pipeline_mode = #tpu.pipeline_mode<synchronous>, transform_indices = @transform_4, window_bounds = array<i64: 128, 128>}, {pipeline_mode = #tpu.pipeline_mode<synchronous>, transform_indices = @transform_5, window_bounds = array<i64: 1, 128>}, {transform_indices = @transform_6, window_bounds = array<i64: 1000, 128>}]} {
    %get3A = arith.constant 0 : index
    %get3A_0 = arith.constant 0 : index
    %get3A_1 = arith.constant 0 : index
    %get3A_2 = vector.load %arg2[%get3A, %get3A_0, %get3A_1] : memref<2x1000x128xf32, #tpu.memory_space<vmem>>, vector<1x1000x128xf32>
    %get3A_3 = vector.shape_cast %get3A_2 : vector<1x1000x128xf32> to vector<1000x128xf32>
    %get3A_4 = arith.constant 1 : index
    %get3A_5 = arith.constant 0 : index
    %get3A_6 = arith.constant 0 : index
    %get3A_7 = vector.load %arg2[%get3A_4, %get3A_5, %get3A_6] : memref<2x1000x128xf32, #tpu.memory_space<vmem>>, vector<1x1000x128xf32>
    %get3A_8 = vector.shape_cast %get3A_7 : vector<1x1000x128xf32> to vector<1000x128xf32>
    %add3A = arith.addf %get3A_3, %get3A_8 : vector<1000x128xf32>
    %get3A_9 = arith.constant 0 : index
    %get3A_10 = arith.constant 0 : index
    %get3A_11 = arith.constant 0 : index
    %get3A_12 = vector.load %arg3[%get3A_9, %get3A_10, %get3A_11] : memref<2x1000x16xf32, #tpu.memory_space<vmem>>, vector<1x1000x1xf32>
    %get3A_13 = vector.shape_cast %get3A_12 : vector<1x1000x1xf32> to vector<1000x1xf32>
    %get3A_14 = arith.constant 1 : index
    %get3A_15 = arith.constant 0 : index
    %get3A_16 = arith.constant 0 : index
    %get3A_17 = vector.load %arg3[%get3A_14, %get3A_15, %get3A_16] : memref<2x1000x16xf32, #tpu.memory_space<vmem>>, vector<1x1000x1xf32>
    %get3A_18 = vector.shape_cast %get3A_17 : vector<1x1000x1xf32> to vector<1000x1xf32>
    %add3A_19 = arith.addf %get3A_13, %get3A_18 : vector<1000x1xf32>
    %max3A = arith.constant 1.000000e+00 : f32
    %max3A_20 = vector.broadcast %max3A : f32 to vector<1000x1xf32>
    %max3A_21 = arith.maximumf %add3A_19, %max3A_20 : vector<1000x1xf32>
    %div3A = vector.broadcast %max3A_21 : vector<1000x1xf32> to vector<1000x128xf32>
    %div3A_22 = arith.divf %add3A, %div3A : vector<1000x128xf32>
    %get3A_23 = arith.constant 0 : index
    %get3A_24 = arith.constant 0 : index
    %get3A_25 = vector.load %arg1[%get3A_23, %get3A_24] : memref<1000x128xf32, #tpu.memory_space<vmem>>, vector<1000x128xf32>
    %get3A_26 = arith.constant 0 : index
    %get3A_27 = arith.constant 0 : index
    %get3A_28 = vector.load %arg4[%get3A_26, %get3A_27] : memref<128x128xf32, #tpu.memory_space<vmem>>, vector<128x128xf32>
    %convert_element_type3A = arith.truncf %get3A_25 : vector<1000x128xf32> to vector<1000x128xbf16>
    %convert_element_type3A_29 = arith.extf %convert_element_type3A : vector<1000x128xbf16> to vector<1000x128xf32>
    %sub3A = arith.subf %get3A_25, %convert_element_type3A_29 : vector<1000x128xf32>
    %convert_element_type3A_30 = arith.truncf %sub3A : vector<1000x128xf32> to vector<1000x128xbf16>
    %convert_element_type3A_31 = arith.truncf %get3A_28 : vector<128x128xf32> to vector<128x128xbf16>
    %convert_element_type3A_32 = arith.extf %convert_element_type3A_31 : vector<128x128xbf16> to vector<128x128xf32>
    %sub3A_33 = arith.subf %get3A_28, %convert_element_type3A_32 : vector<128x128xf32>
    %convert_element_type3A_34 = arith.truncf %sub3A_33 : vector<128x128xf32> to vector<128x128xbf16>
    %dot_general3A = arith.constant dense<0.000000e+00> : vector<1000x128xf32>
    %dot_general3A_35 = tpu.matmul %convert_element_type3A, %convert_element_type3A_31, %dot_general3A {dimension_numbers = #tpu.dot_dimension_numbers<[1], [0], [0], [1], [0, 0, 1, 1], [], []>, transpose_lhs_hint = false} : vector<1000x128xbf16>, vector<128x128xbf16>, vector<1000x128xf32> -> vector<1000x128xf32>
    %dot_general3A_36 = arith.constant dense<0.000000e+00> : vector<1000x128xf32>
    %dot_general3A_37 = tpu.matmul %convert_element_type3A, %convert_element_type3A_34, %dot_general3A_36 {dimension_numbers = #tpu.dot_dimension_numbers<[1], [0], [0], [1], [0, 0, 1, 1], [], []>, transpose_lhs_hint = false} : vector<1000x128xbf16>, vector<128x128xbf16>, vector<1000x128xf32> -> vector<1000x128xf32>
    %add3A_38 = arith.addf %dot_general3A_35, %dot_general3A_37 : vector<1000x128xf32>
    %dot_general3A_39 = arith.constant dense<0.000000e+00> : vector<1000x128xf32>
    %dot_general3A_40 = tpu.matmul %convert_element_type3A_30, %convert_element_type3A_31, %dot_general3A_39 {dimension_numbers = #tpu.dot_dimension_numbers<[1], [0], [0], [1], [0, 0, 1, 1], [], []>, transpose_lhs_hint = false} : vector<1000x128xbf16>, vector<128x128xbf16>, vector<1000x128xf32> -> vector<1000x128xf32>
    %add3A_41 = arith.addf %add3A_38, %dot_general3A_40 : vector<1000x128xf32>
    %get3A_42 = arith.constant 0 : index
    %get3A_43 = arith.constant 0 : index
    %get3A_44 = vector.load %arg5[%get3A_42, %get3A_43] : memref<128x128xf32, #tpu.memory_space<vmem>>, vector<128x128xf32>
    %convert_element_type3A_45 = arith.truncf %div3A_22 : vector<1000x128xf32> to vector<1000x128xbf16>
    %convert_element_type3A_46 = arith.extf %convert_element_type3A_45 : vector<1000x128xbf16> to vector<1000x128xf32>
    %sub3A_47 = arith.subf %div3A_22, %convert_element_type3A_46 : vector<1000x128xf32>
    %convert_element_type3A_48 = arith.truncf %sub3A_47 : vector<1000x128xf32> to vector<1000x128xbf16>
    %convert_element_type3A_49 = arith.truncf %get3A_44 : vector<128x128xf32> to vector<128x128xbf16>
    %convert_element_type3A_50 = arith.extf %convert_element_type3A_49 : vector<128x128xbf16> to vector<128x128xf32>
    %sub3A_51 = arith.subf %get3A_44, %convert_element_type3A_50 : vector<128x128xf32>
    %convert_element_type3A_52 = arith.truncf %sub3A_51 : vector<128x128xf32> to vector<128x128xbf16>
    %dot_general3A_53 = arith.constant dense<0.000000e+00> : vector<1000x128xf32>
    %dot_general3A_54 = tpu.matmul %convert_element_type3A_45, %convert_element_type3A_49, %dot_general3A_53 {dimension_numbers = #tpu.dot_dimension_numbers<[1], [0], [0], [1], [0, 0, 1, 1], [], []>, transpose_lhs_hint = false} : vector<1000x128xbf16>, vector<128x128xbf16>, vector<1000x128xf32> -> vector<1000x128xf32>
    %dot_general3A_55 = arith.constant dense<0.000000e+00> : vector<1000x128xf32>
    %dot_general3A_56 = tpu.matmul %convert_element_type3A_45, %convert_element_type3A_52, %dot_general3A_55 {dimension_numbers = #tpu.dot_dimension_numbers<[1], [0], [0], [1], [0, 0, 1, 1], [], []>, transpose_lhs_hint = false} : vector<1000x128xbf16>, vector<128x128xbf16>, vector<1000x128xf32> -> vector<1000x128xf32>
    %add3A_57 = arith.addf %dot_general3A_54, %dot_general3A_56 : vector<1000x128xf32>
    %dot_general3A_58 = arith.constant dense<0.000000e+00> : vector<1000x128xf32>
    %dot_general3A_59 = tpu.matmul %convert_element_type3A_48, %convert_element_type3A_49, %dot_general3A_58 {dimension_numbers = #tpu.dot_dimension_numbers<[1], [0], [0], [1], [0, 0, 1, 1], [], []>, transpose_lhs_hint = false} : vector<1000x128xbf16>, vector<128x128xbf16>, vector<1000x128xf32> -> vector<1000x128xf32>
    %add3A_60 = arith.addf %add3A_57, %dot_general3A_59 : vector<1000x128xf32>
    %add3A_61 = arith.addf %add3A_41, %add3A_60 : vector<1000x128xf32>
    %get3A_62 = arith.constant 0 : index
    %get3A_63 = arith.constant 0 : index
    %get3A_64 = vector.load %arg6[%get3A_62, %get3A_63] : memref<1x128xf32, #tpu.memory_space<vmem>>, vector<1x128xf32>
    %add3A_65 = vector.broadcast %get3A_64 : vector<1x128xf32> to vector<1000x128xf32>
    %add3A_66 = arith.addf %add3A_61, %add3A_65 : vector<1000x128xf32>
    %max3A_67 = arith.constant 0.000000e+00 : f32
    %max3A_68 = vector.broadcast %max3A_67 : f32 to vector<1000x128xf32>
    %max3A_69 = arith.maximumf %add3A_66, %max3A_68 : vector<1000x128xf32>
    %swap3A = arith.constant 0 : index
    %swap3A_70 = arith.constant 0 : index
    %swap3A_71 = vector.load %arg7[%swap3A, %swap3A_70] : memref<1000x128xf32, #tpu.memory_space<vmem>>, vector<1000x128xf32>
    tpu.vector_store %arg7[%swap3A, %swap3A_70], %max3A_69 {strides = array<i32>} : memref<1000x128xf32, #tpu.memory_space<vmem>>, vector<1000x128xf32>,
    return
  }
  func.func @transform_0(%arg0: i32) -> (i32, i32) {
    %c0_i32 = arith.constant 0 : i32
    %c0_i32_0 = arith.constant 0 : i32
    return %arg0, %c0_i32 : i32, i32
  }
  func.func @transform_1(%arg0: i32) -> (i32, i32, i32) {
    %c0_i32 = arith.constant 0 : i32
    %c0_i32_0 = arith.constant 0 : i32
    %c0_i32_1 = arith.constant 0 : i32
    return %c0_i32, %arg0, %c0_i32_0 : i32, i32, i32
  }
  func.func @transform_2(%arg0: i32) -> (i32, i32, i32) {
    %c0_i32 = arith.constant 0 : i32
    %c0_i32_0 = arith.constant 0 : i32
    %c0_i32_1 = arith.constant 0 : i32
    return %c0_i32, %arg0, %c0_i32_0 : i32, i32, i32
  }
  func.func @transform_3(%arg0: i32) -> (i32, i32) {
    %c0_i32 = arith.constant 0 : i32
    %c0_i32_0 = arith.constant 0 : i32
    %c0_i32_1 = arith.constant 0 : i32
    return %c0_i32, %c0_i32_0 : i32, i32
  }
  func.func @transform_4(%arg0: i32) -> (i32, i32) {
    %c0_i32 = arith.constant 0 : i32
    %c0_i32_0 = arith.constant 0 : i32
    %c0_i32_1 = arith.constant 0 : i32
    return %c0_i32, %c0_i32_0 : i32, i32
  }
  func.func @transform_5(%arg0: i32) -> (i32, i32) {
    %c0_i32 = arith.constant 0 : i32
    %c0_i32_0 = arith.constant 0 : i32
    %c0_i32_1 = arith.constant 0 : i32
    return %c0_i32, %c0_i32_0 : i32, i32
  }
  func.func @transform_6(%arg0: i32) -> (i32, i32) {
    %c0_i32 = arith.constant 0 : i32
    %c0_i32_0 = arith.constant 0 : i32
    return %arg0, %c0_i32 : i32, i32
  }
}

module attributes {stable_mosaic.version = 14 : i64} {
  func.func @_tc_final_body(%arg0: i32, %arg1: memref<1000x128xf32, #tpu.memory_space<vmem>>, %arg2: memref<2x1000x128xf32, #tpu.memory_space<vmem>>, %arg3: memref<2x1000x16xf32, #tpu.memory_space<vmem>>, %arg4: memref<128x128xf32, #tpu.memory_space<vmem>>, %arg5: memref<128x128xf32, #tpu.memory_space<vmem>>, %arg6: memref<1x128xf32, #tpu.memory_space<vmem>>, %arg7: memref<128x1xf32, #tpu.memory_space<vmem>>, %arg8: memref<1x1xf32, #tpu.memory_space<vmem>>, %arg9: memref<256x64xf32, #tpu.memory_space<vmem>>, %arg10: memref<1x64xf32, #tpu.memory_space<vmem>>, %arg11: memref<64x1xf32, #tpu.memory_space<vmem>>, %arg12: memref<1x1xf32, #tpu.memory_space<vmem>>, %arg13: memref<1x1xf32, #tpu.memory_space<vmem>>, %arg14: memref<1x128xf32, #tpu.memory_space<vmem>>, %arg15: memref<1x128xf32, #tpu.memory_space<vmem>>) attributes {dimension_semantics = [#tpu.dimension_semantics<arbitrary>], iteration_bounds = array<i64: 10>, scalar_prefetch = 0 : i64, scratch_operands = 2 : i64, tpu.core_type = #tpu.core_type<tc>, window_params = [{transform_indices = @transform_0, window_bounds = array<i64: 1000, 128>}, {transform_indices = @transform_1, window_bounds = array<i64: 2, 1000, 128>}, {transform_indices = @transform_2, window_bounds = array<i64: 2, 1000, 16>}, {pipeline_mode = #tpu.pipeline_mode<synchronous>, transform_indices = @transform_3, window_bounds = array<i64: 128, 128>}, {pipeline_mode = #tpu.pipeline_mode<synchronous>, transform_indices = @transform_4, window_bounds = array<i64: 128, 128>}, {pipeline_mode = #tpu.pipeline_mode<synchronous>, transform_indices = @transform_5, window_bounds = array<i64: 1, 128>}, {pipeline_mode = #tpu.pipeline_mode<synchronous>, transform_indices = @transform_6, window_bounds = array<i64: 128, 1>}, {pipeline_mode = #tpu.pipeline_mode<synchronous>, transform_indices = @transform_7, window_bounds = array<i64: 1, 1>}, {pipeline_mode = #tpu.pipeline_mode<synchronous>, transform_indices = @transform_8, window_bounds = array<i64: 256, 64>}, {pipeline_mode = #tpu.pipeline_mode<synchronous>, transform_indices = @transform_9, window_bounds = array<i64: 1, 64>}, {pipeline_mode = #tpu.pipeline_mode<synchronous>, transform_indices = @transform_10, window_bounds = array<i64: 64, 1>}, {pipeline_mode = #tpu.pipeline_mode<synchronous>, transform_indices = @transform_11, window_bounds = array<i64: 1, 1>}, {pipeline_mode = #tpu.pipeline_mode<synchronous>, transform_indices = @transform_12, window_bounds = array<i64: 1, 1>}]} {
    %get3A = arith.constant 0 : index
    %get3A_0 = arith.constant 0 : index
    %get3A_1 = arith.constant 0 : index
    %get3A_2 = vector.load %arg2[%get3A, %get3A_0, %get3A_1] : memref<2x1000x128xf32, #tpu.memory_space<vmem>>, vector<1x1000x128xf32>
    %get3A_3 = vector.shape_cast %get3A_2 : vector<1x1000x128xf32> to vector<1000x128xf32>
    %get3A_4 = arith.constant 1 : index
    %get3A_5 = arith.constant 0 : index
    %get3A_6 = arith.constant 0 : index
    %get3A_7 = vector.load %arg2[%get3A_4, %get3A_5, %get3A_6] : memref<2x1000x128xf32, #tpu.memory_space<vmem>>, vector<1x1000x128xf32>
    %get3A_8 = vector.shape_cast %get3A_7 : vector<1x1000x128xf32> to vector<1000x128xf32>
    %add3A = arith.addf %get3A_3, %get3A_8 : vector<1000x128xf32>
    %get3A_9 = arith.constant 0 : index
    %get3A_10 = arith.constant 0 : index
    %get3A_11 = arith.constant 0 : index
    %get3A_12 = vector.load %arg3[%get3A_9, %get3A_10, %get3A_11] : memref<2x1000x16xf32, #tpu.memory_space<vmem>>, vector<1x1000x1xf32>
    %get3A_13 = vector.shape_cast %get3A_12 : vector<1x1000x1xf32> to vector<1000x1xf32>
    %get3A_14 = arith.constant 1 : index
    %get3A_15 = arith.constant 0 : index
    %get3A_16 = arith.constant 0 : index
    %get3A_17 = vector.load %arg3[%get3A_14, %get3A_15, %get3A_16] : memref<2x1000x16xf32, #tpu.memory_space<vmem>>, vector<1x1000x1xf32>
    %get3A_18 = vector.shape_cast %get3A_17 : vector<1x1000x1xf32> to vector<1000x1xf32>
    %add3A_19 = arith.addf %get3A_13, %get3A_18 : vector<1000x1xf32>
    %max3A = arith.constant 1.000000e+00 : f32
    %max3A_20 = vector.broadcast %max3A : f32 to vector<1000x1xf32>
    %max3A_21 = arith.maximumf %add3A_19, %max3A_20 : vector<1000x1xf32>
    %div3A = vector.broadcast %max3A_21 : vector<1000x1xf32> to vector<1000x128xf32>
    %div3A_22 = arith.divf %add3A, %div3A : vector<1000x128xf32>
    %get3A_23 = arith.constant 0 : index
    %get3A_24 = arith.constant 0 : index
    %get3A_25 = vector.load %arg1[%get3A_23, %get3A_24] : memref<1000x128xf32, #tpu.memory_space<vmem>>, vector<1000x128xf32>
    %get3A_26 = arith.constant 0 : index
    %get3A_27 = arith.constant 0 : index
    %get3A_28 = vector.load %arg4[%get3A_26, %get3A_27] : memref<128x128xf32, #tpu.memory_space<vmem>>, vector<128x128xf32>
    %convert_element_type3A = arith.truncf %get3A_25 : vector<1000x128xf32> to vector<1000x128xbf16>
    %convert_element_type3A_29 = arith.extf %convert_element_type3A : vector<1000x128xbf16> to vector<1000x128xf32>
    %sub3A = arith.subf %get3A_25, %convert_element_type3A_29 : vector<1000x128xf32>
    %convert_element_type3A_30 = arith.truncf %sub3A : vector<1000x128xf32> to vector<1000x128xbf16>
    %convert_element_type3A_31 = arith.truncf %get3A_28 : vector<128x128xf32> to vector<128x128xbf16>
    %convert_element_type3A_32 = arith.extf %convert_element_type3A_31 : vector<128x128xbf16> to vector<128x128xf32>
    %sub3A_33 = arith.subf %get3A_28, %convert_element_type3A_32 : vector<128x128xf32>
    %convert_element_type3A_34 = arith.truncf %sub3A_33 : vector<128x128xf32> to vector<128x128xbf16>
    %dot_general3A = arith.constant dense<0.000000e+00> : vector<1000x128xf32>
    %dot_general3A_35 = tpu.matmul %convert_element_type3A, %convert_element_type3A_31, %dot_general3A {dimension_numbers = #tpu.dot_dimension_numbers<[1], [0], [0], [1], [0, 0, 1, 1], [], []>, transpose_lhs_hint = false} : vector<1000x128xbf16>, vector<128x128xbf16>, vector<1000x128xf32> -> vector<1000x128xf32>
    %dot_general3A_36 = arith.constant dense<0.000000e+00> : vector<1000x128xf32>
    %dot_general3A_37 = tpu.matmul %convert_element_type3A, %convert_element_type3A_34, %dot_general3A_36 {dimension_numbers = #tpu.dot_dimension_numbers<[1], [0], [0], [1], [0, 0, 1, 1], [], []>, transpose_lhs_hint = false} : vector<1000x128xbf16>, vector<128x128xbf16>, vector<1000x128xf32> -> vector<1000x128xf32>
    %add3A_38 = arith.addf %dot_general3A_35, %dot_general3A_37 : vector<1000x128xf32>
    %dot_general3A_39 = arith.constant dense<0.000000e+00> : vector<1000x128xf32>
    %dot_general3A_40 = tpu.matmul %convert_element_type3A_30, %convert_element_type3A_31, %dot_general3A_39 {dimension_numbers = #tpu.dot_dimension_numbers<[1], [0], [0], [1], [0, 0, 1, 1], [], []>, transpose_lhs_hint = false} : vector<1000x128xbf16>, vector<128x128xbf16>, vector<1000x128xf32> -> vector<1000x128xf32>
    %add3A_41 = arith.addf %add3A_38, %dot_general3A_40 : vector<1000x128xf32>
    %get3A_42 = arith.constant 0 : index
    %get3A_43 = arith.constant 0 : index
    %get3A_44 = vector.load %arg5[%get3A_42, %get3A_43] : memref<128x128xf32, #tpu.memory_space<vmem>>, vector<128x128xf32>
    %convert_element_type3A_45 = arith.truncf %div3A_22 : vector<1000x128xf32> to vector<1000x128xbf16>
    %convert_element_type3A_46 = arith.extf %convert_element_type3A_45 : vector<1000x128xbf16> to vector<1000x128xf32>
    %sub3A_47 = arith.subf %div3A_22, %convert_element_type3A_46 : vector<1000x128xf32>
    %convert_element_type3A_48 = arith.truncf %sub3A_47 : vector<1000x128xf32> to vector<1000x128xbf16>
    %convert_element_type3A_49 = arith.truncf %get3A_44 : vector<128x128xf32> to vector<128x128xbf16>
    %convert_element_type3A_50 = arith.extf %convert_element_type3A_49 : vector<128x128xbf16> to vector<128x128xf32>
    %sub3A_51 = arith.subf %get3A_44, %convert_element_type3A_50 : vector<128x128xf32>
    %convert_element_type3A_52 = arith.truncf %sub3A_51 : vector<128x128xf32> to vector<128x128xbf16>
    %dot_general3A_53 = arith.constant dense<0.000000e+00> : vector<1000x128xf32>
    %dot_general3A_54 = tpu.matmul %convert_element_type3A_45, %convert_element_type3A_49, %dot_general3A_53 {dimension_numbers = #tpu.dot_dimension_numbers<[1], [0], [0], [1], [0, 0, 1, 1], [], []>, transpose_lhs_hint = false} : vector<1000x128xbf16>, vector<128x128xbf16>, vector<1000x128xf32> -> vector<1000x128xf32>
    %dot_general3A_55 = arith.constant dense<0.000000e+00> : vector<1000x128xf32>
    %dot_general3A_56 = tpu.matmul %convert_element_type3A_45, %convert_element_type3A_52, %dot_general3A_55 {dimension_numbers = #tpu.dot_dimension_numbers<[1], [0], [0], [1], [0, 0, 1, 1], [], []>, transpose_lhs_hint = false} : vector<1000x128xbf16>, vector<128x128xbf16>, vector<1000x128xf32> -> vector<1000x128xf32>
    %add3A_57 = arith.addf %dot_general3A_54, %dot_general3A_56 : vector<1000x128xf32>
    %dot_general3A_58 = arith.constant dense<0.000000e+00> : vector<1000x128xf32>
    %dot_general3A_59 = tpu.matmul %convert_element_type3A_48, %convert_element_type3A_49, %dot_general3A_58 {dimension_numbers = #tpu.dot_dimension_numbers<[1], [0], [0], [1], [0, 0, 1, 1], [], []>, transpose_lhs_hint = false} : vector<1000x128xbf16>, vector<128x128xbf16>, vector<1000x128xf32> -> vector<1000x128xf32>
    %add3A_60 = arith.addf %add3A_57, %dot_general3A_59 : vector<1000x128xf32>
    %add3A_61 = arith.addf %add3A_41, %add3A_60 : vector<1000x128xf32>
    %get3A_62 = arith.constant 0 : index
    %get3A_63 = arith.constant 0 : index
    %get3A_64 = vector.load %arg6[%get3A_62, %get3A_63] : memref<1x128xf32, #tpu.memory_space<vmem>>, vector<1x128xf32>
    %add3A_65 = vector.broadcast %get3A_64 : vector<1x128xf32> to vector<1000x128xf32>
    %add3A_66 = arith.addf %add3A_61, %add3A_65 : vector<1000x128xf32>
    %max3A_67 = arith.constant 0.000000e+00 : f32
    %max3A_68 = vector.broadcast %max3A_67 : f32 to vector<1000x128xf32>
    %max3A_69 = arith.maximumf %add3A_66, %max3A_68 : vector<1000x128xf32>
    %get3A_70 = arith.constant 0 : index
    %get3A_71 = arith.constant 0 : index
    %get3A_72 = vector.load %arg7[%get3A_70, %get3A_71] : memref<128x1xf32, #tpu.memory_space<vmem>>, vector<128x1xf32>
    %dot_general3A_73 = arith.constant dense<0.000000e+00> : vector<1000x1xf32>
    %dot_general3A_74 = tpu.matmul %max3A_69, %get3A_72, %dot_general3A_73 {dimension_numbers = #tpu.dot_dimension_numbers<[1], [0], [0], [1], [0, 0, 1, 1], [], []>, precision = #tpu.contract_precision<fp32>, transpose_lhs_hint = false} : vector<1000x128xf32>, vector<128x1xf32>, vector<1000x1xf32> -> vector<1000x1xf32>
    %get3A_75 = arith.constant 0 : index
    %get3A_76 = arith.constant 0 : index
    %get3A_77 = vector.load %arg8[%get3A_75, %get3A_76] : memref<1x1xf32, #tpu.memory_space<vmem>>, vector<1x1xf32>
    %add3A_78 = vector.broadcast %get3A_77 : vector<1x1xf32> to vector<1000x1xf32>
    %add3A_79 = arith.addf %dot_general3A_74, %add3A_78 : vector<1000x1xf32>
    %logistic3A = arith.negf %add3A_79 : vector<1000x1xf32>
    %logistic3A_80 = math.exp %logistic3A : vector<1000x1xf32>
    %logistic3A_81 = arith.constant 1.000000e+00 : f32
    %logistic3A_82 = vector.broadcast %logistic3A_81 : f32 to vector<1000x1xf32>
    %logistic3A_83 = arith.addf %logistic3A_82, %logistic3A_80 : vector<1000x1xf32>
    %logistic3A_84 = arith.divf %logistic3A_82, %logistic3A_83 : vector<1000x1xf32>
    %mul3A = vector.broadcast %logistic3A_84 : vector<1000x1xf32> to vector<1000x128xf32>
    %mul3A_85 = arith.mulf %mul3A, %max3A_69 : vector<1000x128xf32>
    %reduce_sum3A = arith.constant dense<0.000000e+00> : vector<128xf32>
    %reduce_sum3A_86 = vector.multi_reduction <add>, %mul3A_85, %reduce_sum3A [0] : vector<1000x128xf32> to vector<128xf32>
    %broadcast_in_dim3A = vector.shape_cast %reduce_sum3A_86 : vector<128xf32> to vector<1x128xf32>
    %reduce_max3A = arith.constant dense<0xFF800000> : vector<128xf32>
    %reduce_max3A_87 = vector.multi_reduction <maximumf>, %max3A_69, %reduce_max3A [0] : vector<1000x128xf32> to vector<128xf32>
    %broadcast_in_dim3A_88 = vector.shape_cast %reduce_max3A_87 : vector<128xf32> to vector<1x128xf32>
    %eq3A = arith.constant 0 : i32
    %eq3A_89 = arith.cmpi eq, %arg0, %eq3A : i32
    %convert_element_type3A_90 = arith.extui %eq3A_89 : i1 to i32
    %cond3A = arith.constant 0 : i32
    %cond3A_91 = arith.cmpi ne, %convert_element_type3A_90, %cond3A : i32
    scf.if %cond3A_91 {
      %swap3A = arith.constant 0 : index
      %swap3A_101 = arith.constant 0 : index
      %swap3A_102 = vector.load %arg14[%swap3A, %swap3A_101] : memref<1x128xf32, #tpu.memory_space<vmem>>, vector<1x128xf32>
      tpu.vector_store %arg14[%swap3A, %swap3A_101], %broadcast_in_dim3A {strides = array<i32>} : memref<1x128xf32, #tpu.memory_space<vmem>>, vector<1x128xf32>,
      %swap3A_103 = arith.constant 0 : index
      %swap3A_104 = arith.constant 0 : index
      %swap3A_105 = vector.load %arg15[%swap3A_103, %swap3A_104] : memref<1x128xf32, #tpu.memory_space<vmem>>, vector<1x128xf32>
      tpu.vector_store %arg15[%swap3A_103, %swap3A_104], %broadcast_in_dim3A_88 {strides = array<i32>} : memref<1x128xf32, #tpu.memory_space<vmem>>, vector<1x128xf32>,
    } else {
    }
    %gt3A = arith.constant 0 : i32
    %gt3A_92 = arith.cmpi sgt, %arg0, %gt3A : i32
    %convert_element_type3A_93 = arith.extui %gt3A_92 : i1 to i32
    %cond3A_94 = arith.constant 0 : i32
    %cond3A_95 = arith.cmpi ne, %convert_element_type3A_93, %cond3A_94 : i32
    scf.if %cond3A_95 {
      %get3A_101 = arith.constant 0 : index
      %get3A_102 = arith.constant 0 : index
      %get3A_103 = vector.load %arg14[%get3A_101, %get3A_102] : memref<1x128xf32, #tpu.memory_space<vmem>>, vector<1x128xf32>
      %add3A_104 = arith.addf %get3A_103, %broadcast_in_dim3A : vector<1x128xf32>
      %swap3A = arith.constant 0 : index
      %swap3A_105 = arith.constant 0 : index
      %swap3A_106 = vector.load %arg14[%swap3A, %swap3A_105] : memref<1x128xf32, #tpu.memory_space<vmem>>, vector<1x128xf32>
      tpu.vector_store %arg14[%swap3A, %swap3A_105], %add3A_104 {strides = array<i32>} : memref<1x128xf32, #tpu.memory_space<vmem>>, vector<1x128xf32>,
      %get3A_107 = arith.constant 0 : index
      %get3A_108 = arith.constant 0 : index
      %get3A_109 = vector.load %arg15[%get3A_107, %get3A_108] : memref<1x128xf32, #tpu.memory_space<vmem>>, vector<1x128xf32>
      %max3A_110 = arith.maximumf %get3A_109, %broadcast_in_dim3A_88 : vector<1x128xf32>
      %swap3A_111 = arith.constant 0 : index
      %swap3A_112 = arith.constant 0 : index
      %swap3A_113 = vector.load %arg15[%swap3A_111, %swap3A_112] : memref<1x128xf32, #tpu.memory_space<vmem>>, vector<1x128xf32>
      tpu.vector_store %arg15[%swap3A_111, %swap3A_112], %max3A_110 {strides = array<i32>} : memref<1x128xf32, #tpu.memory_space<vmem>>, vector<1x128xf32>,
    } else {
    }
    %eq3A_96 = arith.constant 9 : i32
    %eq3A_97 = arith.cmpi eq, %arg0, %eq3A_96 : i32
    %convert_element_type3A_98 = arith.extui %eq3A_97 : i1 to i32
    %cond3A_99 = arith.constant 0 : i32
    %cond3A_100 = arith.cmpi ne, %convert_element_type3A_98, %cond3A_99 : i32
    scf.if %cond3A_100 {
      %get3A_101 = arith.constant 0 : index
      %get3A_102 = arith.constant 0 : index
      %get3A_103 = vector.load %arg14[%get3A_101, %get3A_102] : memref<1x128xf32, #tpu.memory_space<vmem>>, vector<1x128xf32>
      %get3A_104 = arith.constant 0 : index
      %get3A_105 = arith.constant 0 : index
      %get3A_106 = vector.load %arg15[%get3A_104, %get3A_105] : memref<1x128xf32, #tpu.memory_space<vmem>>, vector<1x128xf32>
      %concatenate3A = tpu.concatenate %get3A_103, %get3A_106 in 1 : vector<1x128xf32>, vector<1x128xf32> -> vector<1x256xf32>
      %get3A_107 = arith.constant 0 : index
      %get3A_108 = arith.constant 0 : index
      %get3A_109 = vector.load %arg9[%get3A_107, %get3A_108] : memref<256x64xf32, #tpu.memory_space<vmem>>, vector<256x64xf32>
      %dot_general3A_110 = arith.constant dense<0.000000e+00> : vector<1x64xf32>
      %dot_general3A_111 = tpu.matmul %concatenate3A, %get3A_109, %dot_general3A_110 {dimension_numbers = #tpu.dot_dimension_numbers<[1], [0], [0], [1], [0, 0, 1, 1], [], []>, precision = #tpu.contract_precision<fp32>, transpose_lhs_hint = false} : vector<1x256xf32>, vector<256x64xf32>, vector<1x64xf32> -> vector<1x64xf32>
      %get3A_112 = arith.constant 0 : index
      %get3A_113 = arith.constant 0 : index
      %get3A_114 = vector.load %arg10[%get3A_112, %get3A_113] : memref<1x64xf32, #tpu.memory_space<vmem>>, vector<1x64xf32>
      %add3A_115 = arith.addf %dot_general3A_111, %get3A_114 : vector<1x64xf32>
      %get3A_116 = arith.constant 0 : index
      %get3A_117 = arith.constant 0 : index
      %get3A_118 = vector.load %arg11[%get3A_116, %get3A_117] : memref<64x1xf32, #tpu.memory_space<vmem>>, vector<64x1xf32>
      %dot_general3A_119 = arith.constant dense<0.000000e+00> : vector<1x1xf32>
      %dot_general3A_120 = tpu.matmul %add3A_115, %get3A_118, %dot_general3A_119 {dimension_numbers = #tpu.dot_dimension_numbers<[1], [0], [0], [1], [0, 0, 1, 1], [], []>, precision = #tpu.contract_precision<fp32>, transpose_lhs_hint = false} : vector<1x64xf32>, vector<64x1xf32>, vector<1x1xf32> -> vector<1x1xf32>
      %get3A_121 = arith.constant 0 : index
      %get3A_122 = arith.constant 0 : index
      %get3A_123 = vector.load %arg12[%get3A_121, %get3A_122] : memref<1x1xf32, #tpu.memory_space<vmem>>, vector<1x1xf32>
      %add3A_124 = arith.addf %dot_general3A_120, %get3A_123 : vector<1x1xf32>
      %swap3A = arith.constant 0 : index
      %swap3A_125 = arith.constant 0 : index
      %swap3A_126 = vector.load %arg13[%swap3A, %swap3A_125] : memref<1x1xf32, #tpu.memory_space<vmem>>, vector<1x1xf32>
      tpu.vector_store %arg13[%swap3A, %swap3A_125], %add3A_124 {strides = array<i32>} : memref<1x1xf32, #tpu.memory_space<vmem>>, vector<1x1xf32>,
    } else {
    }
    return
  }
  func.func @transform_0(%arg0: i32) -> (i32, i32) {
    %c0_i32 = arith.constant 0 : i32
    %c0_i32_0 = arith.constant 0 : i32
    return %arg0, %c0_i32 : i32, i32
  }
  func.func @transform_1(%arg0: i32) -> (i32, i32, i32) {
    %c0_i32 = arith.constant 0 : i32
    %c0_i32_0 = arith.constant 0 : i32
    %c0_i32_1 = arith.constant 0 : i32
    return %c0_i32, %arg0, %c0_i32_0 : i32, i32, i32
  }
  func.func @transform_2(%arg0: i32) -> (i32, i32, i32) {
    %c0_i32 = arith.constant 0 : i32
    %c0_i32_0 = arith.constant 0 : i32
    %c0_i32_1 = arith.constant 0 : i32
    return %c0_i32, %arg0, %c0_i32_0 : i32, i32, i32
  }
  func.func @transform_3(%arg0: i32) -> (i32, i32) {
    %c0_i32 = arith.constant 0 : i32
    %c0_i32_0 = arith.constant 0 : i32
    %c0_i32_1 = arith.constant 0 : i32
    return %c0_i32, %c0_i32_0 : i32, i32
  }
  func.func @transform_4(%arg0: i32) -> (i32, i32) {
    %c0_i32 = arith.constant 0 : i32
    %c0_i32_0 = arith.constant 0 : i32
    %c0_i32_1 = arith.constant 0 : i32
    return %c0_i32, %c0_i32_0 : i32, i32
  }
  func.func @transform_5(%arg0: i32) -> (i32, i32) {
    %c0_i32 = arith.constant 0 : i32
    %c0_i32_0 = arith.constant 0 : i32
    %c0_i32_1 = arith.constant 0 : i32
    return %c0_i32, %c0_i32_0 : i32, i32
  }
  func.func @transform_6(%arg0: i32) -> (i32, i32) {
    %c0_i32 = arith.constant 0 : i32
    %c0_i32_0 = arith.constant 0 : i32
    %c0_i32_1 = arith.constant 0 : i32
    return %c0_i32, %c0_i32_0 : i32, i32
  }
  func.func @transform_7(%arg0: i32) -> (i32, i32) {
    %c0_i32 = arith.constant 0 : i32
    %c0_i32_0 = arith.constant 0 : i32
    %c0_i32_1 = arith.constant 0 : i32
    return %c0_i32, %c0_i32_0 : i32, i32
  }
  func.func @transform_8(%arg0: i32) -> (i32, i32) {
    %c0_i32 = arith.constant 0 : i32
    %c0_i32_0 = arith.constant 0 : i32
    %c0_i32_1 = arith.constant 0 : i32
    return %c0_i32, %c0_i32_0 : i32, i32
  }
  func.func @transform_9(%arg0: i32) -> (i32, i32) {
    %c0_i32 = arith.constant 0 : i32
    %c0_i32_0 = arith.constant 0 : i32
    %c0_i32_1 = arith.constant 0 : i32
    return %c0_i32, %c0_i32_0 : i32, i32
  }
  func.func @transform_10(%arg0: i32) -> (i32, i32) {
    %c0_i32 = arith.constant 0 : i32
    %c0_i32_0 = arith.constant 0 : i32
    %c0_i32_1 = arith.constant 0 : i32
    return %c0_i32, %c0_i32_0 : i32, i32
  }
  func.func @transform_11(%arg0: i32) -> (i32, i32) {
    %c0_i32 = arith.constant 0 : i32
    %c0_i32_0 = arith.constant 0 : i32
    %c0_i32_1 = arith.constant 0 : i32
    return %c0_i32, %c0_i32_0 : i32, i32
  }
  func.func @transform_12(%arg0: i32) -> (i32, i32) {
    %c0_i32 = arith.constant 0 : i32
    %c0_i32_0 = arith.constant 0 : i32
    %c0_i32_1 = arith.constant 0 : i32
    return %c0_i32, %c0_i32_0 : i32, i32
  }
}

</mosaic_0001>

<sc_bundles>
// kernel: kernel.6.cloned.1.call-start
scs
__scs_entry_jumppad:
0x0: {  	(pc) =	sbr.rel $0x88, $3  }
0x1: {  	(tag) =	ssettag $0x0;
	lr =	simm.s32 $0x1  }
0x2: {  	[smem:$0x3F93] =	sst lr;
	_ =	strace $0xD0000000  }
0x3: {  	_ = 	snop  }
0x4: {  	_ = 	snop  }
0x5: {  	_ = 	snop  }
0x6: {  	_ = 	snop  }
0x7: {  	_ = 	snop  }
__scs_overlays_trampoline_lowered:
0x8: {  	[smem:$0x3FA2] =	sst s0  }
0x9: {  	[smem:$0x3FA3] =	sst s1  }
0xa: {  	[smem:$0x3FA4] =	sst s2  }
0xb: {  	[smem:$0x3FA5] =	sst s3  }
0xc: {  	[smem:$0x3FA6] =	sst s4  }
0xd: {  	[smem:$0x3FA7] =	sst s5  }
0xe: {  	[smem:$0x3FA8] =	sst s6  }
0xf: {  	[smem:$0x3FA9] =	sst s7  }
0x10: {  	[smem:$0x3FAA] =	sst s8  }
0x11: {  	[smem:$0x3FAB] =	sst s9;
	s0 =	simm.s32 @!p0 $0x0  }
0x12: {  	s1 =	sld [smem:$0x3F91];
	s0 =	simm.s32 @p0 $0x1  }
0x13: {  	[smem:$0x3FAC] =	sst s0;
	s0 =	simm.s32 @!p1 $0x0  }
0x14: {  	s2 =	sld [smem:$0x3F90];
	s0 =	simm.s32 @p1 $0x1  }
0x15: {  	[smem:$0x3FAD] =	sst s0;
	s0 =	simm.s32 @!p2 $0x0  }
0x16: {  	s3 =	sld [smem:$0x3FDB];
	s0 =	simm.s32 @p2 $0x1  }
0x17: {  	s4 =	simm.s32 $0x1BF5;
	[smem:$0x3FAF] =	sst s0  }
0x18: {  	s0 =	sld [smem:$0x3F92];
	_ =	swait.ge [sflag:s4], $0x0  }
0x19: {  	s7 =	sld [smem:$0x3F93]  }
0x1a: {  	s8 =	sadd.s32 $0xFFFFE003, lr  }
0x1b: {  	s9 =	sadd.s32 $0xFFFFFEF7, lr;
	s5 =	simm.s32 $0xFFFFFFFF;
	p2 =	slt.u32 s8, $0xFFFFF086  }
0x1c: {  	p1 =	slt.u32 s9, $0xF7A;
	s5 =	simm.s32 @!p2 $0x0  }
0x1d: {  	s5 =	simm.s32 @p1 $0x1;
	p0 =	seq.s32 s7, s2  }
0x1e: {  	s7 =	smul.u32 @!p0 $0xF7A, s2;
	p2 =	seq.s32 @!p0 s5, $0x0  }
0x1f: {  	s9 =	smul.u32 $0xF7A, s1;
	s8 =	simm.s32 @!p0 $0x1BF5;
	p2 =	por !p2, p0  }
0x20: {  	[sflag:s8] =	ssyncset.s32 @!p0 $0xFFFFF086;
	s6 =	sadd.s32 @!p0 s3, s7;
	s7 =	simm.s32 @!p0 $0x108  }
0x21: {  	s3 =	sadd.s32 s3, s9;
	s6 =	sadd.s32 @!p0 $0x88, s6;
	s7 =	simm.s32 @p2 $0x1082  }
0x22: {  	[simem:s7], [sflag:s8] =	dma.local @!p0 [hbm:s6], $0xF7A  }
0x23: {  	s9 =	sor.u32 $0xD0000000, s2;
	s6 =	simm.s32 $0x108;
	_ =	swait.ge @!p0 [sflag:s8], $0x0  }
0x24: {  	s3 =	sadd.s32 $0x88, s3;
	s6 =	simm.s32 @!p1 $0x1082;
	[sflag:s4] =	ssyncset.s32 $0xFFFFF086  }
0x25: {  	[simem:s6], [sflag:s4] =	dma.local [hbm:s3], $0xF7A  }
0x26: {  	[smem:$0x3F93] =	sst s1;
	(tag) =	ssettag s2;
	_ =	strace s9  }
0x27: {  	s1 =	sld [smem:$0x3FA3]  }
0x28: {  	s2 =	sld [smem:$0x3FA4]  }
0x29: {  	s4 =	sld [smem:$0x3FA6]  }
0x2a: {  	p0 =	seq.s32 s5, $0x0;
	s5 =	sld [smem:$0x3FA7]  }
0x2b: {  	s6 =	sld [smem:$0x3FA8]  }
0x2c: {  	s7 =	sld [smem:$0x3FA9]  }
0x2d: {  	s3 =	simm.s32 $0x108;
	s8 =	sld [smem:$0x3FAA]  }
0x2e: {  	s3 =	simm.s32 @!p0 $0x1082;
	s9 =	sld [smem:$0x3FAB]  }
0x2f: {  	lr =	sadd.s32 s0, s3;
	s0 =	sld [smem:$0x3FA2]  }
0x30: {  	s3 =	sld [smem:$0x3FA5]  }
0x31: {  	[smem:$0x3FAE] =	sst s10  }
0x32: {  	s10 =	sld [smem:$0x3FAC];
	_ =	sdelay $0x3  }
0x33: {  	p0 =	seq.s32 s10, $0x1;
	s10 =	sld [smem:$0x3FAE];
	_ =	sdelay $0x3  }
0x34: {  	[smem:$0x3FAE] =	sst s10  }
0x35: {  	s10 =	sld [smem:$0x3FAD];
	_ =	sdelay $0x3  }
0x36: {  	p1 =	seq.s32 s10, $0x1;
	s10 =	sld [smem:$0x3FAE];
	_ =	sdelay $0x3  }
0x37: {  	[smem:$0x3FAE] =	sst s10  }
0x38: {  	s10 =	sld [smem:$0x3FAF]  }
0x39: {  	_ = 	snop;
	(pc) =	sbr.ind lr, $3  }
0x3a: {  	_ = 	snop  }
0x3b: {  	_ = 	snop  }
0x3c: {  	p2 =	seq.s32 s10, $0x1;
	s10 =	sld [smem:$0x3FAE]  }
0x3d: {  	_ =	shalt  }
0x3e: {  	_ =	shalt  }
0x3f: {  	_ =	shalt  }
0x40: {  	_ =	shalt  }
0x41: {  	_ =	shalt  }
0x42: {  	_ =	shalt  }
0x43: {  	_ =	shalt  }
0x44: {  	_ =	shalt  }
0x45: {  	_ =	shalt  }
0x46: {  	_ =	shalt  }
0x47: {  	_ =	shalt  }
0x48: {  	_ =	shalt  }
0x49: {  	_ =	shalt  }
0x4a: {  	_ =	shalt  }
0x4b: {  	_ =	shalt  }
0x4c: {  	_ =	shalt  }
0x4d: {  	_ =	shalt  }
0x4e: {  	_ =	shalt  }
0x4f: {  	_ =	shalt  }
0x50: {  	_ =	shalt  }
0x51: {  	_ =	shalt  }
0x52: {  	_ =	shalt  }
0x53: {  	_ =	shalt  }
0x54: {  	_ =	shalt  }
0x55: {  	_ =	shalt  }
0x56: {  	_ =	shalt  }
0x57: {  	_ =	shalt  }
0x58: {  	_ =	shalt  }
0x59: {  	_ =	shalt  }
0x5a: {  	_ =	shalt  }
0x5b: {  	_ =	shalt  }
0x5c: {  	_ =	shalt  }
0x5d: {  	_ =	shalt  }
0x5e: {  	_ =	shalt  }
0x5f: {  	_ =	shalt  }
0x60: {  	_ =	shalt  }
0x61: {  	_ =	shalt  }
0x62: {  	_ =	shalt  }
0x63: {  	_ =	shalt  }
0x64: {  	_ =	shalt  }
0x65: {  	_ =	shalt  }
0x66: {  	_ =	shalt  }
0x67: {  	_ =	shalt  }
0x68: {  	_ =	shalt  }
0x69: {  	_ =	shalt  }
0x6a: {  	_ =	shalt  }
0x6b: {  	_ =	shalt  }
0x6c: {  	_ =	shalt  }
0x6d: {  	_ =	shalt  }
0x6e: {  	_ =	shalt  }
0x6f: {  	_ =	shalt  }
0x70: {  	_ =	shalt  }
0x71: {  	_ =	shalt  }
0x72: {  	_ =	shalt  }
0x73: {  	_ =	shalt  }
0x74: {  	_ =	shalt  }
0x75: {  	_ =	shalt  }
0x76: {  	_ =	shalt  }
0x77: {  	_ =	shalt  }
0x78: {  	_ =	shalt  }
0x79: {  	_ =	shalt  }
0x7a: {  	_ =	shalt  }
0x7b: {  	_ =	shalt  }
0x7c: {  	_ =	shalt  }
0x7d: {  	_ =	shalt  }
0x7e: {  	_ =	shalt  }
0x7f: {  	_ =	shalt  }
0x80: {  	_ =	shalt  }
0x81: {  	_ =	shalt  }
0x82: {  	_ =	shalt  }
0x83: {  	_ =	shalt  }
0x84: {  	_ =	shalt  }
0x85: {  	_ =	shalt  }
0x86: {  	_ =	shalt  }
0x87: {  	_ =	shalt  }
.Lfunc_end0:
.L_simem_size_0:
called_computation_lowered:
.L_overlay_start_0:
0x88: {  	s2 =	sld [smem:$0x3FD9]  }
0x89: {  	s3 =	sld [smem:$0x3FFE];
	_ =	sdelay $0x1  }
0x8a: {  	s1 =	srdreg.scid  }
0x8b: {  	s0 =	sand.u32 $0x1, s1  }
0x8c: {  	s17 =	sshll.u32 s0, $0xA;
	s2 =	sadd.s32 s3, s2  }
0x8d: {  	s2 =	sadd.s32 s2, s17  }
0x8e: {  	[smem:$0x3FBA] =	sst s2  }
0x8f: {  	_ = 	snop  }
0x90: {  	s2 =	sld [smem:$0x3FC9];
	(tm) =	ssettm $0x1  }
0x91: {  	s18 =	sld [smem:$0x3FFB];
	_ =	sdelay $0x3  }
0x92: {  	_ =	strace s18  }
0x93: {  	s3 =	sld [smem:$0x3FFC];
	_ =	sdelay $0x3  }
0x94: {  	_ =	strace s3  }
0x95: {  	s3 =	sld [smem:$0x3FFD];
	_ =	sdelay $0x3  }
0x96: {  	_ =	strace s3  }
0x97: {  	_ =	strace $0x8FFFFFFF  }
0x98: {  	s19 =	sld [smem:$0x3FDB];
	_ =	sdelay $0x1  }
0x99: {  	s4 =	simm.s32 $_scs_section_size  }
0x9a: {  	s5 =	simm.s32 $_size__tile_overlayer_lowered;
	s6 =	simm.s32 $_tile_overlayer_lowered  }
0x9b: {  	s22 =	simm.s32 $0x1BFF;
	s21 =	sshll.u32 s6, $0x1;
	s3 =	sadd.s32 s4, s19  }
0x9c: {  	s7 =	simm.s32 $0x0;
	s20 =	sshll.u32 s5, $0x1;
	s5 =	sadd.s32 s21, s3  }
0x9d: {  	[timem:s7], [sflag:s22] =	dma.local [hbm:s5], s20  }
0x9e: {  	_ =	swait.ge [sflag:s22], s20  }
0x9f: {  	s4 =	ssub.s32 $0x0, s20;
	[sflag:s22] =	ssyncset.done $0x0  }
0xa0: {  	[sflag:s22] =	ssyncadd.s32 s4;
	_ =	sdelay $0x1  }
0xa1: {  	s23 =	simm.s32 $0x1B8B  }
0xa2: {  	_ =	swait.ge [sflag:s23], $0x1  }
0xa3: {  	[sflag:s23] =	ssyncset.done $0x0  }
0xa4: {  	s25 =	simm.s32 $0x1B8E;
	s24 =	sld [smem:$0x3FFE];
	[sflag:s23] =	ssyncadd.s32 $0xFFFFFFFF  }
0xa5: {  	s26 =	simm.s32 $execute0_lowered;
	[smem:$0x3FD2] =	sst s25  }
0xa6: {  	s5 =	sshll.u32 s26, $0x1;
	_ =	strace $0x80000046;
	[dreg:$0x1] =	wrdreg $0xFFFFFFFF  }
0xa7: {  	s28 =	simm.s32 $_size_execute0_lowered;
	s3 =	sadd.s32 s3, s5;
	[dreg:$0x0] =	wrdreg $0x0  }
0xa8: {  	s5 =	sshll.u32 s28, $0x1;
	[dreg:$0x2] =	wrdreg s3  }
0xa9: {  	[dreg:$0x3] =	wrdreg s5  }
0xaa: {  	[dreg:$0x4] =	wrdreg $0xC0  }
0xab: {  	_ =	task [dreg:s7], $0x5FFFF  }
0xac: {  	[dreg:$0x1] =	wrdreg $0xFFFFFFFF  }
0xad: {  	[dreg:$0x0] =	wrdreg $0x60  }
0xae: {  	[dreg:$0x2] =	wrdreg s2  }
0xaf: {  	[dreg:$0x3] =	wrdreg s24  }
0xb0: {  	[dreg:$0x4] =	wrdreg $0x0  }
0xb1: {  	[dreg:$0x5] =	wrdreg $0x140000  }
0xb2: {  	[dreg:$0x6] =	wrdreg $0x9  }
0xb3: {  	_ =	task.clear_ibuf [dreg:s7], $0x7FFFF;
	_ =	strace $0x90000046  }
0xb4: {  	s29 =	simm.s32 $0x9;
	_ =	strace $0x80000048  }
0xb5: {  	_ =	swait.ge [sflag:s29], $0x1  }
0xb6: {  	[sflag:s29] =	ssyncadd.s32 $0xFFFFFFFF  }
0xb7: {  	_ =	strace $0x90000048  }
0xb8: {  	_ =	sfence  }
0xb9: {  	s30 =	sld [smem:$0x0];
	_ =	sdelay $0x2  }
0xba: {  	s31 =	sshll.u32 s1, $0xD;
	s1 =	sshrl.u32 s1, $0x2  }
0xbb: {  	s3 =	sand.u32 $0x4000, s31;
	s1 =	sadd.s32 s1, s30  }
0xbc: {  	s0 =	sor.u32 s3, s0;
	s1 =	sshll.u32 s1, $0x11  }
0xbd: {  	s0 =	sor.u32 s1, s0  }
0xbe: {  	s0 =	sadd.s32 $0x8F2B, s0  }
0xbf: {  	[sflag:s0] =	ssyncadd.remote.s32 $0x1  }
0xc0: {  	_ =	sfence.sel $0xFFFF  }
0xc1: {  	[dreg:$0x0] =	wrdreg $0xFFFFFFFF;
	(pc) =	sbr.abs _section_cstart, $3  }
0xc2: {  	[dreg:$0x1] =	wrdreg $0xFFFFFFFF  }
0xc3: {  	_ =	task.clear_ibuf [dreg:s7], $0x2FFFF;
	_ =	strace $0x9FFFFFFF  }
0xc4: {  	(tm) =	ssettm $0x7FFFFFFF  }
0xc5: {  	_ =	shalt  }
tec
execute0_lowered:
.L_overlay_start_1:
0x0: {  	(tag) =	ssettag $0x1  }
0x1: {  	s1 =	rddreg [dreg:$0x0]  }
0x2: {  	s0 =	rddreg [dreg:$0x1]  }
0x3: {  	s2 =	rddreg [dreg:$0x2]  }
0x4: {  	s3 =	rddreg [dreg:$0x3]  }
0x5: {  	s4 =	srdreg.scid;
	s23 =	stileid.u32  }
0x6: {  	s5 =	simm.s32 $0x0;
	s30 =	simm.s32 $0x5;
	s7 =	smul.u32 $0x280, s23  }
0x7: {  	s29 =	simm.s32 $0x16B00;
	s6 =	sand.u32 $0x1, s4;
	s20 =	smul.u32 $0x2800, s23  }
0x8: {  	[smem:$0x7FF] =	sst s5;
	s9 =	sadd.s32 $0x21600, s0;
	s4 =	smul.u32 $0x5000, s6  }
0x9: {  	_ =	strace $0x80000047;
	s21 =	ssub.s32 $0x2, s6;
	s15 =	smul.u32 $0x140000, s6  }
0xa: {  	s6 =	smul.u32 $0x28000, s6;
	s10 =	sshrl.u32 s21, $0x1;
	s11 =	sadd.s32 $0x80, s7  }
0xb: {  	s13 =	sadd.s32 $0x100, s7;
	s14 =	sadd.s32 $0x180, s7;
	s7 =	sadd.s32 $0x200, s7  }
0xc: {  	s8 =	sadd.s32 s4, s0;
	s4 =	ssub.s32 s21, s10;
	s10 =	smul.u32 $0x14000, s23  }
0xd: {  	s12 =	sshll.u32 s11, $0x7;
	s16 =	sshll.u32 s13, $0x7;
	s17 =	sshll.u32 s14, $0x7  }
0xe: {  	s19 =	sshll.u32 s7, $0x7;
	s11 =	sshll.u32 s11, $0x4;
	s13 =	sshll.u32 s13, $0x4  }
0xf: {  	s14 =	sshll.u32 s14, $0x4;
	s7 =	sshll.u32 s7, $0x4;
	s22 =	sadd.s32 s15, s12  }
0x10: {  	s21 =	sadd.s32 s15, s16;
	s25 =	sadd.s32 s15, s17;
	s18 =	sadd.s32 s10, s15  }
0x11: {  	s16 =	sadd.s32 s16, s2;
	s24 =	sshrl.u32 s21, $0x3;
	s18 =	sshrl.u32 s18, $0x3  }
0x12: {  	s15 =	sadd.s32 s15, s19;
	s26 =	sshrl.u32 s25, $0x3;
	s18 =	sadd.s32 s9, s18  }
0x13: {  	[dreg:$0x9] =	wrdreg s18;
	s18 =	sshrl.u32 s22, $0x3;
	s22 =	smul.u32 $0x500, s23  }
0x14: {  	s21 =	sadd.s32 s6, s11;
	[dreg:$0x17] =	wrdreg s16;
	s18 =	sadd.s32 s9, s18  }
0x15: {  	s15 =	sshrl.u32 s15, $0x3;
	[dreg:$0xa] =	wrdreg s18;
	s8 =	sadd.s32 s22, s8  }
0x16: {  	s18 =	sadd.s32 s9, s24;
	s22 =	sadd.s32 $0x17600, s0;
	s24 =	sadd.s32 s6, s13  }
0x17: {  	s0 =	sadd.s32 $0x16E00, s0;
	[dreg:$0xb] =	wrdreg s18;
	s18 =	sadd.s32 s9, s26  }
0x18: {  	s9 =	sadd.s32 s9, s15;
	s31 =	sadd.s32 $0xCE00, s8;
	[dreg:$0x13] =	wrdreg s0  }
0x19: {  	s8 =	sadd.s32 $0x2E00, s8;
	s15 =	sadd.s32 s20, s6;
	[dreg:$0xc] =	wrdreg s18  }
0x1a: {  	s25 =	sshrl.u32 s24, $0x3;
	s26 =	sadd.s32 s6, s14;
	[dreg:$0xd] =	wrdreg s9  }
0x1b: {  	s6 =	sadd.s32 s6, s7;
	s24 =	sadd.s32 s13, s3;
	[dreg:$0x5] =	wrdreg s31  }
0x1c: {  	s0 =	simm.s32 $0x16800;
	s13 =	simm.s32 $0x16C80;
	[dreg:$0x6] =	wrdreg s8  }
0x1d: {  	s18 =	simm.s32 $0x16880;
	s9 =	sshrl.u32 s15, $0x3;
	s8 =	sshrl.u32 s21, $0x3  }
0x1e: {  	s6 =	sshrl.u32 s6, $0x3;
	s31 =	simm.s32 $0x16900;
	[dreg:$0x1c] =	wrdreg s24  }
0x1f: {  	s15 =	sadd.s32 s12, s2;
	s21 =	sadd.s32 s19, s2;
	[dreg:$0x7] =	wrdreg s18  }
0x20: {  	s12 =	simm.s32 $0x2;
	s19 =	simm.s32 $0x16A00;
	[dreg:$0x8] =	wrdreg s31  }
0x21: {  	s24 =	simm.s32 $0x16B80;
	s9 =	sadd.s32 s22, s9;
	[dreg:$0x16] =	wrdreg s15  }
0x22: {  	s8 =	sadd.s32 s22, s8;
	s6 =	sadd.s32 s22, s6;
	[dreg:$0x19] =	wrdreg s21  }
0x23: {  	s18 =	sadd.s32 s17, s2;
	s31 =	smax.u32 s4, $0x1;
	[dreg:$0xe] =	wrdreg s9  }
0x24: {  	s4 =	simm.s32 $0x16C00;
	s15 =	simm.s32 $0x16980;
	[dreg:$0xf] =	wrdreg s8  }
0x25: {  	s17 =	simm.s32 $0x16D00;
	s21 =	simm.s32 $0x16A80;
	[dreg:$0x12] =	wrdreg s6  }
0x26: {  	s8 =	sadd.s32 s22, s25;
	s9 =	sadd.s32 s10, s2;
	[dreg:$0x18] =	wrdreg s18  }
0x27: {  	s10 =	sshll.u32 s23, $0x6;
	s23 =	sadd.s32 s11, s3;
	[dreg:$0x1f] =	wrdreg s31  }
0x28: {  	s25 =	sadd.s32 s14, s3;
	s6 =	simm.s32 $0x7D;
	[dreg:$0x10] =	wrdreg s8  }
0x29: {  	s11 =	simm.s32 $0x3;
	s14 =	simm.s32 $0x4;
	[dreg:$0x14] =	wrdreg s9  }
0x2a: {  	s18 =	simm.s32 $0x0;
	s8 =	sshrl.u32 s26, $0x3;
	[dreg:$0x1b] =	wrdreg s23  }
0x2b: {  	s28 =	sor.u32 $0x1C05, s10;
	[dreg:$0x1d] =	wrdreg s25;
	s26 =	sadd.s32 s7, s3  }
0x2c: {  	s7 =	simm.s32 $0x17000;
	s9 =	simm.s32 $0x1;
	s10 =	simm.s32 $0x1F000  }
0x2d: {  	s23 =	simm.s32 $0x16E80;
	s25 =	simm.s32 $0x16F00;
	[dreg:$0x1e] =	wrdreg s26  }
0x2e: {  	s8 =	sadd.s32 s22, s8;
	s22 =	sadd.s32 s20, s3;
	[dreg:$0x15] =	wrdreg s28  }
0x2f: {  	s20 =	simm.s32 $0x16D80;
	s26 =	simm.s32 $0x16F80;
	[dreg:$0x11] =	wrdreg s8  }
0x30: {  	v0 =	vimm.f32 $1.000000000e+00;
	v1 =	vimm.f32 $0.0e+00;
	[dreg:$0x1a] =	wrdreg s22;
	s8 =	simm.s32 $0x1B000;
	s22 =	simm.s32 $0x16E00  }
.LBB2_1:
0x31: {  	[smem:$0x7F8] =	sst s18  }
0x32: {  	s16 =	rddreg [dreg:$0x14]  }
0x33: {  	s31 =	sshrl.u32 s16, $0x3;
	s16 =	rddreg [dreg:$0x13]  }
0x34: {  	[smem:$0x7F9] =	sst s31  }
0x35: {  	[spmem:s31], [sflag:s28] =	dma.local [hbm:s16], $0x800  }
0x36: {  	_ =	swait.ge [sflag:s30], $0x800  }
0x37: {  	s31 =	rddreg [dreg:$0x16]  }
0x38: {  	[sflag:s30] =	ssyncset.done $0x0;
	s18 =	sshrl.u32 s31, $0x3  }
0x39: {  	[sflag:s30] =	ssyncadd.s32 $0xFFFFF800;
	[smem:$0x7FA] =	sst s18  }
0x3a: {  	[spmem:s18], [sflag:s28] =	dma.local [hbm:s16], $0x800  }
0x3b: {  	_ =	swait.ge [sflag:s30], $0x800  }
0x3c: {  	s31 =	rddreg [dreg:$0x17]  }
0x3d: {  	[sflag:s30] =	ssyncset.done $0x0;
	s18 =	sshrl.u32 s31, $0x3  }
0x3e: {  	[sflag:s30] =	ssyncadd.s32 $0xFFFFF800;
	[smem:$0x7FB] =	sst s18  }
0x3f: {  	[spmem:s18], [sflag:s28] =	dma.local [hbm:s16], $0x800  }
0x40: {  	_ =	swait.ge [sflag:s30], $0x800  }
0x41: {  	s31 =	rddreg [dreg:$0x18]  }
0x42: {  	[sflag:s30] =	ssyncset.done $0x0;
	s18 =	sshrl.u32 s31, $0x3  }
0x43: {  	[sflag:s30] =	ssyncadd.s32 $0xFFFFF800;
	[smem:$0x7FC] =	sst s18  }
0x44: {  	[spmem:s18], [sflag:s28] =	dma.local [hbm:s16], $0x800  }
0x45: {  	_ =	swait.ge [sflag:s30], $0x800  }
0x46: {  	s31 =	rddreg [dreg:$0x19]  }
0x47: {  	[sflag:s30] =	ssyncset.done $0x0;
	s18 =	sshrl.u32 s31, $0x3  }
0x48: {  	[sflag:s30] =	ssyncadd.s32 $0xFFFFF800;
	[smem:$0x7FD] =	sst s18  }
0x49: {  	[spmem:s18], [sflag:s28] =	dma.local [hbm:s16], $0x800  }
0x4a: {  	_ =	swait.ge [sflag:s30], $0x800  }
0x4b: {  	[sflag:s30] =	ssyncset.done $0x0  }
0x4c: {  	s16 =	simm.s32 $0x40;
	s28 =	simm.s32 $0x0;
	[sflag:s30] =	ssyncadd.s32 $0xFFFFF800  }
.LBB2_2:
0x4d: {  	p0 =	sne.s32 s16, $0x1F00;
	[tilespmem:s28+$0x1F000] =	vst v0;
	s31 =	smov.u32 s16;
	s16 =	sadd.s32 $0x40, s16  }
.Ltmp0:
0x4e: {  	[tilespmem:s28+$0x1F7D0] =	vst v1;
	(pc) =	sbr.rel @p0 .LBB2_2-.Ltmp0, $2  }
0x4f: {  	_ =	sdelay $0x2  }
0x50: {  	s28 =	sshra.s32 s31, $0x2  }
0x51: {  	[tilespmem:s28+$0x1F000] =	vst v0  }
0x52: {  	[tilespmem:s28+$0x1F7D0] =	vst v1  }
0x53: {  	[tilespmem:$0x1FFA0] =	vst v1  }
0x54: {  	[tilespmem:$0x1FFB0] =	vst v1  }
0x55: {  	s16 =	rddreg [dreg:$0x1a];
	s18 =	simm.s32 $0x1F7D0;
	[tilespmem:$0x1FFC0] =	vst v1  }
0x56: {  	[spmem:s16] =	stream.linear.scatter [tilespmem:s18], [sflag:$0x5], $0x800, $0x38;
	v63 =	vld [tilespmem:$0x0]  }
0x57: {  	_ =	swait.ge [sflag:s30], $0x800  }
0x58: {  	[sflag:s30] =	ssyncset.done $0x0  }
0x59: {  	s16 =	rddreg [dreg:$0x1b];
	[sflag:s30] =	ssyncadd.s32 $0xFFFFF800  }
0x5a: {  	[spmem:s16] =	stream.linear.scatter [tilespmem:s18], [sflag:$0x5], $0x800, $0x38;
	v63 =	vld [tilespmem:$0x0]  }
0x5b: {  	_ =	swait.ge [sflag:s30], $0x800  }
0x5c: {  	[sflag:s30] =	ssyncset.done $0x0  }
0x5d: {  	s16 =	rddreg [dreg:$0x1c];
	[sflag:s30] =	ssyncadd.s32 $0xFFFFF800  }
0x5e: {  	[spmem:s16] =	stream.linear.scatter [tilespmem:s18], [sflag:$0x5], $0x800, $0x38;
	v63 =	vld [tilespmem:$0x0]  }
0x5f: {  	_ =	swait.ge [sflag:s30], $0x800  }
0x60: {  	[sflag:s30] =	ssyncset.done $0x0  }
0x61: {  	s16 =	rddreg [dreg:$0x1d];
	[sflag:s30] =	ssyncadd.s32 $0xFFFFF800  }
0x62: {  	[spmem:s16] =	stream.linear.scatter [tilespmem:s18], [sflag:$0x5], $0x800, $0x38;
	v63 =	vld [tilespmem:$0x0]  }
0x63: {  	_ =	swait.ge [sflag:s30], $0x800  }
0x64: {  	[sflag:s30] =	ssyncset.done $0x0  }
0x65: {  	s16 =	rddreg [dreg:$0x1e];
	[sflag:s30] =	ssyncadd.s32 $0xFFFFF800  }
0x66: {  	[spmem:s16] =	stream.linear.scatter [tilespmem:s18], [sflag:$0x5], $0x800, $0x38;
	v63 =	vld [tilespmem:$0x0]  }
0x67: {  	_ =	swait.ge [sflag:s30], $0x800  }
0x68: {  	[sflag:s30] =	ssyncset.done $0x0  }
0x69: {  	[sflag:s30] =	ssyncadd.s32 $0xFFFFF800  }
0x6a: {  	[bflag:$0x0] =	sbarrier.arrive $0xFFFF  }
0x6b: {  	s18 =	rddreg [dreg:$0x5]  }
0x6c: {  	s16 =	sadd.s32 $0x0, s18  }
0x6d: {  	[tilespmem:s0], [sflag:$0x5] =	stream.linear.gather [hbm4b:s16+s5], $0x400, $0x38;
	v63 =	vld [tilespmem:$0x0]  }
0x6e: {  	_ =	swait.ge [sflag:s30], $0x400  }
0x6f: {  	s18 =	rddreg [dreg:$0x6];
	[sflag:s30] =	ssyncset.done $0x0  }
0x70: {  	[sflag:s30] =	ssyncadd.s32 $0xFFFFFC00;
	s16 =	sadd.s32 $0x0, s18  }
0x71: {  	[tilespmem:s4], [sflag:$0x5] =	stream.linear.gather [hbm4b:s16+s5], $0x400, $0x38;
	v63 =	vld [tilespmem:$0x0]  }
0x72: {  	_ =	swait.ge [sflag:s30], $0x400  }
0x73: {  	[sflag:s30] =	ssyncset.done $0x0  }
0x74: {  	[sflag:s30] =	ssyncadd.s32 $0xFFFFFC00  }
0x75: {  	[tilespmem:s7], [sflag:$0x1] =	stream.indirect.gather [hbm4b:s1+s6], $0x80, s0, s6, $0xb8;
	v63 =	vld [tilespmem:$0x0]  }
0x76: {  	s18 =	rddreg [dreg:$0x7]  }
0x77: {  	[tilespmem:s8], [sflag:$0x2] =	stream.indirect.gather [hbm4b:s1+s6], $0x80, s18, s6, $0xb8;
	v63 =	vld [tilespmem:$0x0]  }
0x78: {  	_ =	swait.ge [sflag:s9], $0x3E80  }
0x79: {  	[sflag:s9] =	ssyncset.done $0x0  }
0x7a: {  	[sflag:s9] =	ssyncadd.s32 $0xFFFFC180  }
0x7b: {  	[spmem:s2] =	stream.indirect.scatter.add.f32 [tilespmem:s7], [sflag:$0x3], $0x80, s4, s6, $0xb8;
	v63 =	vld [tilespmem:$0x0]  }
0x7c: {  	_ = 	snop  }
0x7d: {  	[spmem:s3] =	stream.indirect.scatter.add.f32 [tilespmem:s10], [sflag:$0x5], $0x10, s4, s6, $0xb8;
	v63 =	vld [tilespmem:$0x0]  }
0x7e: {  	_ =	swait.ge [sflag:s30], $0x7D0  }
0x7f: {  	[sflag:s30] =	ssyncset.done $0x0  }
0x80: {  	[sflag:s30] =	ssyncadd.s32 $0xFFFFF830  }
0x81: {  	_ =	swait.ge [sflag:s11], $0x3E80  }
0x82: {  	[sflag:s11] =	ssyncset.done $0x0  }
0x83: {  	s18 =	rddreg [dreg:$0x8];
	[sflag:s11] =	ssyncadd.s32 $0xFFFFC180  }
0x84: {  	[tilespmem:s7], [sflag:$0x1] =	stream.indirect.gather [hbm4b:s1+s6], $0x80, s18, s6, $0xb8;
	v63 =	vld [tilespmem:$0x0]  }
0x85: {  	_ =	swait.ge [sflag:s12], $0x3E80  }
0x86: {  	[sflag:s12] =	ssyncset.done $0x0  }
0x87: {  	[sflag:s12] =	ssyncadd.s32 $0xFFFFC180  }
0x88: {  	[spmem:s2] =	stream.indirect.scatter.add.f32 [tilespmem:s8], [sflag:$0x4], $0x80, s13, s6, $0xb8;
	v63 =	vld [tilespmem:$0x0]  }
0x89: {  	_ = 	snop  }
0x8a: {  	[spmem:s3] =	stream.indirect.scatter.add.f32 [tilespmem:s10], [sflag:$0x5], $0x10, s13, s6, $0xb8;
	v63 =	vld [tilespmem:$0x0]  }
0x8b: {  	_ =	swait.ge [sflag:s30], $0x7D0  }
0x8c: {  	[sflag:s30] =	ssyncset.done $0x0  }
0x8d: {  	[sflag:s30] =	ssyncadd.s32 $0xFFFFF830  }
0x8e: {  	_ =	swait.ge [sflag:s14], $0x3E80  }
0x8f: {  	[sflag:s14] =	ssyncset.done $0x0  }
0x90: {  	[sflag:s14] =	ssyncadd.s32 $0xFFFFC180  }
0x91: {  	[tilespmem:s8], [sflag:$0x2] =	stream.indirect.gather [hbm4b:s1+s6], $0x80, s15, s6, $0xb8;
	v63 =	vld [tilespmem:$0x0]  }
0x92: {  	_ =	swait.ge [sflag:s9], $0x3E80  }
0x93: {  	[sflag:s9] =	ssyncset.done $0x0  }
0x94: {  	[sflag:s9] =	ssyncadd.s32 $0xFFFFC180  }
0x95: {  	[spmem:s2] =	stream.indirect.scatter.add.f32 [tilespmem:s7], [sflag:$0x3], $0x80, s17, s6, $0xb8;
	v63 =	vld [tilespmem:$0x0]  }
0x96: {  	_ = 	snop  }
0x97: {  	[spmem:s3] =	stream.indirect.scatter.add.f32 [tilespmem:s10], [sflag:$0x5], $0x10, s17, s6, $0xb8;
	v63 =	vld [tilespmem:$0x0]  }
0x98: {  	_ =	swait.ge [sflag:s30], $0x7D0  }
0x99: {  	[sflag:s30] =	ssyncset.done $0x0  }
0x9a: {  	[sflag:s30] =	ssyncadd.s32 $0xFFFFF830  }
0x9b: {  	_ =	swait.ge [sflag:s11], $0x3E80  }
0x9c: {  	[sflag:s11] =	ssyncset.done $0x0  }
0x9d: {  	[sflag:s11] =	ssyncadd.s32 $0xFFFFC180  }
0x9e: {  	[tilespmem:s7], [sflag:$0x1] =	stream.indirect.gather [hbm4b:s1+s6], $0x80, s19, s6, $0xb8;
	v63 =	vld [tilespmem:$0x0]  }
0x9f: {  	_ =	swait.ge [sflag:s12], $0x3E80  }
0xa0: {  	[sflag:s12] =	ssyncset.done $0x0  }
0xa1: {  	[sflag:s12] =	ssyncadd.s32 $0xFFFFC180  }
0xa2: {  	[spmem:s2] =	stream.indirect.scatter.add.f32 [tilespmem:s8], [sflag:$0x4], $0x80, s20, s6, $0xb8;
	v63 =	vld [tilespmem:$0x0]  }
0xa3: {  	_ = 	snop  }
0xa4: {  	[spmem:s3] =	stream.indirect.scatter.add.f32 [tilespmem:s10], [sflag:$0x5], $0x10, s20, s6, $0xb8;
	v63 =	vld [tilespmem:$0x0]  }
0xa5: {  	_ =	swait.ge [sflag:s30], $0x7D0  }
0xa6: {  	[sflag:s30] =	ssyncset.done $0x0  }
0xa7: {  	[sflag:s30] =	ssyncadd.s32 $0xFFFFF830  }
0xa8: {  	_ =	swait.ge [sflag:s14], $0x3E80  }
0xa9: {  	[sflag:s14] =	ssyncset.done $0x0  }
0xaa: {  	[sflag:s14] =	ssyncadd.s32 $0xFFFFC180  }
0xab: {  	[tilespmem:s8], [sflag:$0x2] =	stream.indirect.gather [hbm4b:s1+s6], $0x80, s21, s6, $0xb8;
	v63 =	vld [tilespmem:$0x0]  }
0xac: {  	_ =	swait.ge [sflag:s9], $0x3E80  }
0xad: {  	[sflag:s9] =	ssyncset.done $0x0  }
0xae: {  	[sflag:s9] =	ssyncadd.s32 $0xFFFFC180  }
0xaf: {  	[spmem:s2] =	stream.indirect.scatter.add.f32 [tilespmem:s7], [sflag:$0x3], $0x80, s22, s6, $0xb8;
	v63 =	vld [tilespmem:$0x0]  }
0xb0: {  	_ = 	snop  }
0xb1: {  	[spmem:s3] =	stream.indirect.scatter.add.f32 [tilespmem:s10], [sflag:$0x5], $0x10, s22, s6, $0xb8;
	v63 =	vld [tilespmem:$0x0]  }
0xb2: {  	_ =	swait.ge [sflag:s30], $0x7D0  }
0xb3: {  	[sflag:s30] =	ssyncset.done $0x0  }
0xb4: {  	[sflag:s30] =	ssyncadd.s32 $0xFFFFF830  }
0xb5: {  	_ =	swait.ge [sflag:s11], $0x3E80  }
0xb6: {  	[sflag:s11] =	ssyncset.done $0x0  }
0xb7: {  	[sflag:s11] =	ssyncadd.s32 $0xFFFFC180  }
0xb8: {  	[tilespmem:s7], [sflag:$0x1] =	stream.indirect.gather [hbm4b:s1+s6], $0x80, s29, s6, $0xb8;
	v63 =	vld [tilespmem:$0x0]  }
0xb9: {  	_ =	swait.ge [sflag:s12], $0x3E80  }
0xba: {  	[sflag:s12] =	ssyncset.done $0x0  }
0xbb: {  	[sflag:s12] =	ssyncadd.s32 $0xFFFFC180  }
0xbc: {  	[spmem:s2] =	stream.indirect.scatter.add.f32 [tilespmem:s8], [sflag:$0x4], $0x80, s23, s6, $0xb8;
	v63 =	vld [tilespmem:$0x0]  }
0xbd: {  	_ = 	snop  }
0xbe: {  	[spmem:s3] =	stream.indirect.scatter.add.f32 [tilespmem:s10], [sflag:$0x5], $0x10, s23, s6, $0xb8;
	v63 =	vld [tilespmem:$0x0]  }
0xbf: {  	_ =	swait.ge [sflag:s30], $0x7D0  }
0xc0: {  	[sflag:s30] =	ssyncset.done $0x0  }
0xc1: {  	[sflag:s30] =	ssyncadd.s32 $0xFFFFF830  }
0xc2: {  	_ =	swait.ge [sflag:s14], $0x3E80  }
0xc3: {  	[sflag:s14] =	ssyncset.done $0x0  }
0xc4: {  	[sflag:s14] =	ssyncadd.s32 $0xFFFFC180  }
0xc5: {  	[tilespmem:s8], [sflag:$0x2] =	stream.indirect.gather [hbm4b:s1+s6], $0x80, s24, s6, $0xb8;
	v63 =	vld [tilespmem:$0x0]  }
0xc6: {  	_ =	swait.ge [sflag:s9], $0x3E80  }
0xc7: {  	[sflag:s9] =	ssyncset.done $0x0  }
0xc8: {  	[sflag:s9] =	ssyncadd.s32 $0xFFFFC180  }
0xc9: {  	[spmem:s2] =	stream.indirect.scatter.add.f32 [tilespmem:s7], [sflag:$0x3], $0x80, s25, s6, $0xb8;
	v63 =	vld [tilespmem:$0x0]  }
0xca: {  	_ = 	snop  }
0xcb: {  	[spmem:s3] =	stream.indirect.scatter.add.f32 [tilespmem:s10], [sflag:$0x5], $0x10, s25, s6, $0xb8;
	v63 =	vld [tilespmem:$0x0]  }
0xcc: {  	_ =	swait.ge [sflag:s30], $0x7D0  }
0xcd: {  	[sflag:s30] =	ssyncset.done $0x0  }
0xce: {  	[sflag:s30] =	ssyncadd.s32 $0xFFFFF830  }
0xcf: {  	_ =	swait.ge [sflag:s12], $0x3E80  }
0xd0: {  	[sflag:s12] =	ssyncset.done $0x0  }
0xd1: {  	[sflag:s12] =	ssyncadd.s32 $0xFFFFC180  }
0xd2: {  	[spmem:s2] =	stream.indirect.scatter.add.f32 [tilespmem:s8], [sflag:$0x4], $0x80, s26, s6, $0xb8;
	v63 =	vld [tilespmem:$0x0]  }
0xd3: {  	_ = 	snop  }
0xd4: {  	[spmem:s3] =	stream.indirect.scatter.add.f32 [tilespmem:s10], [sflag:$0x5], $0x10, s26, s6, $0xb8;
	v63 =	vld [tilespmem:$0x0]  }
0xd5: {  	_ =	swait.ge [sflag:s30], $0x7D0  }
0xd6: {  	[sflag:s30] =	ssyncset.done $0x0  }
0xd7: {  	[sflag:s30] =	ssyncadd.s32 $0xFFFFF830  }
0xd8: {  	_ =	swait.ge [sflag:s11], $0x3E80  }
0xd9: {  	[sflag:s11] =	ssyncset.done $0x0  }
0xda: {  	[sflag:s11] =	ssyncadd.s32 $0xFFFFC180  }
0xdb: {  	s31 =	simm.s32 $0x80;
	_ =	swait.ge [sflag:s14], $0x3E80  }
0xdc: {  	s16 =	simm.s32 $0x100;
	s28 =	rddreg [dreg:$0x5];
	[sflag:s14] =	ssyncset.done $0x0  }
.LBB2_4:
0xdd: {  	[sflag:s14] =	ssyncadd.s32 $0xFFFFC180;
	s28 =	sadd.s32 s31, s28  }
0xde: {  	[tilespmem:s0], [sflag:$0x5] =	stream.linear.gather [hbm4b:s28+s5], $0x400, $0x38;
	v63 =	vld [tilespmem:$0x0]  }
0xdf: {  	_ =	swait.ge [sflag:s30], $0x400  }
0xe0: {  	s28 =	rddreg [dreg:$0x6];
	[sflag:s30] =	ssyncset.done $0x0  }
0xe1: {  	[sflag:s30] =	ssyncadd.s32 $0xFFFFFC00;
	s28 =	sadd.s32 s31, s28  }
0xe2: {  	[tilespmem:s4], [sflag:$0x5] =	stream.linear.gather [hbm4b:s28+s5], $0x400, $0x38;
	v63 =	vld [tilespmem:$0x0]  }
0xe3: {  	_ =	swait.ge [sflag:s30], $0x400  }
0xe4: {  	[sflag:s30] =	ssyncset.done $0x0  }
0xe5: {  	s18 =	smov.u32 s16;
	[sflag:s30] =	ssyncadd.s32 $0xFFFFFC00  }
0xe6: {  	[tilespmem:s7], [sflag:$0x1] =	stream.indirect.gather [hbm4b:s1+s6], $0x80, s0, s6, $0xb8;
	v63 =	vld [tilespmem:$0x0]  }
0xe7: {  	s31 =	smov.u32 s18;
	s18 =	rddreg [dreg:$0x7]  }
0xe8: {  	[tilespmem:s8], [sflag:$0x2] =	stream.indirect.gather [hbm4b:s1+s6], $0x80, s18, s6, $0xb8;
	v63 =	vld [tilespmem:$0x0]  }
0xe9: {  	_ =	swait.ge [sflag:s9], $0x3E80  }
0xea: {  	[sflag:s9] =	ssyncset.done $0x0  }
0xeb: {  	[sflag:s9] =	ssyncadd.s32 $0xFFFFC180  }
0xec: {  	[spmem:s2] =	stream.indirect.scatter.add.f32 [tilespmem:s7], [sflag:$0x3], $0x80, s4, s6, $0xb8;
	v63 =	vld [tilespmem:$0x0]  }
0xed: {  	_ = 	snop  }
0xee: {  	[spmem:s3] =	stream.indirect.scatter.add.f32 [tilespmem:s10], [sflag:$0x5], $0x10, s4, s6, $0xb8;
	v63 =	vld [tilespmem:$0x0]  }
0xef: {  	_ =	swait.ge [sflag:s30], $0x7D0  }
0xf0: {  	[sflag:s30] =	ssyncset.done $0x0  }
0xf1: {  	[sflag:s30] =	ssyncadd.s32 $0xFFFFF830  }
0xf2: {  	_ =	swait.ge [sflag:s11], $0x3E80  }
0xf3: {  	[sflag:s11] =	ssyncset.done $0x0  }
0xf4: {  	s18 =	rddreg [dreg:$0x8];
	[sflag:s11] =	ssyncadd.s32 $0xFFFFC180  }
0xf5: {  	[tilespmem:s7], [sflag:$0x1] =	stream.indirect.gather [hbm4b:s1+s6], $0x80, s18, s6, $0xb8;
	v63 =	vld [tilespmem:$0x0]  }
0xf6: {  	_ =	swait.ge [sflag:s12], $0x3E80  }
0xf7: {  	[sflag:s12] =	ssyncset.done $0x0  }
0xf8: {  	[sflag:s12] =	ssyncadd.s32 $0xFFFFC180  }
0xf9: {  	[spmem:s2] =	stream.indirect.scatter.add.f32 [tilespmem:s8], [sflag:$0x4], $0x80, s13, s6, $0xb8;
	v63 =	vld [tilespmem:$0x0]  }
0xfa: {  	_ = 	snop  }
0xfb: {  	[spmem:s3] =	stream.indirect.scatter.add.f32 [tilespmem:s10], [sflag:$0x5], $0x10, s13, s6, $0xb8;
	v63 =	vld [tilespmem:$0x0]  }
0xfc: {  	_ =	swait.ge [sflag:s30], $0x7D0  }
0xfd: {  	[sflag:s30] =	ssyncset.done $0x0  }
0xfe: {  	[sflag:s30] =	ssyncadd.s32 $0xFFFFF830  }
0xff: {  	_ =	swait.ge [sflag:s14], $0x3E80  }
0x100: {  	[sflag:s14] =	ssyncset.done $0x0  }
0x101: {  	[sflag:s14] =	ssyncadd.s32 $0xFFFFC180  }
0x102: {  	[tilespmem:s8], [sflag:$0x2] =	stream.indirect.gather [hbm4b:s1+s6], $0x80, s15, s6, $0xb8;
	v63 =	vld [tilespmem:$0x0]  }
0x103: {  	_ =	swait.ge [sflag:s9], $0x3E80  }
0x104: {  	[sflag:s9] =	ssyncset.done $0x0  }
0x105: {  	[sflag:s9] =	ssyncadd.s32 $0xFFFFC180  }
0x106: {  	[spmem:s2] =	stream.indirect.scatter.add.f32 [tilespmem:s7], [sflag:$0x3], $0x80, s17, s6, $0xb8;
	v63 =	vld [tilespmem:$0x0]  }
0x107: {  	_ = 	snop  }
0x108: {  	[spmem:s3] =	stream.indirect.scatter.add.f32 [tilespmem:s10], [sflag:$0x5], $0x10, s17, s6, $0xb8;
	v63 =	vld [tilespmem:$0x0]  }
0x109: {  	_ =	swait.ge [sflag:s30], $0x7D0  }
0x10a: {  	[sflag:s30] =	ssyncset.done $0x0  }
0x10b: {  	[sflag:s30] =	ssyncadd.s32 $0xFFFFF830  }
0x10c: {  	_ =	swait.ge [sflag:s11], $0x3E80  }
0x10d: {  	[sflag:s11] =	ssyncset.done $0x0  }
0x10e: {  	[sflag:s11] =	ssyncadd.s32 $0xFFFFC180  }
0x10f: {  	[tilespmem:s7], [sflag:$0x1] =	stream.indirect.gather [hbm4b:s1+s6], $0x80, s19, s6, $0xb8;
	v63 =	vld [tilespmem:$0x0]  }
0x110: {  	_ =	swait.ge [sflag:s12], $0x3E80  }
0x111: {  	[sflag:s12] =	ssyncset.done $0x0  }
0x112: {  	[sflag:s12] =	ssyncadd.s32 $0xFFFFC180  }
0x113: {  	[spmem:s2] =	stream.indirect.scatter.add.f32 [tilespmem:s8], [sflag:$0x4], $0x80, s20, s6, $0xb8;
	v63 =	vld [tilespmem:$0x0]  }
0x114: {  	_ = 	snop  }
0x115: {  	[spmem:s3] =	stream.indirect.scatter.add.f32 [tilespmem:s10], [sflag:$0x5], $0x10, s20, s6, $0xb8;
	v63 =	vld [tilespmem:$0x0]  }
0x116: {  	_ =	swait.ge [sflag:s30], $0x7D0  }
0x117: {  	[sflag:s30] =	ssyncset.done $0x0  }
0x118: {  	[sflag:s30] =	ssyncadd.s32 $0xFFFFF830  }
0x119: {  	_ =	swait.ge [sflag:s14], $0x3E80  }
0x11a: {  	[sflag:s14] =	ssyncset.done $0x0  }
0x11b: {  	[sflag:s14] =	ssyncadd.s32 $0xFFFFC180  }
0x11c: {  	[tilespmem:s8], [sflag:$0x2] =	stream.indirect.gather [hbm4b:s1+s6], $0x80, s21, s6, $0xb8;
	v63 =	vld [tilespmem:$0x0]  }
0x11d: {  	_ =	swait.ge [sflag:s9], $0x3E80  }
0x11e: {  	[sflag:s9] =	ssyncset.done $0x0  }
0x11f: {  	[sflag:s9] =	ssyncadd.s32 $0xFFFFC180  }
0x120: {  	[spmem:s2] =	stream.indirect.scatter.add.f32 [tilespmem:s7], [sflag:$0x3], $0x80, s22, s6, $0xb8;
	v63 =	vld [tilespmem:$0x0]  }
0x121: {  	_ = 	snop  }
0x122: {  	[spmem:s3] =	stream.indirect.scatter.add.f32 [tilespmem:s10], [sflag:$0x5], $0x10, s22, s6, $0xb8;
	v63 =	vld [tilespmem:$0x0]  }
0x123: {  	_ =	swait.ge [sflag:s30], $0x7D0  }
0x124: {  	[sflag:s30] =	ssyncset.done $0x0  }
0x125: {  	[sflag:s30] =	ssyncadd.s32 $0xFFFFF830  }
0x126: {  	_ =	swait.ge [sflag:s11], $0x3E80  }
0x127: {  	[sflag:s11] =	ssyncset.done $0x0  }
0x128: {  	[sflag:s11] =	ssyncadd.s32 $0xFFFFC180  }
0x129: {  	[tilespmem:s7], [sflag:$0x1] =	stream.indirect.gather [hbm4b:s1+s6], $0x80, s29, s6, $0xb8;
	v63 =	vld [tilespmem:$0x0]  }
0x12a: {  	_ =	swait.ge [sflag:s12], $0x3E80  }
0x12b: {  	[sflag:s12] =	ssyncset.done $0x0  }
0x12c: {  	[sflag:s12] =	ssyncadd.s32 $0xFFFFC180  }
0x12d: {  	[spmem:s2] =	stream.indirect.scatter.add.f32 [tilespmem:s8], [sflag:$0x4], $0x80, s23, s6, $0xb8;
	v63 =	vld [tilespmem:$0x0]  }
0x12e: {  	_ = 	snop  }
0x12f: {  	[spmem:s3] =	stream.indirect.scatter.add.f32 [tilespmem:s10], [sflag:$0x5], $0x10, s23, s6, $0xb8;
	v63 =	vld [tilespmem:$0x0]  }
0x130: {  	_ =	swait.ge [sflag:s30], $0x7D0  }
0x131: {  	[sflag:s30] =	ssyncset.done $0x0  }
0x132: {  	[sflag:s30] =	ssyncadd.s32 $0xFFFFF830  }
0x133: {  	_ =	swait.ge [sflag:s14], $0x3E80  }
0x134: {  	[sflag:s14] =	ssyncset.done $0x0  }
0x135: {  	[sflag:s14] =	ssyncadd.s32 $0xFFFFC180  }
0x136: {  	[tilespmem:s8], [sflag:$0x2] =	stream.indirect.gather [hbm4b:s1+s6], $0x80, s24, s6, $0xb8;
	v63 =	vld [tilespmem:$0x0]  }
0x137: {  	_ =	swait.ge [sflag:s9], $0x3E80  }
0x138: {  	[sflag:s9] =	ssyncset.done $0x0  }
0x139: {  	[sflag:s9] =	ssyncadd.s32 $0xFFFFC180  }
0x13a: {  	[spmem:s2] =	stream.indirect.scatter.add.f32 [tilespmem:s7], [sflag:$0x3], $0x80, s25, s6, $0xb8;
	v63 =	vld [tilespmem:$0x0]  }
0x13b: {  	_ = 	snop  }
0x13c: {  	[spmem:s3] =	stream.indirect.scatter.add.f32 [tilespmem:s10], [sflag:$0x5], $0x10, s25, s6, $0xb8;
	v63 =	vld [tilespmem:$0x0]  }
0x13d: {  	_ =	swait.ge [sflag:s30], $0x7D0  }
0x13e: {  	[sflag:s30] =	ssyncset.done $0x0  }
0x13f: {  	[sflag:s30] =	ssyncadd.s32 $0xFFFFF830  }
0x140: {  	_ =	swait.ge [sflag:s12], $0x3E80  }
0x141: {  	[sflag:s12] =	ssyncset.done $0x0  }
0x142: {  	[sflag:s12] =	ssyncadd.s32 $0xFFFFC180  }
0x143: {  	[spmem:s2] =	stream.indirect.scatter.add.f32 [tilespmem:s8], [sflag:$0x4], $0x80, s26, s6, $0xb8;
	v63 =	vld [tilespmem:$0x0]  }
0x144: {  	_ = 	snop  }
0x145: {  	[spmem:s3] =	stream.indirect.scatter.add.f32 [tilespmem:s10], [sflag:$0x5], $0x10, s26, s6, $0xb8;
	v63 =	vld [tilespmem:$0x0]  }
0x146: {  	_ =	swait.ge [sflag:s30], $0x7D0  }
0x147: {  	[sflag:s30] =	ssyncset.done $0x0  }
0x148: {  	p0 =	sne.s32 s16, $0x480;
	[sflag:s30] =	ssyncadd.s32 $0xFFFFF830  }
.Ltmp1:
0x149: {  	_ =	swait.ge [sflag:s11], $0x3E80;
	(pc) =	sbr.rel @p0 .LBB2_4-.Ltmp1, $4  }
0x14a: {  	[sflag:s11] =	ssyncset.done $0x0  }
0x14b: {  	[sflag:s11] =	ssyncadd.s32 $0xFFFFC180  }
0x14c: {  	_ =	swait.ge [sflag:s14], $0x3E80  }
0x14d: {  	s16 =	sadd.s32 $0x80, s16;
	s28 =	rddreg [dreg:$0x5];
	[sflag:s14] =	ssyncset.done $0x0  }
0x14e: {  	[sflag:s14] =	ssyncadd.s32 $0xFFFFC180;
	s16 =	sadd.s32 s31, s28  }
0x14f: {  	[tilespmem:s0], [sflag:$0x5] =	stream.linear.gather [hbm4b:s16+s5], $0x400, $0x38;
	v63 =	vld [tilespmem:$0x0]  }
0x150: {  	_ =	swait.ge [sflag:s30], $0x400  }
0x151: {  	s18 =	rddreg [dreg:$0x6];
	[sflag:s30] =	ssyncset.done $0x0  }
0x152: {  	s16 =	sadd.s32 s31, s18;
	[sflag:s30] =	ssyncadd.s32 $0xFFFFFC00  }
0x153: {  	[tilespmem:s4], [sflag:$0x5] =	stream.linear.gather [hbm4b:s16+s5], $0x400, $0x38;
	v63 =	vld [tilespmem:$0x0]  }
0x154: {  	_ =	swait.ge [sflag:s30], $0x400  }
0x155: {  	[sflag:s30] =	ssyncset.done $0x0  }
0x156: {  	[sflag:s30] =	ssyncadd.s32 $0xFFFFFC00  }
0x157: {  	[tilespmem:s7], [sflag:$0x1] =	stream.indirect.gather [hbm4b:s1+s6], $0x80, s0, s6, $0xb8;
	v63 =	vld [tilespmem:$0x0]  }
0x158: {  	s31 =	rddreg [dreg:$0x7]  }
0x159: {  	[tilespmem:s8], [sflag:$0x2] =	stream.indirect.gather [hbm4b:s1+s6], $0x80, s31, s6, $0xb8;
	v63 =	vld [tilespmem:$0x0]  }
0x15a: {  	_ =	swait.ge [sflag:s9], $0x3E80  }
0x15b: {  	[sflag:s9] =	ssyncset.done $0x0  }
0x15c: {  	[sflag:s9] =	ssyncadd.s32 $0xFFFFC180  }
0x15d: {  	[spmem:s2] =	stream.indirect.scatter.add.f32 [tilespmem:s7], [sflag:$0x3], $0x80, s4, s6, $0xb8;
	v63 =	vld [tilespmem:$0x0]  }
0x15e: {  	_ = 	snop  }
0x15f: {  	[spmem:s3] =	stream.indirect.scatter.add.f32 [tilespmem:s10], [sflag:$0x5], $0x10, s4, s6, $0xb8;
	v63 =	vld [tilespmem:$0x0]  }
0x160: {  	_ =	swait.ge [sflag:s30], $0x7D0  }
0x161: {  	[sflag:s30] =	ssyncset.done $0x0  }
0x162: {  	[sflag:s30] =	ssyncadd.s32 $0xFFFFF830  }
0x163: {  	_ =	swait.ge [sflag:s11], $0x3E80  }
0x164: {  	[sflag:s11] =	ssyncset.done $0x0  }
0x165: {  	s18 =	rddreg [dreg:$0x8];
	[sflag:s11] =	ssyncadd.s32 $0xFFFFC180  }
0x166: {  	[tilespmem:s7], [sflag:$0x1] =	stream.indirect.gather [hbm4b:s1+s6], $0x80, s18, s6, $0xb8;
	v63 =	vld [tilespmem:$0x0]  }
0x167: {  	_ =	swait.ge [sflag:s12], $0x3E80  }
0x168: {  	[sflag:s12] =	ssyncset.done $0x0  }
0x169: {  	[sflag:s12] =	ssyncadd.s32 $0xFFFFC180  }
0x16a: {  	[spmem:s2] =	stream.indirect.scatter.add.f32 [tilespmem:s8], [sflag:$0x4], $0x80, s13, s6, $0xb8;
	v63 =	vld [tilespmem:$0x0]  }
0x16b: {  	_ = 	snop  }
0x16c: {  	[spmem:s3] =	stream.indirect.scatter.add.f32 [tilespmem:s10], [sflag:$0x5], $0x10, s13, s6, $0xb8;
	v63 =	vld [tilespmem:$0x0]  }
0x16d: {  	_ =	swait.ge [sflag:s30], $0x7D0  }
0x16e: {  	[sflag:s30] =	ssyncset.done $0x0  }
0x16f: {  	[sflag:s30] =	ssyncadd.s32 $0xFFFFF830  }
0x170: {  	_ =	swait.ge [sflag:s14], $0x3E80  }
0x171: {  	[sflag:s14] =	ssyncset.done $0x0  }
0x172: {  	[sflag:s14] =	ssyncadd.s32 $0xFFFFC180  }
0x173: {  	[tilespmem:s8], [sflag:$0x2] =	stream.indirect.gather [hbm4b:s1+s6], $0x80, s15, s6, $0xb8;
	v63 =	vld [tilespmem:$0x0]  }
0x174: {  	_ =	swait.ge [sflag:s9], $0x3E80  }
0x175: {  	[sflag:s9] =	ssyncset.done $0x0  }
0x176: {  	[sflag:s9] =	ssyncadd.s32 $0xFFFFC180  }
0x177: {  	[spmem:s2] =	stream.indirect.scatter.add.f32 [tilespmem:s7], [sflag:$0x3], $0x80, s17, s6, $0xb8;
	v63 =	vld [tilespmem:$0x0]  }
0x178: {  	_ = 	snop  }
0x179: {  	[spmem:s3] =	stream.indirect.scatter.add.f32 [tilespmem:s10], [sflag:$0x5], $0x10, s17, s6, $0xb8;
	v63 =	vld [tilespmem:$0x0]  }
0x17a: {  	_ =	swait.ge [sflag:s30], $0x7D0  }
0x17b: {  	[sflag:s30] =	ssyncset.done $0x0  }
0x17c: {  	[sflag:s30] =	ssyncadd.s32 $0xFFFFF830  }
0x17d: {  	_ =	swait.ge [sflag:s11], $0x3E80  }
0x17e: {  	[sflag:s11] =	ssyncset.done $0x0  }
0x17f: {  	[sflag:s11] =	ssyncadd.s32 $0xFFFFC180  }
0x180: {  	[tilespmem:s7], [sflag:$0x1] =	stream.indirect.gather [hbm4b:s1+s6], $0x80, s19, s6, $0xb8;
	v63 =	vld [tilespmem:$0x0]  }
0x181: {  	_ =	swait.ge [sflag:s12], $0x3E80  }
0x182: {  	[sflag:s12] =	ssyncset.done $0x0  }
0x183: {  	[sflag:s12] =	ssyncadd.s32 $0xFFFFC180  }
0x184: {  	[spmem:s2] =	stream.indirect.scatter.add.f32 [tilespmem:s8], [sflag:$0x4], $0x80, s20, s6, $0xb8;
	v63 =	vld [tilespmem:$0x0]  }
0x185: {  	_ = 	snop  }
0x186: {  	[spmem:s3] =	stream.indirect.scatter.add.f32 [tilespmem:s10], [sflag:$0x5], $0x10, s20, s6, $0xb8;
	v63 =	vld [tilespmem:$0x0]  }
0x187: {  	_ =	swait.ge [sflag:s30], $0x7D0  }
0x188: {  	[sflag:s30] =	ssyncset.done $0x0  }
0x189: {  	[sflag:s30] =	ssyncadd.s32 $0xFFFFF830  }
0x18a: {  	_ =	swait.ge [sflag:s14], $0x3E80  }
0x18b: {  	[sflag:s14] =	ssyncset.done $0x0  }
0x18c: {  	[sflag:s14] =	ssyncadd.s32 $0xFFFFC180  }
0x18d: {  	[tilespmem:s8], [sflag:$0x2] =	stream.indirect.gather [hbm4b:s1+s6], $0x80, s21, s6, $0xb8;
	v63 =	vld [tilespmem:$0x0]  }
0x18e: {  	_ =	swait.ge [sflag:s9], $0x3E80  }
0x18f: {  	[sflag:s9] =	ssyncset.done $0x0  }
0x190: {  	[sflag:s9] =	ssyncadd.s32 $0xFFFFC180  }
0x191: {  	[spmem:s2] =	stream.indirect.scatter.add.f32 [tilespmem:s7], [sflag:$0x3], $0x80, s22, s6, $0xb8;
	v63 =	vld [tilespmem:$0x0]  }
0x192: {  	_ = 	snop  }
0x193: {  	[spmem:s3] =	stream.indirect.scatter.add.f32 [tilespmem:s10], [sflag:$0x5], $0x10, s22, s6, $0xb8;
	v63 =	vld [tilespmem:$0x0]  }
0x194: {  	_ =	swait.ge [sflag:s30], $0x7D0  }
0x195: {  	[sflag:s30] =	ssyncset.done $0x0  }
0x196: {  	[sflag:s30] =	ssyncadd.s32 $0xFFFFF830  }
0x197: {  	_ =	swait.ge [sflag:s11], $0x3E80  }
0x198: {  	[sflag:s11] =	ssyncset.done $0x0  }
0x199: {  	[sflag:s11] =	ssyncadd.s32 $0xFFFFC180  }
0x19a: {  	[tilespmem:s7], [sflag:$0x1] =	stream.indirect.gather [hbm4b:s1+s6], $0x80, s29, s6, $0xb8;
	v63 =	vld [tilespmem:$0x0]  }
0x19b: {  	_ =	swait.ge [sflag:s12], $0x3E80  }
0x19c: {  	[sflag:s12] =	ssyncset.done $0x0  }
0x19d: {  	[sflag:s12] =	ssyncadd.s32 $0xFFFFC180  }
0x19e: {  	[spmem:s2] =	stream.indirect.scatter.add.f32 [tilespmem:s8], [sflag:$0x4], $0x80, s23, s6, $0xb8;
	v63 =	vld [tilespmem:$0x0]  }
0x19f: {  	_ = 	snop  }
0x1a0: {  	[spmem:s3] =	stream.indirect.scatter.add.f32 [tilespmem:s10], [sflag:$0x5], $0x10, s23, s6, $0xb8;
	v63 =	vld [tilespmem:$0x0]  }
0x1a1: {  	_ =	swait.ge [sflag:s30], $0x7D0  }
0x1a2: {  	[sflag:s30] =	ssyncset.done $0x0  }
0x1a3: {  	[sflag:s30] =	ssyncadd.s32 $0xFFFFF830  }
0x1a4: {  	_ =	swait.ge [sflag:s14], $0x3E80  }
0x1a5: {  	[sflag:s14] =	ssyncset.done $0x0  }
0x1a6: {  	[sflag:s14] =	ssyncadd.s32 $0xFFFFC180  }
0x1a7: {  	[tilespmem:s8], [sflag:$0x2] =	stream.indirect.gather [hbm4b:s1+s6], $0x80, s24, s6, $0xb8;
	v63 =	vld [tilespmem:$0x0]  }
0x1a8: {  	_ =	swait.ge [sflag:s9], $0x3E80  }
0x1a9: {  	[sflag:s9] =	ssyncset.done $0x0  }
0x1aa: {  	[sflag:s9] =	ssyncadd.s32 $0xFFFFC180  }
0x1ab: {  	[spmem:s2] =	stream.indirect.scatter.add.f32 [tilespmem:s7], [sflag:$0x3], $0x80, s25, s6, $0xb8;
	v63 =	vld [tilespmem:$0x0]  }
0x1ac: {  	_ = 	snop  }
0x1ad: {  	[spmem:s3] =	stream.indirect.scatter.add.f32 [tilespmem:s10], [sflag:$0x5], $0x10, s25, s6, $0xb8;
	v63 =	vld [tilespmem:$0x0]  }
0x1ae: {  	_ =	swait.ge [sflag:s30], $0x7D0  }
0x1af: {  	[sflag:s30] =	ssyncset.done $0x0  }
0x1b0: {  	[sflag:s30] =	ssyncadd.s32 $0xFFFFF830  }
0x1b1: {  	_ =	swait.ge [sflag:s12], $0x3E80  }
0x1b2: {  	[sflag:s12] =	ssyncset.done $0x0  }
0x1b3: {  	[sflag:s12] =	ssyncadd.s32 $0xFFFFC180  }
0x1b4: {  	[spmem:s2] =	stream.indirect.scatter.add.f32 [tilespmem:s8], [sflag:$0x4], $0x80, s26, s6, $0xb8;
	v63 =	vld [tilespmem:$0x0]  }
0x1b5: {  	_ = 	snop  }
0x1b6: {  	[spmem:s3] =	stream.indirect.scatter.add.f32 [tilespmem:s10], [sflag:$0x5], $0x10, s26, s6, $0xb8;
	v63 =	vld [tilespmem:$0x0]  }
0x1b7: {  	_ =	swait.ge [sflag:s30], $0x7D0  }
0x1b8: {  	[sflag:s30] =	ssyncset.done $0x0  }
0x1b9: {  	[sflag:s30] =	ssyncadd.s32 $0xFFFFF830  }
0x1ba: {  	_ =	swait.ge [sflag:s11], $0x3E80  }
0x1bb: {  	[sflag:s11] =	ssyncset.done $0x0  }
0x1bc: {  	[sflag:s11] =	ssyncadd.s32 $0xFFFFC180  }
0x1bd: {  	_ =	swait.ge [sflag:s14], $0x3E80  }
0x1be: {  	[sflag:s14] =	ssyncset.done $0x0  }
0x1bf: {  	[sflag:s14] =	ssyncadd.s32 $0xFFFFC180  }
0x1c0: {  	[bflag:$0x0] =	sbarrier.arrive $0xFFFF  }
0x1c1: {  	s18 =	sld [smem:$0x7F9]  }
0x1c2: {  	s31 =	rddreg [dreg:$0x9]  }
0x1c3: {  	s28 =	rddreg [dreg:$0x15]  }
0x1c4: {  	[hbm:s31], [sflag:s28] =	dma.local [spmem:s18], $0x800  }
0x1c5: {  	_ =	swait.ge [sflag:s30], $0x800  }
0x1c6: {  	[sflag:s30] =	ssyncset.done $0x0;
	s18 =	rddreg [dreg:$0x1a]  }
0x1c7: {  	s31 =	rddreg [dreg:$0xe];
	[sflag:s30] =	ssyncadd.s32 $0xFFFFF800;
	s16 =	sshrl.u32 s18, $0x3  }
0x1c8: {  	[hbm:s31], [sflag:s28] =	dma.local [spmem:s16], $0x100  }
0x1c9: {  	_ =	swait.ge [sflag:s30], $0x100  }
0x1ca: {  	s31 =	sld [smem:$0x7FA]  }
0x1cb: {  	[sflag:s30] =	ssyncset.done $0x0  }
0x1cc: {  	s18 =	rddreg [dreg:$0xa];
	[sflag:s30] =	ssyncadd.s32 $0xFFFFFF00  }
0x1cd: {  	[hbm:s18], [sflag:s28] =	dma.local [spmem:s31], $0x800  }
0x1ce: {  	_ =	swait.ge [sflag:s30], $0x800  }
0x1cf: {  	[sflag:s30] =	ssyncset.done $0x0;
	s18 =	rddreg [dreg:$0x1b]  }
0x1d0: {  	s31 =	rddreg [dreg:$0xf];
	[sflag:s30] =	ssyncadd.s32 $0xFFFFF800;
	s16 =	sshrl.u32 s18, $0x3  }
0x1d1: {  	[hbm:s31], [sflag:s28] =	dma.local [spmem:s16], $0x100  }
0x1d2: {  	_ =	swait.ge [sflag:s30], $0x100  }
0x1d3: {  	s31 =	sld [smem:$0x7FB]  }
0x1d4: {  	[sflag:s30] =	ssyncset.done $0x0  }
0x1d5: {  	s18 =	rddreg [dreg:$0xb];
	[sflag:s30] =	ssyncadd.s32 $0xFFFFFF00  }
0x1d6: {  	[hbm:s18], [sflag:s28] =	dma.local [spmem:s31], $0x800  }
0x1d7: {  	_ =	swait.ge [sflag:s30], $0x800  }
0x1d8: {  	[sflag:s30] =	ssyncset.done $0x0;
	s18 =	rddreg [dreg:$0x1c]  }
0x1d9: {  	s31 =	rddreg [dreg:$0x10];
	[sflag:s30] =	ssyncadd.s32 $0xFFFFF800;
	s16 =	sshrl.u32 s18, $0x3  }
0x1da: {  	[hbm:s31], [sflag:s28] =	dma.local [spmem:s16], $0x100  }
0x1db: {  	_ =	swait.ge [sflag:s30], $0x100  }
0x1dc: {  	s31 =	sld [smem:$0x7FC]  }
0x1dd: {  	[sflag:s30] =	ssyncset.done $0x0  }
0x1de: {  	s18 =	rddreg [dreg:$0xc];
	[sflag:s30] =	ssyncadd.s32 $0xFFFFFF00  }
0x1df: {  	[hbm:s18], [sflag:s28] =	dma.local [spmem:s31], $0x800  }
0x1e0: {  	_ =	swait.ge [sflag:s30], $0x800  }
0x1e1: {  	[sflag:s30] =	ssyncset.done $0x0;
	s18 =	rddreg [dreg:$0x1d]  }
0x1e2: {  	s31 =	rddreg [dreg:$0x11];
	[sflag:s30] =	ssyncadd.s32 $0xFFFFF800;
	s16 =	sshrl.u32 s18, $0x3  }
0x1e3: {  	[hbm:s31], [sflag:s28] =	dma.local [spmem:s16], $0x100  }
0x1e4: {  	_ =	swait.ge [sflag:s30], $0x100  }
0x1e5: {  	s31 =	sld [smem:$0x7FD]  }
0x1e6: {  	[sflag:s30] =	ssyncset.done $0x0  }
0x1e7: {  	s18 =	rddreg [dreg:$0xd];
	[sflag:s30] =	ssyncadd.s32 $0xFFFFFF00  }
0x1e8: {  	[hbm:s18], [sflag:s28] =	dma.local [spmem:s31], $0x800  }
0x1e9: {  	_ =	swait.ge [sflag:s30], $0x800  }
0x1ea: {  	[sflag:s30] =	ssyncset.done $0x0;
	s18 =	rddreg [dreg:$0x1e]  }
0x1eb: {  	s31 =	rddreg [dreg:$0x12];
	[sflag:s30] =	ssyncadd.s32 $0xFFFFF800;
	s16 =	sshrl.u32 s18, $0x3  }
0x1ec: {  	[hbm:s31], [sflag:s28] =	dma.local [spmem:s16], $0x100  }
0x1ed: {  	_ =	swait.ge [sflag:s30], $0x100  }
0x1ee: {  	s16 =	sld [smem:$0x7F8];
	_ =	sdelay $0x2  }
0x1ef: {  	s31 =	rddreg [dreg:$0x1f];
	s18 =	sadd.s32 $0x1, s16  }
0x1f0: {  	p0 =	sne.s32 s18, s31  }
.Ltmp2:
0x1f1: {  	_ = 	snop;
	(pc) =	sbr.rel @p0 .LBB2_1-.Ltmp2, $3  }
0x1f2: {  	_ =	sdelay $0x1  }
0x1f3: {  	[sflag:s30] =	ssyncset.done $0x0  }
0x1f4: {  	[sflag:s30] =	ssyncadd.s32 $0xFFFFFF00  }
0x1f5: {  	_ =	sfence.sel $0x180000  }
0x1f6: {  	[bflag:$0x0] =	sbarrier.arrive $0xFFFF  }
0x1f7: {  	_ =	strace $0x90000047  }
0x1f8: {  	s0 =	stileid.u32;
	[bflag:$0x2] =	sbarrier.arrive $0xFFFF  }
0x1f9: {  	p0 =	sne.s32 s0, $0x0;
	s0 =	rddreg [dreg:$0x4]  }
0x1fa: {  	s0 =	sadd.s32 @!p0 $0x100000, s0  }
0x1fb: {  	[sflag:s0] =	ssyncadd.tile.s32 @!p0 $0x1;
	_ =	shalt  }
.Lfunc_end2:
_tile_overlayer_lowered:
.L_overlay_start_2:
0x1fc: {  	(tag) =	ssettag $0x2  }
0x1fd: {  	s0 =	rddreg [dreg:$0x0];
	s2 =	stileid.u32  }
0x1fe: {  	s1 =	rddreg [dreg:$0x1];
	p0 =	sne.s32 s2, $0x0  }
0x1ff: {  	s3 =	rddreg [dreg:$0x2];
	[bflag:$0x3] =	sbarrier.arrive $0xFFFF;
	s2 =	simm.s32 @!p0 $0x1C05  }
0x200: {  	[timem:s3], [sflag:s2] =	dma.local @!p0 [hbm:s0], s1  }
0x201: {  	s0 =	simm.s32 @!p0 $0x5  }
0x202: {  	_ =	swait.ge @!p0 [sflag:s0], s1  }
0x203: {  	s1 =	ssub.s32 @!p0 $0x0, s1;
	[sflag:s0] =	ssyncset.done @!p0 $0x0  }
0x204: {  	[sflag:s0] =	ssyncadd.s32 @!p0 s1  }
0x205: {  	[bflag:$0x3] =	sbarrier.arrive $0xFFFF  }
0x206: {  	_ =	shalt  }

// kernel: kernel.9.cloned.1.call-start
scs
__scs_entry_jumppad:
0x0: {  	(pc) =	sbr.rel $0x88, $3  }
0x1: {  	(tag) =	ssettag $0x0;
	lr =	simm.s32 $0x1  }
0x2: {  	[smem:$0x3F93] =	sst lr;
	_ =	strace $0xD0000000  }
0x3: {  	_ = 	snop  }
0x4: {  	_ = 	snop  }
0x5: {  	_ = 	snop  }
0x6: {  	_ = 	snop  }
0x7: {  	_ = 	snop  }
__scs_overlays_trampoline_lowered:
0x8: {  	[smem:$0x3FA2] =	sst s0  }
0x9: {  	[smem:$0x3FA3] =	sst s1  }
0xa: {  	[smem:$0x3FA4] =	sst s2  }
0xb: {  	[smem:$0x3FA5] =	sst s3  }
0xc: {  	[smem:$0x3FA6] =	sst s4  }
0xd: {  	[smem:$0x3FA7] =	sst s5  }
0xe: {  	[smem:$0x3FA8] =	sst s6  }
0xf: {  	[smem:$0x3FA9] =	sst s7  }
0x10: {  	[smem:$0x3FAA] =	sst s8  }
0x11: {  	[smem:$0x3FAB] =	sst s9;
	s0 =	simm.s32 @!p0 $0x0  }
0x12: {  	s1 =	sld [smem:$0x3F91];
	s0 =	simm.s32 @p0 $0x1  }
0x13: {  	[smem:$0x3FAC] =	sst s0;
	s0 =	simm.s32 @!p1 $0x0  }
0x14: {  	s2 =	sld [smem:$0x3F90];
	s0 =	simm.s32 @p1 $0x1  }
0x15: {  	[smem:$0x3FAD] =	sst s0;
	s0 =	simm.s32 @!p2 $0x0  }
0x16: {  	s3 =	sld [smem:$0x3FDB];
	s0 =	simm.s32 @p2 $0x1  }
0x17: {  	s4 =	simm.s32 $0x1BF5;
	[smem:$0x3FAF] =	sst s0  }
0x18: {  	s0 =	sld [smem:$0x3F92];
	_ =	swait.ge [sflag:s4], $0x0  }
0x19: {  	s7 =	sld [smem:$0x3F93]  }
0x1a: {  	s8 =	sadd.s32 $0xFFFFE003, lr  }
0x1b: {  	s9 =	sadd.s32 $0xFFFFFEF7, lr;
	s5 =	simm.s32 $0xFFFFFFFF;
	p2 =	slt.u32 s8, $0xFFFFF086  }
0x1c: {  	p1 =	slt.u32 s9, $0xF7A;
	s5 =	simm.s32 @!p2 $0x0  }
0x1d: {  	s5 =	simm.s32 @p1 $0x1;
	p0 =	seq.s32 s7, s2  }
0x1e: {  	s7 =	smul.u32 @!p0 $0xF7A, s2;
	p2 =	seq.s32 @!p0 s5, $0x0  }
0x1f: {  	s9 =	smul.u32 $0xF7A, s1;
	s8 =	simm.s32 @!p0 $0x1BF5;
	p2 =	por !p2, p0  }
0x20: {  	[sflag:s8] =	ssyncset.s32 @!p0 $0xFFFFF086;
	s6 =	sadd.s32 @!p0 s3, s7;
	s7 =	simm.s32 @!p0 $0x108  }
0x21: {  	s3 =	sadd.s32 s3, s9;
	s6 =	sadd.s32 @!p0 $0x88, s6;
	s7 =	simm.s32 @p2 $0x1082  }
0x22: {  	[simem:s7], [sflag:s8] =	dma.local @!p0 [hbm:s6], $0xF7A  }
0x23: {  	s9 =	sor.u32 $0xD0000000, s2;
	s6 =	simm.s32 $0x108;
	_ =	swait.ge @!p0 [sflag:s8], $0x0  }
0x24: {  	s3 =	sadd.s32 $0x88, s3;
	s6 =	simm.s32 @!p1 $0x1082;
	[sflag:s4] =	ssyncset.s32 $0xFFFFF086  }
0x25: {  	[simem:s6], [sflag:s4] =	dma.local [hbm:s3], $0xF7A  }
0x26: {  	[smem:$0x3F93] =	sst s1;
	(tag) =	ssettag s2;
	_ =	strace s9  }
0x27: {  	s1 =	sld [smem:$0x3FA3]  }
0x28: {  	s2 =	sld [smem:$0x3FA4]  }
0x29: {  	s4 =	sld [smem:$0x3FA6]  }
0x2a: {  	p0 =	seq.s32 s5, $0x0;
	s5 =	sld [smem:$0x3FA7]  }
0x2b: {  	s6 =	sld [smem:$0x3FA8]  }
0x2c: {  	s7 =	sld [smem:$0x3FA9]  }
0x2d: {  	s3 =	simm.s32 $0x108;
	s8 =	sld [smem:$0x3FAA]  }
0x2e: {  	s3 =	simm.s32 @!p0 $0x1082;
	s9 =	sld [smem:$0x3FAB]  }
0x2f: {  	lr =	sadd.s32 s0, s3;
	s0 =	sld [smem:$0x3FA2]  }
0x30: {  	s3 =	sld [smem:$0x3FA5]  }
0x31: {  	[smem:$0x3FAE] =	sst s10  }
0x32: {  	s10 =	sld [smem:$0x3FAC];
	_ =	sdelay $0x3  }
0x33: {  	p0 =	seq.s32 s10, $0x1;
	s10 =	sld [smem:$0x3FAE];
	_ =	sdelay $0x3  }
0x34: {  	[smem:$0x3FAE] =	sst s10  }
0x35: {  	s10 =	sld [smem:$0x3FAD];
	_ =	sdelay $0x3  }
0x36: {  	p1 =	seq.s32 s10, $0x1;
	s10 =	sld [smem:$0x3FAE];
	_ =	sdelay $0x3  }
0x37: {  	[smem:$0x3FAE] =	sst s10  }
0x38: {  	s10 =	sld [smem:$0x3FAF]  }
0x39: {  	_ = 	snop;
	(pc) =	sbr.ind lr, $3  }
0x3a: {  	_ = 	snop  }
0x3b: {  	_ = 	snop  }
0x3c: {  	p2 =	seq.s32 s10, $0x1;
	s10 =	sld [smem:$0x3FAE]  }
0x3d: {  	_ =	shalt  }
0x3e: {  	_ =	shalt  }
0x3f: {  	_ =	shalt  }
0x40: {  	_ =	shalt  }
0x41: {  	_ =	shalt  }
0x42: {  	_ =	shalt  }
0x43: {  	_ =	shalt  }
0x44: {  	_ =	shalt  }
0x45: {  	_ =	shalt  }
0x46: {  	_ =	shalt  }
0x47: {  	_ =	shalt  }
0x48: {  	_ =	shalt  }
0x49: {  	_ =	shalt  }
0x4a: {  	_ =	shalt  }
0x4b: {  	_ =	shalt  }
0x4c: {  	_ =	shalt  }
0x4d: {  	_ =	shalt  }
0x4e: {  	_ =	shalt  }
0x4f: {  	_ =	shalt  }
0x50: {  	_ =	shalt  }
0x51: {  	_ =	shalt  }
0x52: {  	_ =	shalt  }
0x53: {  	_ =	shalt  }
0x54: {  	_ =	shalt  }
0x55: {  	_ =	shalt  }
0x56: {  	_ =	shalt  }
0x57: {  	_ =	shalt  }
0x58: {  	_ =	shalt  }
0x59: {  	_ =	shalt  }
0x5a: {  	_ =	shalt  }
0x5b: {  	_ =	shalt  }
0x5c: {  	_ =	shalt  }
0x5d: {  	_ =	shalt  }
0x5e: {  	_ =	shalt  }
0x5f: {  	_ =	shalt  }
0x60: {  	_ =	shalt  }
0x61: {  	_ =	shalt  }
0x62: {  	_ =	shalt  }
0x63: {  	_ =	shalt  }
0x64: {  	_ =	shalt  }
0x65: {  	_ =	shalt  }
0x66: {  	_ =	shalt  }
0x67: {  	_ =	shalt  }
0x68: {  	_ =	shalt  }
0x69: {  	_ =	shalt  }
0x6a: {  	_ =	shalt  }
0x6b: {  	_ =	shalt  }
0x6c: {  	_ =	shalt  }
0x6d: {  	_ =	shalt  }
0x6e: {  	_ =	shalt  }
0x6f: {  	_ =	shalt  }
0x70: {  	_ =	shalt  }
0x71: {  	_ =	shalt  }
0x72: {  	_ =	shalt  }
0x73: {  	_ =	shalt  }
0x74: {  	_ =	shalt  }
0x75: {  	_ =	shalt  }
0x76: {  	_ =	shalt  }
0x77: {  	_ =	shalt  }
0x78: {  	_ =	shalt  }
0x79: {  	_ =	shalt  }
0x7a: {  	_ =	shalt  }
0x7b: {  	_ =	shalt  }
0x7c: {  	_ =	shalt  }
0x7d: {  	_ =	shalt  }
0x7e: {  	_ =	shalt  }
0x7f: {  	_ =	shalt  }
0x80: {  	_ =	shalt  }
0x81: {  	_ =	shalt  }
0x82: {  	_ =	shalt  }
0x83: {  	_ =	shalt  }
0x84: {  	_ =	shalt  }
0x85: {  	_ =	shalt  }
0x86: {  	_ =	shalt  }
0x87: {  	_ =	shalt  }
.Lfunc_end0:
.L_simem_size_0:
called_computation.1_lowered:
.L_overlay_start_0:
0x88: {  	s2 =	sld [smem:$0x3FD9]  }
0x89: {  	s3 =	sld [smem:$0x3FFE];
	_ =	sdelay $0x1  }
0x8a: {  	s1 =	srdreg.scid  }
0x8b: {  	s0 =	sand.u32 $0x1, s1  }
0x8c: {  	s16 =	sshll.u32 s0, $0xA;
	s2 =	sadd.s32 s3, s2  }
0x8d: {  	s2 =	sadd.s32 s2, s16  }
0x8e: {  	[smem:$0x3FBA] =	sst s2  }
0x8f: {  	_ = 	snop  }
0x90: {  	(tm) =	ssettm $0x1  }
0x91: {  	s17 =	sld [smem:$0x3FFB];
	_ =	sdelay $0x3  }
0x92: {  	_ =	strace s17  }
0x93: {  	s2 =	sld [smem:$0x3FFC];
	_ =	sdelay $0x3  }
0x94: {  	_ =	strace s2  }
0x95: {  	s2 =	sld [smem:$0x3FFD];
	_ =	sdelay $0x3  }
0x96: {  	_ =	strace s2  }
0x97: {  	_ =	strace $0x8FFFFFFF  }
0x98: {  	s18 =	sld [smem:$0x3FDB];
	_ =	sdelay $0x1  }
0x99: {  	s19 =	simm.s32 $_scs_section_size  }
0x9a: {  	s4 =	simm.s32 $_size__tile_overlayer_lowered;
	s5 =	simm.s32 $_tile_overlayer_lowered  }
0x9b: {  	s22 =	simm.s32 $0x1BFF;
	s21 =	sshll.u32 s5, $0x1;
	s2 =	sadd.s32 s19, s18  }
0x9c: {  	s6 =	simm.s32 $0x0;
	s20 =	sshll.u32 s4, $0x1;
	s4 =	sadd.s32 s21, s2  }
0x9d: {  	[timem:s6], [sflag:s22] =	dma.local [hbm:s4], s20  }
0x9e: {  	_ =	swait.ge [sflag:s22], s20  }
0x9f: {  	s3 =	ssub.s32 $0x0, s20;
	[sflag:s22] =	ssyncset.done $0x0  }
0xa0: {  	[sflag:s22] =	ssyncadd.s32 s3;
	_ =	sdelay $0x1  }
0xa1: {  	s23 =	simm.s32 $0x1B8B  }
0xa2: {  	_ =	swait.ge [sflag:s23], $0x1  }
0xa3: {  	[sflag:s23] =	ssyncset.done $0x0  }
0xa4: {  	s25 =	simm.s32 $0x1B8E;
	s24 =	sld [smem:$0x3FFE];
	[sflag:s23] =	ssyncadd.s32 $0xFFFFFFFF  }
0xa5: {  	s26 =	simm.s32 $execute0_lowered;
	[smem:$0x3FD2] =	sst s25  }
0xa6: {  	s4 =	sshll.u32 s26, $0x1;
	_ =	strace $0x80000049;
	[dreg:$0x1] =	wrdreg $0xFFFFFFFF  }
0xa7: {  	s28 =	simm.s32 $_size_execute0_lowered;
	s2 =	sadd.s32 s2, s4;
	[dreg:$0x0] =	wrdreg $0x0  }
0xa8: {  	s4 =	sshll.u32 s28, $0x1;
	[dreg:$0x2] =	wrdreg s2  }
0xa9: {  	[dreg:$0x3] =	wrdreg s4  }
0xaa: {  	[dreg:$0x4] =	wrdreg $0xC0  }
0xab: {  	_ =	task [dreg:s6], $0x5FFFF  }
0xac: {  	[dreg:$0x1] =	wrdreg $0xFFFFFFFF  }
0xad: {  	[dreg:$0x0] =	wrdreg $0x60  }
0xae: {  	[dreg:$0x2] =	wrdreg s24  }
0xaf: {  	[dreg:$0x3] =	wrdreg $0x0  }
0xb0: {  	[dreg:$0x4] =	wrdreg $0x9  }
0xb1: {  	_ =	task.clear_ibuf [dreg:s6], $0x5FFFF;
	_ =	strace $0x90000049  }
0xb2: {  	s29 =	simm.s32 $0x9;
	_ =	strace $0x8000004B  }
0xb3: {  	_ =	swait.ge [sflag:s29], $0x1  }
0xb4: {  	[sflag:s29] =	ssyncadd.s32 $0xFFFFFFFF  }
0xb5: {  	_ =	strace $0x9000004B  }
0xb6: {  	_ =	sfence  }
0xb7: {  	s30 =	sld [smem:$0x0];
	_ =	sdelay $0x2  }
0xb8: {  	s31 =	sshll.u32 s1, $0xD;
	s1 =	sshrl.u32 s1, $0x2  }
0xb9: {  	s3 =	sand.u32 $0x4000, s31;
	s1 =	sadd.s32 s1, s30  }
0xba: {  	s0 =	sor.u32 s3, s0;
	s1 =	sshll.u32 s1, $0x11  }
0xbb: {  	s0 =	sor.u32 s1, s0  }
0xbc: {  	s0 =	sadd.s32 $0x8F2B, s0  }
0xbd: {  	[sflag:s0] =	ssyncadd.remote.s32 $0x1  }
0xbe: {  	_ =	sfence.sel $0xFFFF  }
0xbf: {  	[dreg:$0x0] =	wrdreg $0xFFFFFFFF;
	(pc) =	sbr.abs _section_cstart, $3  }
0xc0: {  	[dreg:$0x1] =	wrdreg $0xFFFFFFFF  }
0xc1: {  	_ =	task.clear_ibuf [dreg:s6], $0x2FFFF;
	_ =	strace $0x9FFFFFFF  }
0xc2: {  	(tm) =	ssettm $0x7FFFFFFF  }
0xc3: {  	_ =	shalt  }
tec
execute0_lowered:
.L_overlay_start_1:
0x0: {  	(tag) =	ssettag $0x1  }
0x1: {  	s0 =	rddreg [dreg:$0x0]  }
0x2: {  	s1 =	rddreg [dreg:$0x1];
	s3 =	srdreg.scid;
	s2 =	simm.s32 $0x0  }
0x3: {  	s14 =	stileid.u32;
	s28 =	simm.s32 $0x14100;
	s29 =	simm.s32 $0x2  }
0x4: {  	s30 =	simm.s32 $0x14480;
	s31 =	simm.s32 $0x4;
	s3 =	sand.u32 $0x1, s3  }
0x5: {  	[smem:$0x7FF] =	sst s2;
	s4 =	sadd.s32 $0x17600, s0;
	s8 =	smul.u32 $0x14000, s14  }
0x6: {  	s21 =	sadd.s32 $0x16E00, s0;
	s23 =	sshll.u32 s14, $0x6;
	s19 =	smul.u32 $0x500, s14  }
0x7: {  	s14 =	simm.s32 $0x14700;
	s5 =	smul.u32 $0x5000, s3;
	_ =	strace $0x8000004A  }
0x8: {  	s7 =	ssub.s32 $0x2, s3;
	[dreg:$0x5] =	wrdreg s21;
	s3 =	smul.u32 $0x140000, s3  }
0x9: {  	s9 =	sshrl.u32 s7, $0x1;
	s22 =	sadd.s32 s8, s1;
	s10 =	sadd.s32 $0x4000, s8  }
0xa: {  	s11 =	sadd.s32 $0x8000, s8;
	s12 =	sadd.s32 $0xC000, s8;
	s13 =	sadd.s32 $0x10000, s8  }
0xb: {  	s6 =	sadd.s32 s5, s0;
	s0 =	sadd.s32 $0xC1600, s0;
	s9 =	ssub.s32 s7, s9  }
0xc: {  	[dreg:$0x6] =	wrdreg s22;
	s7 =	sor.u32 $0x1C05, s23;
	s24 =	sadd.s32 s10, s1  }
0xd: {  	s25 =	sadd.s32 s11, s1;
	s8 =	sadd.s32 s8, s3;
	s26 =	sadd.s32 s12, s1  }
0xe: {  	s15 =	sadd.s32 s13, s1;
	s17 =	sadd.s32 s3, s10;
	[dreg:$0x7] =	wrdreg s24  }
0xf: {  	s18 =	sadd.s32 s3, s11;
	s22 =	sadd.s32 s3, s12;
	[dreg:$0x8] =	wrdreg s25  }
0x10: {  	s3 =	sadd.s32 s3, s13;
	s11 =	simm.s32 $0x14300;
	[dreg:$0x9] =	wrdreg s26  }
0x11: {  	s12 =	simm.s32 $0x14680;
	s13 =	simm.s32 $0x14380;
	[dreg:$0xa] =	wrdreg s15  }
0x12: {  	s8 =	sshrl.u32 s8, $0x3;
	s10 =	sshrl.u32 s18, $0x3;
	s6 =	sadd.s32 s19, s6  }
0x13: {  	s3 =	sshrl.u32 s3, $0x3;
	s26 =	smax.u32 s9, $0x1;
	s18 =	simm.s32 $0x5  }
0x14: {  	s19 =	simm.s32 $0x14000;
	s9 =	simm.s32 $0x14280;
	s15 =	simm.s32 $0x14780  }
0x15: {  	s16 =	sadd.s32 s0, s8;
	s8 =	sshrl.u32 s17, $0x3;
	[dreg:$0x10] =	wrdreg s26  }
0x16: {  	s21 =	sadd.s32 s0, s10;
	s24 =	sadd.s32 $0xCE00, s6;
	[dreg:$0xb] =	wrdreg s16  }
0x17: {  	s25 =	sadd.s32 $0x2E00, s6;
	s26 =	simm.s32 $0x3;
	[dreg:$0xd] =	wrdreg s21  }
0x18: {  	s6 =	simm.s32 $0x14200;
	s10 =	simm.s32 $0x14600;
	[dreg:$0x3] =	wrdreg s24  }
0x19: {  	s20 =	sadd.s32 s0, s8;
	s8 =	sshrl.u32 s22, $0x3;
	[dreg:$0x4] =	wrdreg s25  }
0x1a: {  	s21 =	simm.s32 $0x7D;
	s22 =	simm.s32 $0x14800;
	s24 =	simm.s32 $0x18800  }
0x1b: {  	s25 =	simm.s32 $0x1;
	s16 =	simm.s32 $0x0;
	[dreg:$0xc] =	wrdreg s20  }
0x1c: {  	s23 =	sadd.s32 s0, s8;
	s0 =	sadd.s32 s0, s3;
	s20 =	simm.s32 $0x14400  }
0x1d: {  	s3 =	simm.s32 $0x14500;
	s8 =	simm.s32 $0x14580;
	[dreg:$0xe] =	wrdreg s23  }
0x1e: {  	[dreg:$0xf] =	wrdreg s0;
	s23 =	simm.s32 $0x14080;
	s0 =	simm.s32 $0x14180  }
.LBB2_1:
0x1f: {  	[dreg:$0x11] =	wrdreg s16  }
0x20: {  	s5 =	rddreg [dreg:$0x6]  }
0x21: {  	s17 =	sshrl.u32 s5, $0x3;
	s5 =	rddreg [dreg:$0x5]  }
0x22: {  	[dreg:$0x12] =	wrdreg s17  }
0x23: {  	[spmem:s17], [sflag:s7] =	dma.local [hbm:s5], $0x800  }
0x24: {  	_ =	swait.ge [sflag:s18], $0x800  }
0x25: {  	s17 =	rddreg [dreg:$0x7]  }
0x26: {  	[sflag:s18] =	ssyncset.done $0x0;
	s16 =	sshrl.u32 s17, $0x3  }
0x27: {  	[sflag:s18] =	ssyncadd.s32 $0xFFFFF800;
	[dreg:$0x13] =	wrdreg s16  }
0x28: {  	[spmem:s16], [sflag:s7] =	dma.local [hbm:s5], $0x800  }
0x29: {  	_ =	swait.ge [sflag:s18], $0x800  }
0x2a: {  	s17 =	rddreg [dreg:$0x8]  }
0x2b: {  	[sflag:s18] =	ssyncset.done $0x0;
	s16 =	sshrl.u32 s17, $0x3  }
0x2c: {  	[sflag:s18] =	ssyncadd.s32 $0xFFFFF800;
	[dreg:$0x14] =	wrdreg s16  }
0x2d: {  	[spmem:s16], [sflag:s7] =	dma.local [hbm:s5], $0x800  }
0x2e: {  	_ =	swait.ge [sflag:s18], $0x800  }
0x2f: {  	s17 =	rddreg [dreg:$0x9]  }
0x30: {  	[sflag:s18] =	ssyncset.done $0x0;
	s16 =	sshrl.u32 s17, $0x3  }
0x31: {  	[sflag:s18] =	ssyncadd.s32 $0xFFFFF800;
	[dreg:$0x15] =	wrdreg s16  }
0x32: {  	[spmem:s16], [sflag:s7] =	dma.local [hbm:s5], $0x800  }
0x33: {  	_ =	swait.ge [sflag:s18], $0x800  }
0x34: {  	s17 =	rddreg [dreg:$0xa]  }
0x35: {  	[sflag:s18] =	ssyncset.done $0x0;
	s16 =	sshrl.u32 s17, $0x3  }
0x36: {  	[sflag:s18] =	ssyncadd.s32 $0xFFFFF800;
	[dreg:$0x16] =	wrdreg s16  }
0x37: {  	[spmem:s16], [sflag:s7] =	dma.local [hbm:s5], $0x800  }
0x38: {  	_ =	swait.ge [sflag:s18], $0x800  }
0x39: {  	[sflag:s18] =	ssyncset.done $0x0  }
0x3a: {  	[sflag:s18] =	ssyncadd.s32 $0xFFFFF800  }
0x3b: {  	[bflag:$0x0] =	sbarrier.arrive $0xFFFF  }
0x3c: {  	s17 =	rddreg [dreg:$0x3]  }
0x3d: {  	s17 =	sadd.s32 $0x0, s17  }
0x3e: {  	[tilespmem:s19], [sflag:$0x5] =	stream.linear.gather [hbm4b:s17+s2], $0x400, $0x38;
	[tilespmem:$0x1C800] =	vst v63  }
0x3f: {  	_ =	swait.ge [sflag:s18], $0x400  }
0x40: {  	s16 =	rddreg [dreg:$0x4];
	[sflag:s18] =	ssyncset.done $0x0  }
0x41: {  	[sflag:s18] =	ssyncadd.s32 $0xFFFFFC00;
	s17 =	sadd.s32 $0x0, s16  }
0x42: {  	[tilespmem:s20], [sflag:$0x5] =	stream.linear.gather [hbm4b:s17+s2], $0x400, $0x38;
	[tilespmem:$0x1C800] =	vst v63  }
0x43: {  	_ =	swait.ge [sflag:s18], $0x400  }
0x44: {  	[sflag:s18] =	ssyncset.done $0x0  }
0x45: {  	[sflag:s18] =	ssyncadd.s32 $0xFFFFFC00  }
0x46: {  	[tilespmem:s22], [sflag:$0x1] =	stream.indirect.gather [hbm4b:s4+s21], $0x80, s19, s21, $0xb8;
	[tilespmem:$0x1C800] =	vst v63  }
0x47: {  	_ = 	snop  }
0x48: {  	[tilespmem:s24], [sflag:$0x2] =	stream.indirect.gather [hbm4b:s4+s21], $0x80, s23, s21, $0xb8;
	[tilespmem:$0x1C800] =	vst v63  }
0x49: {  	_ =	swait.ge [sflag:s25], $0x3E80  }
0x4a: {  	[sflag:s25] =	ssyncset.done $0x0  }
0x4b: {  	[sflag:s25] =	ssyncadd.s32 $0xFFFFC180  }
0x4c: {  	[spmem:s1] =	stream.indirect.scatter.add.f32 [tilespmem:s22], [sflag:$0x3], $0x80, s20, s21, $0xb8;
	[tilespmem:$0x1C800] =	vst v63  }
0x4d: {  	_ =	swait.ge [sflag:s26], $0x3E80  }
0x4e: {  	[sflag:s26] =	ssyncset.done $0x0  }
0x4f: {  	[sflag:s26] =	ssyncadd.s32 $0xFFFFC180  }
0x50: {  	[tilespmem:s22], [sflag:$0x1] =	stream.indirect.gather [hbm4b:s4+s21], $0x80, s28, s21, $0xb8;
	[tilespmem:$0x1C800] =	vst v63  }
0x51: {  	_ =	swait.ge [sflag:s29], $0x3E80  }
0x52: {  	[sflag:s29] =	ssyncset.done $0x0  }
0x53: {  	[sflag:s29] =	ssyncadd.s32 $0xFFFFC180  }
0x54: {  	[spmem:s1] =	stream.indirect.scatter.add.f32 [tilespmem:s24], [sflag:$0x4], $0x80, s30, s21, $0xb8;
	[tilespmem:$0x1C800] =	vst v63  }
0x55: {  	_ =	swait.ge [sflag:s31], $0x3E80  }
0x56: {  	[sflag:s31] =	ssyncset.done $0x0  }
0x57: {  	[sflag:s31] =	ssyncadd.s32 $0xFFFFC180  }
0x58: {  	[tilespmem:s24], [sflag:$0x2] =	stream.indirect.gather [hbm4b:s4+s21], $0x80, s0, s21, $0xb8;
	[tilespmem:$0x1C800] =	vst v63  }
0x59: {  	_ =	swait.ge [sflag:s25], $0x3E80  }
0x5a: {  	[sflag:s25] =	ssyncset.done $0x0  }
0x5b: {  	[sflag:s25] =	ssyncadd.s32 $0xFFFFC180  }
0x5c: {  	[spmem:s1] =	stream.indirect.scatter.add.f32 [tilespmem:s22], [sflag:$0x3], $0x80, s3, s21, $0xb8;
	[tilespmem:$0x1C800] =	vst v63  }
0x5d: {  	_ =	swait.ge [sflag:s26], $0x3E80  }
0x5e: {  	[sflag:s26] =	ssyncset.done $0x0  }
0x5f: {  	[sflag:s26] =	ssyncadd.s32 $0xFFFFC180  }
0x60: {  	[tilespmem:s22], [sflag:$0x1] =	stream.indirect.gather [hbm4b:s4+s21], $0x80, s6, s21, $0xb8;
	[tilespmem:$0x1C800] =	vst v63  }
0x61: {  	_ =	swait.ge [sflag:s29], $0x3E80  }
0x62: {  	[sflag:s29] =	ssyncset.done $0x0  }
0x63: {  	[sflag:s29] =	ssyncadd.s32 $0xFFFFC180  }
0x64: {  	[spmem:s1] =	stream.indirect.scatter.add.f32 [tilespmem:s24], [sflag:$0x4], $0x80, s8, s21, $0xb8;
	[tilespmem:$0x1C800] =	vst v63  }
0x65: {  	_ =	swait.ge [sflag:s31], $0x3E80  }
0x66: {  	[sflag:s31] =	ssyncset.done $0x0  }
0x67: {  	[sflag:s31] =	ssyncadd.s32 $0xFFFFC180  }
0x68: {  	[tilespmem:s24], [sflag:$0x2] =	stream.indirect.gather [hbm4b:s4+s21], $0x80, s9, s21, $0xb8;
	[tilespmem:$0x1C800] =	vst v63  }
0x69: {  	_ =	swait.ge [sflag:s25], $0x3E80  }
0x6a: {  	[sflag:s25] =	ssyncset.done $0x0  }
0x6b: {  	[sflag:s25] =	ssyncadd.s32 $0xFFFFC180  }
0x6c: {  	[spmem:s1] =	stream.indirect.scatter.add.f32 [tilespmem:s22], [sflag:$0x3], $0x80, s10, s21, $0xb8;
	[tilespmem:$0x1C800] =	vst v63  }
0x6d: {  	_ =	swait.ge [sflag:s26], $0x3E80  }
0x6e: {  	[sflag:s26] =	ssyncset.done $0x0  }
0x6f: {  	[sflag:s26] =	ssyncadd.s32 $0xFFFFC180  }
0x70: {  	[tilespmem:s22], [sflag:$0x1] =	stream.indirect.gather [hbm4b:s4+s21], $0x80, s11, s21, $0xb8;
	[tilespmem:$0x1C800] =	vst v63  }
0x71: {  	_ =	swait.ge [sflag:s29], $0x3E80  }
0x72: {  	[sflag:s29] =	ssyncset.done $0x0  }
0x73: {  	[sflag:s29] =	ssyncadd.s32 $0xFFFFC180  }
0x74: {  	[spmem:s1] =	stream.indirect.scatter.add.f32 [tilespmem:s24], [sflag:$0x4], $0x80, s12, s21, $0xb8;
	[tilespmem:$0x1C800] =	vst v63  }
0x75: {  	_ =	swait.ge [sflag:s31], $0x3E80  }
0x76: {  	[sflag:s31] =	ssyncset.done $0x0  }
0x77: {  	[sflag:s31] =	ssyncadd.s32 $0xFFFFC180  }
0x78: {  	[tilespmem:s24], [sflag:$0x2] =	stream.indirect.gather [hbm4b:s4+s21], $0x80, s13, s21, $0xb8;
	[tilespmem:$0x1C800] =	vst v63  }
0x79: {  	_ =	swait.ge [sflag:s25], $0x3E80  }
0x7a: {  	[sflag:s25] =	ssyncset.done $0x0  }
0x7b: {  	[sflag:s25] =	ssyncadd.s32 $0xFFFFC180  }
0x7c: {  	[spmem:s1] =	stream.indirect.scatter.add.f32 [tilespmem:s22], [sflag:$0x3], $0x80, s14, s21, $0xb8;
	[tilespmem:$0x1C800] =	vst v63  }
0x7d: {  	_ =	swait.ge [sflag:s29], $0x3E80  }
0x7e: {  	[sflag:s29] =	ssyncset.done $0x0  }
0x7f: {  	[sflag:s29] =	ssyncadd.s32 $0xFFFFC180  }
0x80: {  	[spmem:s1] =	stream.indirect.scatter.add.f32 [tilespmem:s24], [sflag:$0x4], $0x80, s15, s21, $0xb8;
	[tilespmem:$0x1C800] =	vst v63  }
0x81: {  	_ =	swait.ge [sflag:s26], $0x3E80  }
0x82: {  	[sflag:s26] =	ssyncset.done $0x0  }
0x83: {  	[sflag:s26] =	ssyncadd.s32 $0xFFFFC180  }
0x84: {  	_ =	swait.ge [sflag:s31], $0x3E80  }
0x85: {  	s17 =	simm.s32 $0x80;
	[sflag:s31] =	ssyncset.done $0x0  }
.LBB2_2:
0x86: {  	s5 =	rddreg [dreg:$0x3];
	s16 =	smov.u32 s17  }
0x87: {  	[sflag:s31] =	ssyncadd.s32 $0xFFFFC180;
	s5 =	sadd.s32 s16, s5  }
0x88: {  	[tilespmem:s19], [sflag:$0x5] =	stream.linear.gather [hbm4b:s5+s2], $0x400, $0x38;
	[tilespmem:$0x1C800] =	vst v63  }
0x89: {  	_ =	swait.ge [sflag:s18], $0x400  }
0x8a: {  	s5 =	rddreg [dreg:$0x4];
	[sflag:s18] =	ssyncset.done $0x0  }
0x8b: {  	[sflag:s18] =	ssyncadd.s32 $0xFFFFFC00;
	s5 =	sadd.s32 s16, s5  }
0x8c: {  	[tilespmem:s20], [sflag:$0x5] =	stream.linear.gather [hbm4b:s5+s2], $0x400, $0x38;
	[tilespmem:$0x1C800] =	vst v63  }
0x8d: {  	_ =	swait.ge [sflag:s18], $0x400  }
0x8e: {  	[sflag:s18] =	ssyncset.done $0x0  }
0x8f: {  	[sflag:s18] =	ssyncadd.s32 $0xFFFFFC00  }
0x90: {  	[tilespmem:s22], [sflag:$0x1] =	stream.indirect.gather [hbm4b:s4+s21], $0x80, s19, s21, $0xb8;
	[tilespmem:$0x1C800] =	vst v63  }
0x91: {  	_ = 	snop  }
0x92: {  	[tilespmem:s24], [sflag:$0x2] =	stream.indirect.gather [hbm4b:s4+s21], $0x80, s23, s21, $0xb8;
	[tilespmem:$0x1C800] =	vst v63  }
0x93: {  	_ =	swait.ge [sflag:s25], $0x3E80  }
0x94: {  	[sflag:s25] =	ssyncset.done $0x0  }
0x95: {  	[sflag:s25] =	ssyncadd.s32 $0xFFFFC180  }
0x96: {  	[spmem:s1] =	stream.indirect.scatter.add.f32 [tilespmem:s22], [sflag:$0x3], $0x80, s20, s21, $0xb8;
	[tilespmem:$0x1C800] =	vst v63  }
0x97: {  	_ =	swait.ge [sflag:s26], $0x3E80  }
0x98: {  	[sflag:s26] =	ssyncset.done $0x0  }
0x99: {  	[sflag:s26] =	ssyncadd.s32 $0xFFFFC180  }
0x9a: {  	[tilespmem:s22], [sflag:$0x1] =	stream.indirect.gather [hbm4b:s4+s21], $0x80, s28, s21, $0xb8;
	[tilespmem:$0x1C800] =	vst v63  }
0x9b: {  	_ =	swait.ge [sflag:s29], $0x3E80  }
0x9c: {  	[sflag:s29] =	ssyncset.done $0x0  }
0x9d: {  	[sflag:s29] =	ssyncadd.s32 $0xFFFFC180  }
0x9e: {  	[spmem:s1] =	stream.indirect.scatter.add.f32 [tilespmem:s24], [sflag:$0x4], $0x80, s30, s21, $0xb8;
	[tilespmem:$0x1C800] =	vst v63  }
0x9f: {  	_ =	swait.ge [sflag:s31], $0x3E80  }
0xa0: {  	[sflag:s31] =	ssyncset.done $0x0  }
0xa1: {  	[sflag:s31] =	ssyncadd.s32 $0xFFFFC180  }
0xa2: {  	[tilespmem:s24], [sflag:$0x2] =	stream.indirect.gather [hbm4b:s4+s21], $0x80, s0, s21, $0xb8;
	[tilespmem:$0x1C800] =	vst v63  }
0xa3: {  	_ =	swait.ge [sflag:s25], $0x3E80  }
0xa4: {  	[sflag:s25] =	ssyncset.done $0x0  }
0xa5: {  	[sflag:s25] =	ssyncadd.s32 $0xFFFFC180  }
0xa6: {  	[spmem:s1] =	stream.indirect.scatter.add.f32 [tilespmem:s22], [sflag:$0x3], $0x80, s3, s21, $0xb8;
	[tilespmem:$0x1C800] =	vst v63  }
0xa7: {  	_ =	swait.ge [sflag:s26], $0x3E80  }
0xa8: {  	[sflag:s26] =	ssyncset.done $0x0  }
0xa9: {  	[sflag:s26] =	ssyncadd.s32 $0xFFFFC180  }
0xaa: {  	[tilespmem:s22], [sflag:$0x1] =	stream.indirect.gather [hbm4b:s4+s21], $0x80, s6, s21, $0xb8;
	[tilespmem:$0x1C800] =	vst v63  }
0xab: {  	_ =	swait.ge [sflag:s29], $0x3E80  }
0xac: {  	[sflag:s29] =	ssyncset.done $0x0  }
0xad: {  	[sflag:s29] =	ssyncadd.s32 $0xFFFFC180  }
0xae: {  	[spmem:s1] =	stream.indirect.scatter.add.f32 [tilespmem:s24], [sflag:$0x4], $0x80, s8, s21, $0xb8;
	[tilespmem:$0x1C800] =	vst v63  }
0xaf: {  	_ =	swait.ge [sflag:s31], $0x3E80  }
0xb0: {  	[sflag:s31] =	ssyncset.done $0x0  }
0xb1: {  	[sflag:s31] =	ssyncadd.s32 $0xFFFFC180  }
0xb2: {  	[tilespmem:s24], [sflag:$0x2] =	stream.indirect.gather [hbm4b:s4+s21], $0x80, s9, s21, $0xb8;
	[tilespmem:$0x1C800] =	vst v63  }
0xb3: {  	_ =	swait.ge [sflag:s25], $0x3E80  }
0xb4: {  	[sflag:s25] =	ssyncset.done $0x0  }
0xb5: {  	[sflag:s25] =	ssyncadd.s32 $0xFFFFC180  }
0xb6: {  	[spmem:s1] =	stream.indirect.scatter.add.f32 [tilespmem:s22], [sflag:$0x3], $0x80, s10, s21, $0xb8;
	[tilespmem:$0x1C800] =	vst v63  }
0xb7: {  	_ =	swait.ge [sflag:s26], $0x3E80  }
0xb8: {  	[sflag:s26] =	ssyncset.done $0x0  }
0xb9: {  	[sflag:s26] =	ssyncadd.s32 $0xFFFFC180  }
0xba: {  	[tilespmem:s22], [sflag:$0x1] =	stream.indirect.gather [hbm4b:s4+s21], $0x80, s11, s21, $0xb8;
	[tilespmem:$0x1C800] =	vst v63  }
0xbb: {  	_ =	swait.ge [sflag:s29], $0x3E80  }
0xbc: {  	[sflag:s29] =	ssyncset.done $0x0  }
0xbd: {  	[sflag:s29] =	ssyncadd.s32 $0xFFFFC180  }
0xbe: {  	[spmem:s1] =	stream.indirect.scatter.add.f32 [tilespmem:s24], [sflag:$0x4], $0x80, s12, s21, $0xb8;
	[tilespmem:$0x1C800] =	vst v63  }
0xbf: {  	_ =	swait.ge [sflag:s31], $0x3E80  }
0xc0: {  	[sflag:s31] =	ssyncset.done $0x0  }
0xc1: {  	[sflag:s31] =	ssyncadd.s32 $0xFFFFC180  }
0xc2: {  	[tilespmem:s24], [sflag:$0x2] =	stream.indirect.gather [hbm4b:s4+s21], $0x80, s13, s21, $0xb8;
	[tilespmem:$0x1C800] =	vst v63  }
0xc3: {  	_ =	swait.ge [sflag:s25], $0x3E80  }
0xc4: {  	[sflag:s25] =	ssyncset.done $0x0  }
0xc5: {  	[sflag:s25] =	ssyncadd.s32 $0xFFFFC180  }
0xc6: {  	[spmem:s1] =	stream.indirect.scatter.add.f32 [tilespmem:s22], [sflag:$0x3], $0x80, s14, s21, $0xb8;
	[tilespmem:$0x1C800] =	vst v63  }
0xc7: {  	_ =	swait.ge [sflag:s29], $0x3E80  }
0xc8: {  	[sflag:s29] =	ssyncset.done $0x0  }
0xc9: {  	p0 =	sne.s32 s17, $0x480;
	[sflag:s29] =	ssyncadd.s32 $0xFFFFC180  }
0xca: {  	[spmem:s1] =	stream.indirect.scatter.add.f32 [tilespmem:s24], [sflag:$0x4], $0x80, s15, s21, $0xb8;
	[tilespmem:$0x1C800] =	vst v63  }
.Ltmp0:
0xcb: {  	_ =	swait.ge [sflag:s26], $0x3E80;
	(pc) =	sbr.rel @p0 .LBB2_2-.Ltmp0, $4  }
0xcc: {  	[sflag:s26] =	ssyncset.done $0x0  }
0xcd: {  	[sflag:s26] =	ssyncadd.s32 $0xFFFFC180  }
0xce: {  	_ =	swait.ge [sflag:s31], $0x3E80  }
0xcf: {  	s17 =	sadd.s32 $0x80, s17;
	[sflag:s31] =	ssyncset.done $0x0  }
0xd0: {  	[sflag:s31] =	ssyncadd.s32 $0xFFFFC180  }
0xd1: {  	[bflag:$0x0] =	sbarrier.arrive $0xFFFF  }
0xd2: {  	s5 =	rddreg [dreg:$0xb]  }
0xd3: {  	s16 =	rddreg [dreg:$0x12]  }
0xd4: {  	[hbm:s5], [sflag:s7] =	dma.local [spmem:s16], $0x800  }
0xd5: {  	_ =	swait.ge [sflag:s18], $0x800  }
0xd6: {  	[sflag:s18] =	ssyncset.done $0x0;
	s16 =	rddreg [dreg:$0xc]  }
0xd7: {  	s17 =	rddreg [dreg:$0x13];
	[sflag:s18] =	ssyncadd.s32 $0xFFFFF800  }
0xd8: {  	[hbm:s16], [sflag:s7] =	dma.local [spmem:s17], $0x800  }
0xd9: {  	_ =	swait.ge [sflag:s18], $0x800  }
0xda: {  	[sflag:s18] =	ssyncset.done $0x0;
	s16 =	rddreg [dreg:$0xd]  }
0xdb: {  	s17 =	rddreg [dreg:$0x14];
	[sflag:s18] =	ssyncadd.s32 $0xFFFFF800  }
0xdc: {  	[hbm:s16], [sflag:s7] =	dma.local [spmem:s17], $0x800  }
0xdd: {  	_ =	swait.ge [sflag:s18], $0x800  }
0xde: {  	[sflag:s18] =	ssyncset.done $0x0;
	s16 =	rddreg [dreg:$0xe]  }
0xdf: {  	s17 =	rddreg [dreg:$0x15];
	[sflag:s18] =	ssyncadd.s32 $0xFFFFF800  }
0xe0: {  	[hbm:s16], [sflag:s7] =	dma.local [spmem:s17], $0x800  }
0xe1: {  	_ =	swait.ge [sflag:s18], $0x800  }
0xe2: {  	[sflag:s18] =	ssyncset.done $0x0;
	s16 =	rddreg [dreg:$0xf]  }
0xe3: {  	s17 =	rddreg [dreg:$0x16];
	[sflag:s18] =	ssyncadd.s32 $0xFFFFF800  }
0xe4: {  	[hbm:s16], [sflag:s7] =	dma.local [spmem:s17], $0x800  }
0xe5: {  	_ =	swait.ge [sflag:s18], $0x800  }
0xe6: {  	s5 =	rddreg [dreg:$0x11]  }
0xe7: {  	s17 =	rddreg [dreg:$0x10];
	s16 =	sadd.s32 $0x1, s5  }
0xe8: {  	p0 =	sne.s32 s16, s17  }
.Ltmp1:
0xe9: {  	_ = 	snop;
	(pc) =	sbr.rel @p0 .LBB2_1-.Ltmp1, $3  }
0xea: {  	_ =	sdelay $0x1  }
0xeb: {  	[sflag:s18] =	ssyncset.done $0x0  }
0xec: {  	[sflag:s18] =	ssyncadd.s32 $0xFFFFF800  }
0xed: {  	_ =	sfence.sel $0x180000  }
0xee: {  	[bflag:$0x0] =	sbarrier.arrive $0xFFFF  }
0xef: {  	_ =	strace $0x9000004A  }
0xf0: {  	s0 =	stileid.u32;
	[bflag:$0x2] =	sbarrier.arrive $0xFFFF  }
0xf1: {  	p0 =	sne.s32 s0, $0x0;
	s0 =	rddreg [dreg:$0x2]  }
0xf2: {  	s0 =	sadd.s32 @!p0 $0x100000, s0  }
0xf3: {  	[sflag:s0] =	ssyncadd.tile.s32 @!p0 $0x1;
	_ =	shalt  }
.Lfunc_end2:
_tile_overlayer_lowered:
.L_overlay_start_2:
0xf4: {  	(tag) =	ssettag $0x2  }
0xf5: {  	s0 =	rddreg [dreg:$0x0];
	s2 =	stileid.u32  }
0xf6: {  	s1 =	rddreg [dreg:$0x1];
	p0 =	sne.s32 s2, $0x0  }
0xf7: {  	s3 =	rddreg [dreg:$0x2];
	[bflag:$0x3] =	sbarrier.arrive $0xFFFF;
	s2 =	simm.s32 @!p0 $0x1C05  }
0xf8: {  	[timem:s3], [sflag:s2] =	dma.local @!p0 [hbm:s0], s1  }
0xf9: {  	s0 =	simm.s32 @!p0 $0x5  }
0xfa: {  	_ =	swait.ge @!p0 [sflag:s0], s1  }
0xfb: {  	s1 =	ssub.s32 @!p0 $0x0, s1;
	[sflag:s0] =	ssyncset.done @!p0 $0x0  }
0xfc: {  	[sflag:s0] =	ssyncadd.s32 @!p0 s1  }
0xfd: {  	[bflag:$0x3] =	sbarrier.arrive $0xFFFF  }
0xfe: {  	_ =	shalt  }

</sc_bundles>
